<compile_context>
chip_gen: v7x
topology: tpu7x:2x2x1
jax: 0.10.2.dev20260603
libtpu: 0.0.44.dev20260713+nightly
codegen_flags: <defaults>
</compile_context>

<pallas_src>
import functools

import jax
import jax.numpy as jnp
from jax import lax
from jax.experimental import pallas as pl
from jax.experimental.pallas import tpu as pltpu
from jax.experimental.pallas import tpu_sc as plsc

N = 10000
E = 160000
H = 256
HH = H // 2

NC = 2
NS = 16
EPT = E // NS
R = 40
NCHUNK = EPT // R
NPT = 624
NREM = N - NS * NPT
SUP = 2000
CPS = SUP // R
NSUP = EPT // SUP



def _mm_node_body(h_ref, w_ref, b_ref, uh_ref, vlo_ref, vhi_ref, alo_ref,
                  ahi_ref, blo_ref, bhi_ref):
    acc = jnp.dot(h_ref[...], w_ref[...], preferred_element_type=jnp.float32)
    acc = acc + b_ref[...]
    uh_ref[...] = acc[:, 0:H]
    vlo_ref[...] = acc[:, H:H + HH]
    vhi_ref[...] = acc[:, H + HH:2 * H]
    alo_ref[...] = acc[:, 2 * H:2 * H + HH]
    ahi_ref[...] = acc[:, 2 * H + HH:3 * H]
    blo_ref[...] = acc[:, 3 * H:3 * H + HH]
    bhi_ref[...] = acc[:, 3 * H + HH:4 * H]


def _mm_node(h, w_all, b_all):
    bm = 1000
    grid = (N // bm,)
    f32 = jnp.float32
    outs = (
        jax.ShapeDtypeStruct((N, H), f32),
        jax.ShapeDtypeStruct((N, HH), f32), jax.ShapeDtypeStruct((N, HH), f32),
        jax.ShapeDtypeStruct((N, HH), f32), jax.ShapeDtypeStruct((N, HH), f32),
        jax.ShapeDtypeStruct((N, HH), f32), jax.ShapeDtypeStruct((N, HH), f32),
    )
    return pl.pallas_call(
        _mm_node_body,
        grid=grid,
        in_specs=[
            pl.BlockSpec((bm, H), lambda i: (i, 0)),
            pl.BlockSpec((H, 4 * H), lambda i: (0, 0)),
            pl.BlockSpec((1, 4 * H), lambda i: (0, 0)),
        ],
        out_specs=(
            pl.BlockSpec((bm, H), lambda i: (i, 0)),
            pl.BlockSpec((bm, HH), lambda i: (i, 0)),
            pl.BlockSpec((bm, HH), lambda i: (i, 0)),
            pl.BlockSpec((bm, HH), lambda i: (i, 0)),
            pl.BlockSpec((bm, HH), lambda i: (i, 0)),
            pl.BlockSpec((bm, HH), lambda i: (i, 0)),
            pl.BlockSpec((bm, HH), lambda i: (i, 0)),
        ),
        out_shape=outs,
    )(h, w_all, b_all)


def _mm_edge_body(e_ref, w_ref, b_ref, lo_ref, hi_ref):
    acc = jnp.dot(e_ref[...], w_ref[...], preferred_element_type=jnp.float32)
    acc = acc + b_ref[...]
    lo_ref[...] = acc[:, 0:HH]
    hi_ref[...] = acc[:, HH:H]


def _mm_edge(e, cw_t, cb):
    bm = 1000
    grid = (E // bm,)
    f32 = jnp.float32
    return pl.pallas_call(
        _mm_edge_body,
        grid=grid,
        in_specs=[
            pl.BlockSpec((bm, H), lambda i: (i, 0)),
            pl.BlockSpec((H, H), lambda i: (0, 0)),
            pl.BlockSpec((1, H), lambda i: (0, 0)),
        ],
        out_specs=(
            pl.BlockSpec((bm, HH), lambda i: (i, 0)),
            pl.BlockSpec((bm, HH), lambda i: (i, 0)),
        ),
        out_shape=(jax.ShapeDtypeStruct((E, HH), f32),
                   jax.ShapeDtypeStruct((E, HH), f32)),
    )(e, cw_t, cb)



def _sc_half(src_hbm, dst_hbm, v_t, a_t, b_t, ce_t, zeros_hbm, enew_t, agg_t,
             ixs, ixd, ah_v, bh_v, ce_v, vh_v, gsem, agg_sh):
    sid = lax.axis_index("s")

    pltpu.sync_copy(zeros_hbm.at[pl.ds(sid * NPT, NPT)],
                    agg_sh.at[pl.ds(sid * NPT, NPT)])

    @pl.when(sid == NS - 1)
    def _():
        pltpu.sync_copy(zeros_hbm.at[pl.ds(NS * NPT, NREM)],
                        agg_sh.at[pl.ds(NS * NPT, NREM)])

    plsc.subcore_barrier()

    base0 = sid * EPT

    def gather_descs(gc, b):
        gbase = base0 + gc * R
        return (
            pltpu.make_async_copy(ce_t.at[pl.ds(gbase, R)], ce_v[b], gsem[b]),
            pltpu.make_async_copy(a_t.at[ixs[b]], ah_v[b], gsem[b]),
            pltpu.make_async_copy(b_t.at[ixd[b]], bh_v[b], gsem[b]),
            pltpu.make_async_copy(v_t.at[ixs[b]], vh_v[b], gsem[b]),
        )

    def load_and_fire(gc, b):
        gbase = base0 + gc * R
        pltpu.sync_copy(src_hbm.at[pl.ds(gbase, R)], ixs[b])
        pltpu.sync_copy(dst_hbm.at[pl.ds(gbase, R)], ixd[b])
        for d in gather_descs(gc, b):
            d.start()

    def wait_gathers(gc, b):
        for d in gather_descs(gc, b):
            d.wait()

    def compute(b):
        def row(r, carry2):
            for j in range(HH // 16):
                sl = pl.ds(j * 16, 16)
                en = ah_v[b][r, sl] + bh_v[b][r, sl] + ce_v[b][r, sl]
                ce_v[b][r, sl] = en
                g = 1.0 / (1.0 + jnp.exp(-en))
                vh_v[b][r, sl] = g * vh_v[b][r, sl]
            return carry2

        lax.fori_loop(0, R, row, 0, unroll=False)

    load_and_fire(0, 0)

    def pair(i2, carry2):
        for b in range(2):
            nb = 1 - b
            gc = i2 * 2 + b

            if b == 0:
                load_and_fire(gc + 1, nb)
            else:
                @pl.when(i2 < NCHUNK // 2 - 1)
                def _():
                    load_and_fire(gc + 1, nb)

            wait_gathers(gc, b)
            compute(b)

            gbase = base0 + gc * R
            pltpu.sync_copy(ce_v[b], enew_t.at[pl.ds(gbase, R)])
            pltpu.sync_copy(vh_v[b], agg_sh.at[ixd[b]], add=True)
        return carry2

    lax.fori_loop(0, NCHUNK // 2, pair, 0, unroll=False)

    plsc.subcore_barrier()
    pltpu.sync_copy(agg_sh.at[pl.ds(sid * NPT, NPT)],
                    agg_t.at[pl.ds(sid * NPT, NPT)])

    @pl.when(sid == NS - 1)
    def _():
        pltpu.sync_copy(agg_sh.at[pl.ds(NS * NPT, NREM)],
                        agg_t.at[pl.ds(NS * NPT, NREM)])


def _sc_body(src_hbm, dst_hbm, vlo, vhi, alo, ahi, blo, bhi, celo, cehi,
             zeros_hbm, enew_lo, enew_hi, agg_lo, agg_hi,
             ixs0, ixs1, ixd0, ixd1,
             ah0, ah1, bh0, bh1, ce0, ce1, vh0, vh1,
             gsem0, gsem1, agg_sh):
    cid = lax.axis_index("c")
    ixs = [ixs0, ixs1]
    ixd = [ixd0, ixd1]
    ah_v = [ah0, ah1]
    bh_v = [bh0, bh1]
    ce_v = [ce0, ce1]
    vh_v = [vh0, vh1]
    gsem = [gsem0, gsem1]

    @pl.when(cid == 0)
    def _():
        _sc_half(src_hbm, dst_hbm, vlo, alo, blo, celo, zeros_hbm, enew_lo,
                 agg_lo, ixs, ixd, ah_v, bh_v, ce_v, vh_v, gsem, agg_sh)

    @pl.when(cid == 1)
    def _():
        _sc_half(src_hbm, dst_hbm, vhi, ahi, bhi, cehi, zeros_hbm, enew_hi,
                 agg_hi, ixs, ixd, ah_v, bh_v, ce_v, vh_v, gsem, agg_sh)


def _sc_edge_stage(src, dst, vlo, vhi, alo, ahi, blo, bhi, celo, cehi, zeros):
    f32 = jnp.float32
    i32 = jnp.int32
    mesh = plsc.VectorSubcoreMesh(core_axis_name="c", subcore_axis_name="s")
    out_type = (
        jax.ShapeDtypeStruct((E, HH), f32), jax.ShapeDtypeStruct((E, HH), f32),
        jax.ShapeDtypeStruct((N, HH), f32), jax.ShapeDtypeStruct((N, HH), f32),
    )
    scratch = [
        pltpu.VMEM((R,), i32), pltpu.VMEM((R,), i32),
        pltpu.VMEM((R,), i32), pltpu.VMEM((R,), i32),
        pltpu.VMEM((R, HH), f32), pltpu.VMEM((R, HH), f32),
        pltpu.VMEM((R, HH), f32), pltpu.VMEM((R, HH), f32),
        pltpu.VMEM((R, HH), f32), pltpu.VMEM((R, HH), f32),
        pltpu.VMEM((R, HH), f32), pltpu.VMEM((R, HH), f32),
        pltpu.SemaphoreType.DMA, pltpu.SemaphoreType.DMA,
        pltpu.VMEM_SHARED((N, HH), f32),
    ]
    fn = pl.kernel(_sc_body, out_type=out_type, mesh=mesh,
                   scratch_types=scratch)
    return fn(src, dst, vlo, vhi, alo, ahi, blo, bhi, celo, cehi, zeros)



def _ln_relu_res(x, xn, w, b):
    m = jnp.mean(xn, axis=-1, keepdims=True)
    v = jnp.mean((xn - m) * (xn - m), axis=-1, keepdims=True)
    ln = (xn - m) / jnp.sqrt(v + 1e-5) * w + b
    return x + jnp.maximum(ln, 0.0)


def _h_epi_body(h_ref, uh_ref, alo_ref, ahi_ref, w_ref, b_ref, out_ref):
    hn = uh_ref[...] + jnp.concatenate([alo_ref[...], ahi_ref[...]], axis=-1)
    out_ref[...] = _ln_relu_res(h_ref[...], hn, w_ref[...], b_ref[...])


def _h_epilogue(h, uh, agg_lo, agg_hi, w, b):
    bm = 1000
    return pl.pallas_call(
        _h_epi_body,
        grid=(N // bm,),
        in_specs=[
            pl.BlockSpec((bm, H), lambda i: (i, 0)),
            pl.BlockSpec((bm, H), lambda i: (i, 0)),
            pl.BlockSpec((bm, HH), lambda i: (i, 0)),
            pl.BlockSpec((bm, HH), lambda i: (i, 0)),
            pl.BlockSpec((1, H), lambda i: (0, 0)),
            pl.BlockSpec((1, H), lambda i: (0, 0)),
        ],
        out_specs=pl.BlockSpec((bm, H), lambda i: (i, 0)),
        out_shape=jax.ShapeDtypeStruct((N, H), jnp.float32),
    )(h, uh, agg_lo, agg_hi, w, b)


def _e_epi_body(e_ref, nlo_ref, nhi_ref, w_ref, b_ref, out_ref):
    en = jnp.concatenate([nlo_ref[...], nhi_ref[...]], axis=-1)
    out_ref[...] = _ln_relu_res(e_ref[...], en, w_ref[...], b_ref[...])


def _e_epilogue(e, enew_lo, enew_hi, w, b):
    bm = 1000
    return pl.pallas_call(
        _e_epi_body,
        grid=(E // bm,),
        in_specs=[
            pl.BlockSpec((bm, H), lambda i: (i, 0)),
            pl.BlockSpec((bm, HH), lambda i: (i, 0)),
            pl.BlockSpec((bm, HH), lambda i: (i, 0)),
            pl.BlockSpec((1, H), lambda i: (0, 0)),
            pl.BlockSpec((1, H), lambda i: (0, 0)),
        ],
        out_specs=pl.BlockSpec((bm, H), lambda i: (i, 0)),
        out_shape=jax.ShapeDtypeStruct((E, H), jnp.float32),
    )(e, enew_lo, enew_hi, w, b)



def kernel(h, edge_index, e, Uw, Ub, Vw, Vb, Aw, Ab, Bw, Bb, Cw, Cb,
           ln_h_w, ln_h_b, ln_e_w, ln_e_b):
    f32 = jnp.float32
    dst = edge_index[0].astype(jnp.int32)
    src = edge_index[1].astype(jnp.int32)

    w_all = jnp.concatenate([Uw, Vw, Aw, Bw], axis=0).T
    b_all = jnp.concatenate([Ub, Vb, Ab, Bb]).reshape(1, 4 * H)

    uh, vlo, vhi, alo, ahi, blo, bhi = _mm_node(h, w_all, b_all)
    celo, cehi = _mm_edge(e, Cw.T, Cb.reshape(1, H))

    zeros = jnp.zeros((N, HH), dtype=f32)
    enew_lo, enew_hi, agg_lo, agg_hi = _sc_edge_stage(
        src, dst, vlo, vhi, alo, ahi, blo, bhi, celo, cehi, zeros)

    h_out = _h_epilogue(h, uh, agg_lo, agg_hi,
                        ln_h_w.reshape(1, H), ln_h_b.reshape(1, H))
    e_out = _e_epilogue(e, enew_lo, enew_hi,
                        ln_e_w.reshape(1, H), ln_e_b.reshape(1, H))
    return (h_out, e_out)

# --- scband reference (transcript-rebuilt; emitter-appended) ---
"""Pipeline reference for scband-agnnconv-32830730011294 (READ-ONLY COPY).

The authoritative reference and input builder live on the scoring server;
editing this copy changes nothing except your own understanding.
"""

import jax, jax.numpy as jnp
import numpy as np

N = 10000
E = 160000
H = 256


def _layer_norm(x, w, b, eps=1e-5):
    m = jnp.mean(x, axis=-1, keepdims=True)
    v = jnp.var(x, axis=-1, keepdims=True)
    return (x - m) / jnp.sqrt(v + eps) * w + b


def setup_inputs(seed: int = 0) -> dict:
    key = jax.random.key(seed)
    ks = jax.random.split(key, 16)
    h = jax.random.normal(ks[0], (N, H), dtype=jnp.float32)
    edge_index = jax.random.randint(ks[1], (2, E), 0, N, dtype=jnp.int64)
    e = jax.random.normal(ks[2], (E, H), dtype=jnp.float32)
    s = 1.0 / np.sqrt(H)
    def lin(kw, kb):
        w = jax.random.uniform(kw, (H, H), dtype=jnp.float32, minval=-s, maxval=s)
        b = jax.random.uniform(kb, (H,), dtype=jnp.float32, minval=-s, maxval=s)
        return w, b
    Uw, Ub = lin(ks[3], ks[4])
    Vw, Vb = lin(ks[5], ks[6])
    Aw, Ab = lin(ks[7], ks[8])
    Bw, Bb = lin(ks[9], ks[10])
    Cw, Cb = lin(ks[11], ks[12])
    ln_h_w = jnp.ones((H,), dtype=jnp.float32)
    ln_h_b = jnp.zeros((H,), dtype=jnp.float32)
    ln_e_w = jnp.ones((H,), dtype=jnp.float32)
    ln_e_b = jnp.zeros((H,), dtype=jnp.float32)
    return {
        "h": h, "edge_index": edge_index, "e": e,
        "Uw": Uw, "Ub": Ub, "Vw": Vw, "Vb": Vb,
        "Aw": Aw, "Ab": Ab, "Bw": Bw, "Bb": Bb,
        "Cw": Cw, "Cb": Cb,
        "ln_h_w": ln_h_w, "ln_h_b": ln_h_b,
        "ln_e_w": ln_e_w, "ln_e_b": ln_e_b,
    }


def reference(h, edge_index, e, Uw, Ub, Vw, Vb, Aw, Ab, Bw, Bb, Cw, Cb, ln_h_w, ln_h_b, ln_e_w, ln_e_b):
    h_in, e_in = h, e
    dst = edge_index[0]
    src = edge_index[1]
    Uh = h @ Uw.T + Ub
    Vh = h[src] @ Vw.T + Vb
    Ah = h @ Aw.T + Ab
    Bh = h @ Bw.T + Bb
    Ce = e @ Cw.T + Cb
    e_new = Ah[src] + Bh[dst] + Ce
    gates = jax.nn.sigmoid(e_new)
    agg = jax.ops.segment_sum(gates * Vh, dst, num_segments=h.shape[0])
    h_new = Uh + agg
    h_new = _layer_norm(h_new, ln_h_w, ln_h_b)
    e_norm = _layer_norm(e_new, ln_e_w, ln_e_b)
    h_out = h_in + jax.nn.relu(h_new)
    e_out = e_in + jax.nn.relu(e_norm)
    return (h_out, e_out)

if __name__ == "__main__":
    import jax
    _d = setup_inputs()
    print(jax.jit(kernel)(*tuple(_d.values())))

</pallas_src>

<mosaic_0001>
#map = affine_map<(d0, d1) -> (0)>
#map1 = affine_map<(d0, d1) -> (0, 0)>
module attributes {stable_mosaic.version = 14 : i64} {
  func.func @_sc_body(%arg0: i32, %arg1: i32, %arg2: memref<160000xi32, #tpu.memory_space<hbm>>, %arg3: memref<160000xi32, #tpu.memory_space<hbm>>, %arg4: memref<10000x128xf32, #tpu.memory_space<hbm>>, %arg5: memref<10000x128xf32, #tpu.memory_space<hbm>>, %arg6: memref<10000x128xf32, #tpu.memory_space<hbm>>, %arg7: memref<10000x128xf32, #tpu.memory_space<hbm>>, %arg8: memref<10000x128xf32, #tpu.memory_space<hbm>>, %arg9: memref<10000x128xf32, #tpu.memory_space<hbm>>, %arg10: memref<160000x128xf32, #tpu.memory_space<hbm>>, %arg11: memref<160000x128xf32, #tpu.memory_space<hbm>>, %arg12: memref<10000x128xf32, #tpu.memory_space<hbm>>, %arg13: memref<160000x128xf32, #tpu.memory_space<hbm>>, %arg14: memref<160000x128xf32, #tpu.memory_space<hbm>>, %arg15: memref<10000x128xf32, #tpu.memory_space<hbm>>, %arg16: memref<10000x128xf32, #tpu.memory_space<hbm>>, %arg17: memref<40xi32, #tpu.memory_space<vmem>>, %arg18: memref<40xi32, #tpu.memory_space<vmem>>, %arg19: memref<40xi32, #tpu.memory_space<vmem>>, %arg20: memref<40xi32, #tpu.memory_space<vmem>>, %arg21: memref<40x128xf32, #tpu.memory_space<vmem>>, %arg22: memref<40x128xf32, #tpu.memory_space<vmem>>, %arg23: memref<40x128xf32, #tpu.memory_space<vmem>>, %arg24: memref<40x128xf32, #tpu.memory_space<vmem>>, %arg25: memref<40x128xf32, #tpu.memory_space<vmem>>, %arg26: memref<40x128xf32, #tpu.memory_space<vmem>>, %arg27: memref<40x128xf32, #tpu.memory_space<vmem>>, %arg28: memref<40x128xf32, #tpu.memory_space<vmem>>, %arg29: memref<!tpu.dma_semaphore, #tpu.memory_space<semaphore_mem>>, %arg30: memref<!tpu.dma_semaphore, #tpu.memory_space<semaphore_mem>>, %arg31: memref<10000x128xf32, #tpu.memory_space<vmem_shared>>) attributes {dimension_semantics = [#tpu.dimension_semantics<core_parallel>, #tpu.dimension_semantics<subcore_parallel>], iteration_bounds = array<i64: 2, 16>, scalar_prefetch = 0 : i64, scratch_operands = 15 : i64, tpu.core_type = #tpu.core_type<sc_vector_subcore>, window_params = [{transform_indices = #map}, {transform_indices = #map}, {transform_indices = #map1}, {transform_indices = #map1}, {transform_indices = #map1}, {transform_indices = #map1}, {transform_indices = #map1}, {transform_indices = #map1}, {transform_indices = #map1}, {transform_indices = #map1}, {transform_indices = #map1}, {transform_indices = #map1}, {transform_indices = #map1}, {transform_indices = #map1}, {transform_indices = #map1}]} {
    %eq3A = arith.constant 0 : i32
    %eq3A_0 = arith.cmpi eq, %arg0, %eq3A : i32
    %convert_element_type3A = arith.extui %eq3A_0 : i1 to i32
    %cond3A = arith.constant 0 : i32
    %cond3A_1 = arith.cmpi ne, %convert_element_type3A, %cond3A : i32
    scf.if %cond3A_1 {
      %mul3A = arith.constant 624 : i32
      %mul3A_7 = arith.muli %arg1, %mul3A : i32
      %mul3A_8 = arith.constant 624 : i32
      %mul3A_9 = arith.muli %arg1, %mul3A_8 : i32
      "tpu.region"() ({
        %run_scoped3A = tpu.sem_alloc : memref<!tpu.dma_semaphore, #tpu.memory_space<semaphore_mem>>
        %dma_start3A_47 = arith.constant 0 : i32
        %dma_start3A_48 = tpu.memref_slice %arg31[%mul3A_9, %dma_start3A_47] : memref<10000x128xf32, #tpu.memory_space<vmem_shared>> -> memref<624x128xf32, #tpu.memory_space<vmem_shared>>
        %dma_start3A_49 = arith.constant 0 : i32
        %dma_start3A_50 = tpu.memref_slice %arg12[%mul3A_7, %dma_start3A_49] : memref<10000x128xf32, #tpu.memory_space<hbm>> -> memref<624x128xf32, #tpu.memory_space<hbm>>
        tpu.enqueue_dma source(%dma_start3A_50 : memref<624x128xf32, #tpu.memory_space<hbm>>) target(%dma_start3A_48 : memref<624x128xf32, #tpu.memory_space<vmem_shared>>) target_semaphore(%run_scoped3A : memref<!tpu.dma_semaphore, #tpu.memory_space<semaphore_mem>>)
        %dma_wait3A = arith.constant 0 : i32
        %dma_wait3A_51 = tpu.memref_slice %arg31[%mul3A_9, %dma_wait3A] : memref<10000x128xf32, #tpu.memory_space<vmem_shared>> -> memref<624x128xf32, #tpu.memory_space<vmem_shared>>
        %dma_wait3A_52 = arith.constant 0 : i32
        %dma_wait3A_53 = tpu.memref_slice %arg12[%mul3A_7, %dma_wait3A_52] : memref<10000x128xf32, #tpu.memory_space<hbm>> -> memref<624x128xf32, #tpu.memory_space<hbm>>
        tpu.wait_dma2 semaphore(%run_scoped3A : memref<!tpu.dma_semaphore, #tpu.memory_space<semaphore_mem>>) src(%dma_wait3A_53 : memref<624x128xf32, #tpu.memory_space<hbm>>) dst(%dma_wait3A_51 : memref<624x128xf32, #tpu.memory_space<vmem_shared>>)
        tpu.yield
      }) : () -> ()
      %eq3A_10 = arith.constant 15 : i32
      %eq3A_11 = arith.cmpi eq, %arg1, %eq3A_10 : i32
      %convert_element_type3A_12 = arith.extui %eq3A_11 : i1 to i32
      %cond3A_13 = arith.constant 0 : i32
      %cond3A_14 = arith.cmpi ne, %convert_element_type3A_12, %cond3A_13 : i32
      scf.if %cond3A_14 {
        "tpu.region"() ({
          %run_scoped3A = tpu.sem_alloc : memref<!tpu.dma_semaphore, #tpu.memory_space<semaphore_mem>>
          %dma_start3A_47 = arith.constant 9984 : i32
          %dma_start3A_48 = arith.constant 0 : i32
          %dma_start3A_49 = tpu.memref_slice %arg31[%dma_start3A_47, %dma_start3A_48] : memref<10000x128xf32, #tpu.memory_space<vmem_shared>> -> memref<16x128xf32, #tpu.memory_space<vmem_shared>>
          %dma_start3A_50 = arith.constant 9984 : i32
          %dma_start3A_51 = arith.constant 0 : i32
          %dma_start3A_52 = tpu.memref_slice %arg12[%dma_start3A_50, %dma_start3A_51] : memref<10000x128xf32, #tpu.memory_space<hbm>> -> memref<16x128xf32, #tpu.memory_space<hbm>>
          tpu.enqueue_dma source(%dma_start3A_52 : memref<16x128xf32, #tpu.memory_space<hbm>>) target(%dma_start3A_49 : memref<16x128xf32, #tpu.memory_space<vmem_shared>>) target_semaphore(%run_scoped3A : memref<!tpu.dma_semaphore, #tpu.memory_space<semaphore_mem>>)
          %dma_wait3A = arith.constant 9984 : i32
          %dma_wait3A_53 = arith.constant 0 : i32
          %dma_wait3A_54 = tpu.memref_slice %arg31[%dma_wait3A, %dma_wait3A_53] : memref<10000x128xf32, #tpu.memory_space<vmem_shared>> -> memref<16x128xf32, #tpu.memory_space<vmem_shared>>
          %dma_wait3A_55 = arith.constant 9984 : i32
          %dma_wait3A_56 = arith.constant 0 : i32
          %dma_wait3A_57 = tpu.memref_slice %arg12[%dma_wait3A_55, %dma_wait3A_56] : memref<10000x128xf32, #tpu.memory_space<hbm>> -> memref<16x128xf32, #tpu.memory_space<hbm>>
          tpu.wait_dma2 semaphore(%run_scoped3A : memref<!tpu.dma_semaphore, #tpu.memory_space<semaphore_mem>>) src(%dma_wait3A_57 : memref<16x128xf32, #tpu.memory_space<hbm>>) dst(%dma_wait3A_54 : memref<16x128xf32, #tpu.memory_space<vmem_shared>>)
          tpu.yield
        }) : () -> ()
      } else {
      }
      %barrier3A = arith.constant 0 : index
      tpu.barrier barrier_id(%barrier3A)
      %mul3A_15 = arith.constant 10000 : i32
      %mul3A_16 = arith.muli %arg1, %mul3A_15 : i32
      %add3A = arith.constant 0 : i32
      %add3A_17 = arith.addi %mul3A_16, %add3A : i32
      "tpu.region"() ({
        %run_scoped3A = tpu.sem_alloc : memref<!tpu.dma_semaphore, #tpu.memory_space<semaphore_mem>>
        %dma_start3A_47 = tpu.memref_slice %arg2[%add3A_17] : memref<160000xi32, #tpu.memory_space<hbm>> -> memref<40xi32, #tpu.memory_space<hbm>>
        %dma_start3A_48 = tpu.memref_slice %arg2[%add3A_17] : memref<160000xi32, #tpu.memory_space<hbm>> -> memref<40xi32, #tpu.memory_space<hbm>>
        tpu.enqueue_dma source(%dma_start3A_48 : memref<40xi32, #tpu.memory_space<hbm>>) target(%arg17 : memref<40xi32, #tpu.memory_space<vmem>>) target_semaphore(%run_scoped3A : memref<!tpu.dma_semaphore, #tpu.memory_space<semaphore_mem>>)
        %dma_wait3A = tpu.memref_slice %arg2[%add3A_17] : memref<160000xi32, #tpu.memory_space<hbm>> -> memref<40xi32, #tpu.memory_space<hbm>>
        %dma_wait3A_49 = tpu.memref_slice %arg2[%add3A_17] : memref<160000xi32, #tpu.memory_space<hbm>> -> memref<40xi32, #tpu.memory_space<hbm>>
        tpu.wait_dma2 semaphore(%run_scoped3A : memref<!tpu.dma_semaphore, #tpu.memory_space<semaphore_mem>>) src(%dma_wait3A_49 : memref<40xi32, #tpu.memory_space<hbm>>) dst(%arg17 : memref<40xi32, #tpu.memory_space<vmem>>)
        tpu.yield
      }) : () -> ()
      "tpu.region"() ({
        %run_scoped3A = tpu.sem_alloc : memref<!tpu.dma_semaphore, #tpu.memory_space<semaphore_mem>>
        %dma_start3A_47 = tpu.memref_slice %arg3[%add3A_17] : memref<160000xi32, #tpu.memory_space<hbm>> -> memref<40xi32, #tpu.memory_space<hbm>>
        %dma_start3A_48 = tpu.memref_slice %arg3[%add3A_17] : memref<160000xi32, #tpu.memory_space<hbm>> -> memref<40xi32, #tpu.memory_space<hbm>>
        tpu.enqueue_dma source(%dma_start3A_48 : memref<40xi32, #tpu.memory_space<hbm>>) target(%arg19 : memref<40xi32, #tpu.memory_space<vmem>>) target_semaphore(%run_scoped3A : memref<!tpu.dma_semaphore, #tpu.memory_space<semaphore_mem>>)
        %dma_wait3A = tpu.memref_slice %arg3[%add3A_17] : memref<160000xi32, #tpu.memory_space<hbm>> -> memref<40xi32, #tpu.memory_space<hbm>>
        %dma_wait3A_49 = tpu.memref_slice %arg3[%add3A_17] : memref<160000xi32, #tpu.memory_space<hbm>> -> memref<40xi32, #tpu.memory_space<hbm>>
        tpu.wait_dma2 semaphore(%run_scoped3A : memref<!tpu.dma_semaphore, #tpu.memory_space<semaphore_mem>>) src(%dma_wait3A_49 : memref<40xi32, #tpu.memory_space<hbm>>) dst(%arg19 : memref<40xi32, #tpu.memory_space<vmem>>)
        tpu.yield
      }) : () -> ()
      %add3A_18 = arith.constant 0 : i32
      %add3A_19 = arith.addi %mul3A_16, %add3A_18 : i32
      %dma_start3A = arith.constant 0 : i32
      %dma_start3A_20 = tpu.memref_slice %arg10[%add3A_19, %dma_start3A] : memref<160000x128xf32, #tpu.memory_space<hbm>> -> memref<40x128xf32, #tpu.memory_space<hbm>>
      %dma_start3A_21 = arith.constant 0 : i32
      %dma_start3A_22 = tpu.memref_slice %arg10[%add3A_19, %dma_start3A_21] : memref<160000x128xf32, #tpu.memory_space<hbm>> -> memref<40x128xf32, #tpu.memory_space<hbm>>
      tpu.enqueue_dma source(%dma_start3A_22 : memref<40x128xf32, #tpu.memory_space<hbm>>) target(%arg25 : memref<40x128xf32, #tpu.memory_space<vmem>>) target_semaphore(%arg29 : memref<!tpu.dma_semaphore, #tpu.memory_space<semaphore_mem>>)
      %dma_start3A_23 = arith.constant 0 : i32
      %dma_start3A_24 = arith.constant 0 : i32
      %dma_start3A_25 = tpu.memref_slice %arg6[%dma_start3A_23, %dma_start3A_24] : memref<10000x128xf32, #tpu.memory_space<hbm>> -> memref<10000x128xf32, #tpu.memory_space<hbm>>
      tpu.enqueue_indirect_dma source(%dma_start3A_25 : memref<10000x128xf32, #tpu.memory_space<hbm>>) target(%arg21 : memref<40x128xf32, #tpu.memory_space<vmem>>) offsets(%arg17 : memref<40xi32, #tpu.memory_space<vmem>>) semaphore(%arg29 : memref<!tpu.dma_semaphore, #tpu.memory_space<semaphore_mem>>)
      %dma_start3A_26 = arith.constant 0 : i32
      %dma_start3A_27 = arith.constant 0 : i32
      %dma_start3A_28 = tpu.memref_slice %arg8[%dma_start3A_26, %dma_start3A_27] : memref<10000x128xf32, #tpu.memory_space<hbm>> -> memref<10000x128xf32, #tpu.memory_space<hbm>>
      tpu.enqueue_indirect_dma source(%dma_start3A_28 : memref<10000x128xf32, #tpu.memory_space<hbm>>) target(%arg23 : memref<40x128xf32, #tpu.memory_space<vmem>>) offsets(%arg19 : memref<40xi32, #tpu.memory_space<vmem>>) semaphore(%arg29 : memref<!tpu.dma_semaphore, #tpu.memory_space<semaphore_mem>>)
      %dma_start3A_29 = arith.constant 0 : i32
      %dma_start3A_30 = arith.constant 0 : i32
      %dma_start3A_31 = tpu.memref_slice %arg4[%dma_start3A_29, %dma_start3A_30] : memref<10000x128xf32, #tpu.memory_space<hbm>> -> memref<10000x128xf32, #tpu.memory_space<hbm>>
      tpu.enqueue_indirect_dma source(%dma_start3A_31 : memref<10000x128xf32, #tpu.memory_space<hbm>>) target(%arg27 : memref<40x128xf32, #tpu.memory_space<vmem>>) offsets(%arg17 : memref<40xi32, #tpu.memory_space<vmem>>) semaphore(%arg29 : memref<!tpu.dma_semaphore, #tpu.memory_space<semaphore_mem>>)
      %scan3A = arith.constant 0 : i32
      %scan3A_32 = arith.constant 0 : i32
      %scan3A_33 = arith.constant 125 : i32
      %scan3A_34 = arith.addi %scan3A_32, %scan3A_33 : i32
      %scan3A_35 = arith.constant 1 : i32
      scf.for %scan3A_47 = %scan3A_32 to %scan3A_34 step %scan3A_35  : i32 {
        %mul3A_48 = arith.constant 2 : i32
        %mul3A_49 = arith.muli %scan3A_47, %mul3A_48 : i32
        %add3A_50 = arith.constant 0 : i32
        %add3A_51 = arith.addi %mul3A_49, %add3A_50 : i32
        %add3A_52 = arith.constant 1 : i32
        %add3A_53 = arith.addi %add3A_51, %add3A_52 : i32
        %mul3A_54 = arith.constant 40 : i32
        %mul3A_55 = arith.muli %add3A_53, %mul3A_54 : i32
        %add3A_56 = arith.addi %mul3A_16, %mul3A_55 : i32
        "tpu.region"() ({
          %run_scoped3A = tpu.sem_alloc : memref<!tpu.dma_semaphore, #tpu.memory_space<semaphore_mem>>
          %dma_start3A_130 = tpu.memref_slice %arg2[%add3A_56] : memref<160000xi32, #tpu.memory_space<hbm>> -> memref<40xi32, #tpu.memory_space<hbm>>
          %dma_start3A_131 = tpu.memref_slice %arg2[%add3A_56] : memref<160000xi32, #tpu.memory_space<hbm>> -> memref<40xi32, #tpu.memory_space<hbm>>
          tpu.enqueue_dma source(%dma_start3A_131 : memref<40xi32, #tpu.memory_space<hbm>>) target(%arg18 : memref<40xi32, #tpu.memory_space<vmem>>) target_semaphore(%run_scoped3A : memref<!tpu.dma_semaphore, #tpu.memory_space<semaphore_mem>>)
          %dma_wait3A_132 = tpu.memref_slice %arg2[%add3A_56] : memref<160000xi32, #tpu.memory_space<hbm>> -> memref<40xi32, #tpu.memory_space<hbm>>
          %dma_wait3A_133 = tpu.memref_slice %arg2[%add3A_56] : memref<160000xi32, #tpu.memory_space<hbm>> -> memref<40xi32, #tpu.memory_space<hbm>>
          tpu.wait_dma2 semaphore(%run_scoped3A : memref<!tpu.dma_semaphore, #tpu.memory_space<semaphore_mem>>) src(%dma_wait3A_133 : memref<40xi32, #tpu.memory_space<hbm>>) dst(%arg18 : memref<40xi32, #tpu.memory_space<vmem>>)
          tpu.yield
        }) : () -> ()
        "tpu.region"() ({
          %run_scoped3A = tpu.sem_alloc : memref<!tpu.dma_semaphore, #tpu.memory_space<semaphore_mem>>
          %dma_start3A_130 = tpu.memref_slice %arg3[%add3A_56] : memref<160000xi32, #tpu.memory_space<hbm>> -> memref<40xi32, #tpu.memory_space<hbm>>
          %dma_start3A_131 = tpu.memref_slice %arg3[%add3A_56] : memref<160000xi32, #tpu.memory_space<hbm>> -> memref<40xi32, #tpu.memory_space<hbm>>
          tpu.enqueue_dma source(%dma_start3A_131 : memref<40xi32, #tpu.memory_space<hbm>>) target(%arg20 : memref<40xi32, #tpu.memory_space<vmem>>) target_semaphore(%run_scoped3A : memref<!tpu.dma_semaphore, #tpu.memory_space<semaphore_mem>>)
          %dma_wait3A_132 = tpu.memref_slice %arg3[%add3A_56] : memref<160000xi32, #tpu.memory_space<hbm>> -> memref<40xi32, #tpu.memory_space<hbm>>
          %dma_wait3A_133 = tpu.memref_slice %arg3[%add3A_56] : memref<160000xi32, #tpu.memory_space<hbm>> -> memref<40xi32, #tpu.memory_space<hbm>>
          tpu.wait_dma2 semaphore(%run_scoped3A : memref<!tpu.dma_semaphore, #tpu.memory_space<semaphore_mem>>) src(%dma_wait3A_133 : memref<40xi32, #tpu.memory_space<hbm>>) dst(%arg20 : memref<40xi32, #tpu.memory_space<vmem>>)
          tpu.yield
        }) : () -> ()
        %mul3A_57 = arith.constant 40 : i32
        %mul3A_58 = arith.muli %add3A_53, %mul3A_57 : i32
        %add3A_59 = arith.addi %mul3A_16, %mul3A_58 : i32
        %dma_start3A_60 = arith.constant 0 : i32
        %dma_start3A_61 = tpu.memref_slice %arg10[%add3A_59, %dma_start3A_60] : memref<160000x128xf32, #tpu.memory_space<hbm>> -> memref<40x128xf32, #tpu.memory_space<hbm>>
        %dma_start3A_62 = arith.constant 0 : i32
        %dma_start3A_63 = tpu.memref_slice %arg10[%add3A_59, %dma_start3A_62] : memref<160000x128xf32, #tpu.memory_space<hbm>> -> memref<40x128xf32, #tpu.memory_space<hbm>>
        tpu.enqueue_dma source(%dma_start3A_63 : memref<40x128xf32, #tpu.memory_space<hbm>>) target(%arg26 : memref<40x128xf32, #tpu.memory_space<vmem>>) target_semaphore(%arg30 : memref<!tpu.dma_semaphore, #tpu.memory_space<semaphore_mem>>)
        %dma_start3A_64 = arith.constant 0 : i32
        %dma_start3A_65 = arith.constant 0 : i32
        %dma_start3A_66 = tpu.memref_slice %arg6[%dma_start3A_64, %dma_start3A_65] : memref<10000x128xf32, #tpu.memory_space<hbm>> -> memref<10000x128xf32, #tpu.memory_space<hbm>>
        tpu.enqueue_indirect_dma source(%dma_start3A_66 : memref<10000x128xf32, #tpu.memory_space<hbm>>) target(%arg22 : memref<40x128xf32, #tpu.memory_space<vmem>>) offsets(%arg18 : memref<40xi32, #tpu.memory_space<vmem>>) semaphore(%arg30 : memref<!tpu.dma_semaphore, #tpu.memory_space<semaphore_mem>>)
        %dma_start3A_67 = arith.constant 0 : i32
        %dma_start3A_68 = arith.constant 0 : i32
        %dma_start3A_69 = tpu.memref_slice %arg8[%dma_start3A_67, %dma_start3A_68] : memref<10000x128xf32, #tpu.memory_space<hbm>> -> memref<10000x128xf32, #tpu.memory_space<hbm>>
        tpu.enqueue_indirect_dma source(%dma_start3A_69 : memref<10000x128xf32, #tpu.memory_space<hbm>>) target(%arg24 : memref<40x128xf32, #tpu.memory_space<vmem>>) offsets(%arg20 : memref<40xi32, #tpu.memory_space<vmem>>) semaphore(%arg30 : memref<!tpu.dma_semaphore, #tpu.memory_space<semaphore_mem>>)
        %dma_start3A_70 = arith.constant 0 : i32
        %dma_start3A_71 = arith.constant 0 : i32
        %dma_start3A_72 = tpu.memref_slice %arg4[%dma_start3A_70, %dma_start3A_71] : memref<10000x128xf32, #tpu.memory_space<hbm>> -> memref<10000x128xf32, #tpu.memory_space<hbm>>
        tpu.enqueue_indirect_dma source(%dma_start3A_72 : memref<10000x128xf32, #tpu.memory_space<hbm>>) target(%arg28 : memref<40x128xf32, #tpu.memory_space<vmem>>) offsets(%arg18 : memref<40xi32, #tpu.memory_space<vmem>>) semaphore(%arg30 : memref<!tpu.dma_semaphore, #tpu.memory_space<semaphore_mem>>)
        %mul3A_73 = arith.constant 40 : i32
        %mul3A_74 = arith.muli %add3A_51, %mul3A_73 : i32
        %add3A_75 = arith.addi %mul3A_16, %mul3A_74 : i32
        %dma_wait3A = arith.constant 0 : i32
        %dma_wait3A_76 = tpu.memref_slice %arg10[%add3A_75, %dma_wait3A] : memref<160000x128xf32, #tpu.memory_space<hbm>> -> memref<40x128xf32, #tpu.memory_space<hbm>>
        %dma_wait3A_77 = arith.constant 0 : i32
        %dma_wait3A_78 = tpu.memref_slice %arg10[%add3A_75, %dma_wait3A_77] : memref<160000x128xf32, #tpu.memory_space<hbm>> -> memref<40x128xf32, #tpu.memory_space<hbm>>
        tpu.wait_dma2 semaphore(%arg29 : memref<!tpu.dma_semaphore, #tpu.memory_space<semaphore_mem>>) src(%dma_wait3A_78 : memref<40x128xf32, #tpu.memory_space<hbm>>) dst(%arg25 : memref<40x128xf32, #tpu.memory_space<vmem>>)
        %dma_wait3A_79 = arith.constant 0 : i32
        %dma_wait3A_80 = arith.constant 0 : i32
        %dma_wait3A_81 = tpu.memref_slice %arg6[%dma_wait3A_79, %dma_wait3A_80] : memref<10000x128xf32, #tpu.memory_space<hbm>> -> memref<10000x128xf32, #tpu.memory_space<hbm>>
        tpu.wait_indirect_dma semaphore(%arg29 : memref<!tpu.dma_semaphore, #tpu.memory_space<semaphore_mem>>) src(%dma_wait3A_81 : memref<10000x128xf32, #tpu.memory_space<hbm>>) dst(%arg21 : memref<40x128xf32, #tpu.memory_space<vmem>>)
        %dma_wait3A_82 = arith.constant 0 : i32
        %dma_wait3A_83 = arith.constant 0 : i32
        %dma_wait3A_84 = tpu.memref_slice %arg8[%dma_wait3A_82, %dma_wait3A_83] : memref<10000x128xf32, #tpu.memory_space<hbm>> -> memref<10000x128xf32, #tpu.memory_space<hbm>>
        tpu.wait_indirect_dma semaphore(%arg29 : memref<!tpu.dma_semaphore, #tpu.memory_space<semaphore_mem>>) src(%dma_wait3A_84 : memref<10000x128xf32, #tpu.memory_space<hbm>>) dst(%arg23 : memref<40x128xf32, #tpu.memory_space<vmem>>)
        %dma_wait3A_85 = arith.constant 0 : i32
        %dma_wait3A_86 = arith.constant 0 : i32
        %dma_wait3A_87 = tpu.memref_slice %arg4[%dma_wait3A_85, %dma_wait3A_86] : memref<10000x128xf32, #tpu.memory_space<hbm>> -> memref<10000x128xf32, #tpu.memory_space<hbm>>
        tpu.wait_indirect_dma semaphore(%arg29 : memref<!tpu.dma_semaphore, #tpu.memory_space<semaphore_mem>>) src(%dma_wait3A_87 : memref<10000x128xf32, #tpu.memory_space<hbm>>) dst(%arg27 : memref<40x128xf32, #tpu.memory_space<vmem>>)
        %scan3A_88 = arith.constant 0 : i32
        %scan3A_89 = arith.constant 0 : i32
        %scan3A_90 = arith.constant 40 : i32
        %scan3A_91 = arith.addi %scan3A_89, %scan3A_90 : i32
        %scan3A_92 = arith.constant 1 : i32
        scf.for %scan3A_130 = %scan3A_89 to %scan3A_91 step %scan3A_92  : i32 {
          %get3A = arith.index_cast %scan3A_130 : i32 to index
          %get3A_131 = arith.constant 0 : index
          %get3A_132 = tpu.vector_load %arg21[%get3A, %get3A_131] {strides = array<i32>} : memref<40x128xf32, #tpu.memory_space<vmem>>, vector<1x16xf32>,
          %get3A_133 = vector.shape_cast %get3A_132 : vector<1x16xf32> to vector<16xf32>
          %get3A_134 = arith.index_cast %scan3A_130 : i32 to index
          %get3A_135 = arith.constant 0 : index
          %get3A_136 = tpu.vector_load %arg23[%get3A_134, %get3A_135] {strides = array<i32>} : memref<40x128xf32, #tpu.memory_space<vmem>>, vector<1x16xf32>,
          %get3A_137 = vector.shape_cast %get3A_136 : vector<1x16xf32> to vector<16xf32>
          %add3A_138 = arith.addf %get3A_133, %get3A_137 : vector<16xf32>
          %get3A_139 = arith.index_cast %scan3A_130 : i32 to index
          %get3A_140 = arith.constant 0 : index
          %get3A_141 = tpu.vector_load %arg25[%get3A_139, %get3A_140] {strides = array<i32>} : memref<40x128xf32, #tpu.memory_space<vmem>>, vector<1x16xf32>,
          %get3A_142 = vector.shape_cast %get3A_141 : vector<1x16xf32> to vector<16xf32>
          %add3A_143 = arith.addf %add3A_138, %get3A_142 : vector<16xf32>
          %swap3A = arith.index_cast %scan3A_130 : i32 to index
          %swap3A_144 = arith.constant 0 : index
          %swap3A_145 = tpu.vector_load %arg25[%swap3A, %swap3A_144] {strides = array<i32>} : memref<40x128xf32, #tpu.memory_space<vmem>>, vector<1x16xf32>,
          %swap3A_146 = vector.shape_cast %swap3A_145 : vector<1x16xf32> to vector<16xf32>
          %swap3A_147 = vector.shape_cast %add3A_143 : vector<16xf32> to vector<1x16xf32>
          tpu.vector_store %arg25[%swap3A, %swap3A_144], %swap3A_147 {strides = array<i32>} : memref<40x128xf32, #tpu.memory_space<vmem>>, vector<1x16xf32>,
          %neg3A = arith.constant 0.000000e+00 : f32
          %neg3A_148 = vector.broadcast %neg3A : f32 to vector<16xf32>
          %neg3A_149 = arith.subf %neg3A_148, %add3A_143 : vector<16xf32>
          %exp3A = math.exp %neg3A_149 : vector<16xf32>
          %add3A_150 = arith.constant 1.000000e+00 : f32
          %add3A_151 = vector.broadcast %add3A_150 : f32 to vector<16xf32>
          %add3A_152 = arith.addf %add3A_151, %exp3A : vector<16xf32>
          %div3A = arith.constant 1.000000e+00 : f32
          %div3A_153 = vector.broadcast %div3A : f32 to vector<16xf32>
          %div3A_154 = arith.divf %div3A_153, %add3A_152 : vector<16xf32>
          %get3A_155 = arith.index_cast %scan3A_130 : i32 to index
          %get3A_156 = arith.constant 0 : index
          %get3A_157 = tpu.vector_load %arg27[%get3A_155, %get3A_156] {strides = array<i32>} : memref<40x128xf32, #tpu.memory_space<vmem>>, vector<1x16xf32>,
          %get3A_158 = vector.shape_cast %get3A_157 : vector<1x16xf32> to vector<16xf32>
          %mul3A_159 = arith.mulf %div3A_154, %get3A_158 : vector<16xf32>
          %swap3A_160 = arith.index_cast %scan3A_130 : i32 to index
          %swap3A_161 = arith.constant 0 : index
          %swap3A_162 = tpu.vector_load %arg27[%swap3A_160, %swap3A_161] {strides = array<i32>} : memref<40x128xf32, #tpu.memory_space<vmem>>, vector<1x16xf32>,
          %swap3A_163 = vector.shape_cast %swap3A_162 : vector<1x16xf32> to vector<16xf32>
          %swap3A_164 = vector.shape_cast %mul3A_159 : vector<16xf32> to vector<1x16xf32>
          tpu.vector_store %arg27[%swap3A_160, %swap3A_161], %swap3A_164 {strides = array<i32>} : memref<40x128xf32, #tpu.memory_space<vmem>>, vector<1x16xf32>,
          %get3A_165 = arith.index_cast %scan3A_130 : i32 to index
          %get3A_166 = arith.constant 16 : index
          %get3A_167 = tpu.vector_load %arg21[%get3A_165, %get3A_166] {strides = array<i32>} : memref<40x128xf32, #tpu.memory_space<vmem>>, vector<1x16xf32>,
          %get3A_168 = vector.shape_cast %get3A_167 : vector<1x16xf32> to vector<16xf32>
          %get3A_169 = arith.index_cast %scan3A_130 : i32 to index
          %get3A_170 = arith.constant 16 : index
          %get3A_171 = tpu.vector_load %arg23[%get3A_169, %get3A_170] {strides = array<i32>} : memref<40x128xf32, #tpu.memory_space<vmem>>, vector<1x16xf32>,
          %get3A_172 = vector.shape_cast %get3A_171 : vector<1x16xf32> to vector<16xf32>
          %add3A_173 = arith.addf %get3A_168, %get3A_172 : vector<16xf32>
          %get3A_174 = arith.index_cast %scan3A_130 : i32 to index
          %get3A_175 = arith.constant 16 : index
          %get3A_176 = tpu.vector_load %arg25[%get3A_174, %get3A_175] {strides = array<i32>} : memref<40x128xf32, #tpu.memory_space<vmem>>, vector<1x16xf32>,
          %get3A_177 = vector.shape_cast %get3A_176 : vector<1x16xf32> to vector<16xf32>
          %add3A_178 = arith.addf %add3A_173, %get3A_177 : vector<16xf32>
          %swap3A_179 = arith.index_cast %scan3A_130 : i32 to index
          %swap3A_180 = arith.constant 16 : index
          %swap3A_181 = tpu.vector_load %arg25[%swap3A_179, %swap3A_180] {strides = array<i32>} : memref<40x128xf32, #tpu.memory_space<vmem>>, vector<1x16xf32>,
          %swap3A_182 = vector.shape_cast %swap3A_181 : vector<1x16xf32> to vector<16xf32>
          %swap3A_183 = vector.shape_cast %add3A_178 : vector<16xf32> to vector<1x16xf32>
          tpu.vector_store %arg25[%swap3A_179, %swap3A_180], %swap3A_183 {strides = array<i32>} : memref<40x128xf32, #tpu.memory_space<vmem>>, vector<1x16xf32>,
          %neg3A_184 = arith.constant 0.000000e+00 : f32
          %neg3A_185 = vector.broadcast %neg3A_184 : f32 to vector<16xf32>
          %neg3A_186 = arith.subf %neg3A_185, %add3A_178 : vector<16xf32>
          %exp3A_187 = math.exp %neg3A_186 : vector<16xf32>
          %add3A_188 = arith.constant 1.000000e+00 : f32
          %add3A_189 = vector.broadcast %add3A_188 : f32 to vector<16xf32>
          %add3A_190 = arith.addf %add3A_189, %exp3A_187 : vector<16xf32>
          %div3A_191 = arith.constant 1.000000e+00 : f32
          %div3A_192 = vector.broadcast %div3A_191 : f32 to vector<16xf32>
          %div3A_193 = arith.divf %div3A_192, %add3A_190 : vector<16xf32>
          %get3A_194 = arith.index_cast %scan3A_130 : i32 to index
          %get3A_195 = arith.constant 16 : index
          %get3A_196 = tpu.vector_load %arg27[%get3A_194, %get3A_195] {strides = array<i32>} : memref<40x128xf32, #tpu.memory_space<vmem>>, vector<1x16xf32>,
          %get3A_197 = vector.shape_cast %get3A_196 : vector<1x16xf32> to vector<16xf32>
          %mul3A_198 = arith.mulf %div3A_193, %get3A_197 : vector<16xf32>
          %swap3A_199 = arith.index_cast %scan3A_130 : i32 to index
          %swap3A_200 = arith.constant 16 : index
          %swap3A_201 = tpu.vector_load %arg27[%swap3A_199, %swap3A_200] {strides = array<i32>} : memref<40x128xf32, #tpu.memory_space<vmem>>, vector<1x16xf32>,
          %swap3A_202 = vector.shape_cast %swap3A_201 : vector<1x16xf32> to vector<16xf32>
          %swap3A_203 = vector.shape_cast %mul3A_198 : vector<16xf32> to vector<1x16xf32>
          tpu.vector_store %arg27[%swap3A_199, %swap3A_200], %swap3A_203 {strides = array<i32>} : memref<40x128xf32, #tpu.memory_space<vmem>>, vector<1x16xf32>,
          %get3A_204 = arith.index_cast %scan3A_130 : i32 to index
          %get3A_205 = arith.constant 32 : index
          %get3A_206 = tpu.vector_load %arg21[%get3A_204, %get3A_205] {strides = array<i32>} : memref<40x128xf32, #tpu.memory_space<vmem>>, vector<1x16xf32>,
          %get3A_207 = vector.shape_cast %get3A_206 : vector<1x16xf32> to vector<16xf32>
          %get3A_208 = arith.index_cast %scan3A_130 : i32 to index
          %get3A_209 = arith.constant 32 : index
          %get3A_210 = tpu.vector_load %arg23[%get3A_208, %get3A_209] {strides = array<i32>} : memref<40x128xf32, #tpu.memory_space<vmem>>, vector<1x16xf32>,
          %get3A_211 = vector.shape_cast %get3A_210 : vector<1x16xf32> to vector<16xf32>
          %add3A_212 = arith.addf %get3A_207, %get3A_211 : vector<16xf32>
          %get3A_213 = arith.index_cast %scan3A_130 : i32 to index
          %get3A_214 = arith.constant 32 : index
          %get3A_215 = tpu.vector_load %arg25[%get3A_213, %get3A_214] {strides = array<i32>} : memref<40x128xf32, #tpu.memory_space<vmem>>, vector<1x16xf32>,
          %get3A_216 = vector.shape_cast %get3A_215 : vector<1x16xf32> to vector<16xf32>
          %add3A_217 = arith.addf %add3A_212, %get3A_216 : vector<16xf32>
          %swap3A_218 = arith.index_cast %scan3A_130 : i32 to index
          %swap3A_219 = arith.constant 32 : index
          %swap3A_220 = tpu.vector_load %arg25[%swap3A_218, %swap3A_219] {strides = array<i32>} : memref<40x128xf32, #tpu.memory_space<vmem>>, vector<1x16xf32>,
          %swap3A_221 = vector.shape_cast %swap3A_220 : vector<1x16xf32> to vector<16xf32>
          %swap3A_222 = vector.shape_cast %add3A_217 : vector<16xf32> to vector<1x16xf32>
          tpu.vector_store %arg25[%swap3A_218, %swap3A_219], %swap3A_222 {strides = array<i32>} : memref<40x128xf32, #tpu.memory_space<vmem>>, vector<1x16xf32>,
          %neg3A_223 = arith.constant 0.000000e+00 : f32
          %neg3A_224 = vector.broadcast %neg3A_223 : f32 to vector<16xf32>
          %neg3A_225 = arith.subf %neg3A_224, %add3A_217 : vector<16xf32>
          %exp3A_226 = math.exp %neg3A_225 : vector<16xf32>
          %add3A_227 = arith.constant 1.000000e+00 : f32
          %add3A_228 = vector.broadcast %add3A_227 : f32 to vector<16xf32>
          %add3A_229 = arith.addf %add3A_228, %exp3A_226 : vector<16xf32>
          %div3A_230 = arith.constant 1.000000e+00 : f32
          %div3A_231 = vector.broadcast %div3A_230 : f32 to vector<16xf32>
          %div3A_232 = arith.divf %div3A_231, %add3A_229 : vector<16xf32>
          %get3A_233 = arith.index_cast %scan3A_130 : i32 to index
          %get3A_234 = arith.constant 32 : index
          %get3A_235 = tpu.vector_load %arg27[%get3A_233, %get3A_234] {strides = array<i32>} : memref<40x128xf32, #tpu.memory_space<vmem>>, vector<1x16xf32>,
          %get3A_236 = vector.shape_cast %get3A_235 : vector<1x16xf32> to vector<16xf32>
          %mul3A_237 = arith.mulf %div3A_232, %get3A_236 : vector<16xf32>
          %swap3A_238 = arith.index_cast %scan3A_130 : i32 to index
          %swap3A_239 = arith.constant 32 : index
          %swap3A_240 = tpu.vector_load %arg27[%swap3A_238, %swap3A_239] {strides = array<i32>} : memref<40x128xf32, #tpu.memory_space<vmem>>, vector<1x16xf32>,
          %swap3A_241 = vector.shape_cast %swap3A_240 : vector<1x16xf32> to vector<16xf32>
          %swap3A_242 = vector.shape_cast %mul3A_237 : vector<16xf32> to vector<1x16xf32>
          tpu.vector_store %arg27[%swap3A_238, %swap3A_239], %swap3A_242 {strides = array<i32>} : memref<40x128xf32, #tpu.memory_space<vmem>>, vector<1x16xf32>,
          %get3A_243 = arith.index_cast %scan3A_130 : i32 to index
          %get3A_244 = arith.constant 48 : index
          %get3A_245 = tpu.vector_load %arg21[%get3A_243, %get3A_244] {strides = array<i32>} : memref<40x128xf32, #tpu.memory_space<vmem>>, vector<1x16xf32>,
          %get3A_246 = vector.shape_cast %get3A_245 : vector<1x16xf32> to vector<16xf32>
          %get3A_247 = arith.index_cast %scan3A_130 : i32 to index
          %get3A_248 = arith.constant 48 : index
          %get3A_249 = tpu.vector_load %arg23[%get3A_247, %get3A_248] {strides = array<i32>} : memref<40x128xf32, #tpu.memory_space<vmem>>, vector<1x16xf32>,
          %get3A_250 = vector.shape_cast %get3A_249 : vector<1x16xf32> to vector<16xf32>
          %add3A_251 = arith.addf %get3A_246, %get3A_250 : vector<16xf32>
          %get3A_252 = arith.index_cast %scan3A_130 : i32 to index
          %get3A_253 = arith.constant 48 : index
          %get3A_254 = tpu.vector_load %arg25[%get3A_252, %get3A_253] {strides = array<i32>} : memref<40x128xf32, #tpu.memory_space<vmem>>, vector<1x16xf32>,
          %get3A_255 = vector.shape_cast %get3A_254 : vector<1x16xf32> to vector<16xf32>
          %add3A_256 = arith.addf %add3A_251, %get3A_255 : vector<16xf32>
          %swap3A_257 = arith.index_cast %scan3A_130 : i32 to index
          %swap3A_258 = arith.constant 48 : index
          %swap3A_259 = tpu.vector_load %arg25[%swap3A_257, %swap3A_258] {strides = array<i32>} : memref<40x128xf32, #tpu.memory_space<vmem>>, vector<1x16xf32>,
          %swap3A_260 = vector.shape_cast %swap3A_259 : vector<1x16xf32> to vector<16xf32>
          %swap3A_261 = vector.shape_cast %add3A_256 : vector<16xf32> to vector<1x16xf32>
          tpu.vector_store %arg25[%swap3A_257, %swap3A_258], %swap3A_261 {strides = array<i32>} : memref<40x128xf32, #tpu.memory_space<vmem>>, vector<1x16xf32>,
          %neg3A_262 = arith.constant 0.000000e+00 : f32
          %neg3A_263 = vector.broadcast %neg3A_262 : f32 to vector<16xf32>
          %neg3A_264 = arith.subf %neg3A_263, %add3A_256 : vector<16xf32>
          %exp3A_265 = math.exp %neg3A_264 : vector<16xf32>
          %add3A_266 = arith.constant 1.000000e+00 : f32
          %add3A_267 = vector.broadcast %add3A_266 : f32 to vector<16xf32>
          %add3A_268 = arith.addf %add3A_267, %exp3A_265 : vector<16xf32>
          %div3A_269 = arith.constant 1.000000e+00 : f32
          %div3A_270 = vector.broadcast %div3A_269 : f32 to vector<16xf32>
          %div3A_271 = arith.divf %div3A_270, %add3A_268 : vector<16xf32>
          %get3A_272 = arith.index_cast %scan3A_130 : i32 to index
          %get3A_273 = arith.constant 48 : index
          %get3A_274 = tpu.vector_load %arg27[%get3A_272, %get3A_273] {strides = array<i32>} : memref<40x128xf32, #tpu.memory_space<vmem>>, vector<1x16xf32>,
          %get3A_275 = vector.shape_cast %get3A_274 : vector<1x16xf32> to vector<16xf32>
          %mul3A_276 = arith.mulf %div3A_271, %get3A_275 : vector<16xf32>
          %swap3A_277 = arith.index_cast %scan3A_130 : i32 to index
          %swap3A_278 = arith.constant 48 : index
          %swap3A_279 = tpu.vector_load %arg27[%swap3A_277, %swap3A_278] {strides = array<i32>} : memref<40x128xf32, #tpu.memory_space<vmem>>, vector<1x16xf32>,
          %swap3A_280 = vector.shape_cast %swap3A_279 : vector<1x16xf32> to vector<16xf32>
          %swap3A_281 = vector.shape_cast %mul3A_276 : vector<16xf32> to vector<1x16xf32>
          tpu.vector_store %arg27[%swap3A_277, %swap3A_278], %swap3A_281 {strides = array<i32>} : memref<40x128xf32, #tpu.memory_space<vmem>>, vector<1x16xf32>,
          %get3A_282 = arith.index_cast %scan3A_130 : i32 to index
          %get3A_283 = arith.constant 64 : index
          %get3A_284 = tpu.vector_load %arg21[%get3A_282, %get3A_283] {strides = array<i32>} : memref<40x128xf32, #tpu.memory_space<vmem>>, vector<1x16xf32>,
          %get3A_285 = vector.shape_cast %get3A_284 : vector<1x16xf32> to vector<16xf32>
          %get3A_286 = arith.index_cast %scan3A_130 : i32 to index
          %get3A_287 = arith.constant 64 : index
          %get3A_288 = tpu.vector_load %arg23[%get3A_286, %get3A_287] {strides = array<i32>} : memref<40x128xf32, #tpu.memory_space<vmem>>, vector<1x16xf32>,
          %get3A_289 = vector.shape_cast %get3A_288 : vector<1x16xf32> to vector<16xf32>
          %add3A_290 = arith.addf %get3A_285, %get3A_289 : vector<16xf32>
          %get3A_291 = arith.index_cast %scan3A_130 : i32 to index
          %get3A_292 = arith.constant 64 : index
          %get3A_293 = tpu.vector_load %arg25[%get3A_291, %get3A_292] {strides = array<i32>} : memref<40x128xf32, #tpu.memory_space<vmem>>, vector<1x16xf32>,
          %get3A_294 = vector.shape_cast %get3A_293 : vector<1x16xf32> to vector<16xf32>
          %add3A_295 = arith.addf %add3A_290, %get3A_294 : vector<16xf32>
          %swap3A_296 = arith.index_cast %scan3A_130 : i32 to index
          %swap3A_297 = arith.constant 64 : index
          %swap3A_298 = tpu.vector_load %arg25[%swap3A_296, %swap3A_297] {strides = array<i32>} : memref<40x128xf32, #tpu.memory_space<vmem>>, vector<1x16xf32>,
          %swap3A_299 = vector.shape_cast %swap3A_298 : vector<1x16xf32> to vector<16xf32>
          %swap3A_300 = vector.shape_cast %add3A_295 : vector<16xf32> to vector<1x16xf32>
          tpu.vector_store %arg25[%swap3A_296, %swap3A_297], %swap3A_300 {strides = array<i32>} : memref<40x128xf32, #tpu.memory_space<vmem>>, vector<1x16xf32>,
          %neg3A_301 = arith.constant 0.000000e+00 : f32
          %neg3A_302 = vector.broadcast %neg3A_301 : f32 to vector<16xf32>
          %neg3A_303 = arith.subf %neg3A_302, %add3A_295 : vector<16xf32>
          %exp3A_304 = math.exp %neg3A_303 : vector<16xf32>
          %add3A_305 = arith.constant 1.000000e+00 : f32
          %add3A_306 = vector.broadcast %add3A_305 : f32 to vector<16xf32>
          %add3A_307 = arith.addf %add3A_306, %exp3A_304 : vector<16xf32>
          %div3A_308 = arith.constant 1.000000e+00 : f32
          %div3A_309 = vector.broadcast %div3A_308 : f32 to vector<16xf32>
          %div3A_310 = arith.divf %div3A_309, %add3A_307 : vector<16xf32>
          %get3A_311 = arith.index_cast %scan3A_130 : i32 to index
          %get3A_312 = arith.constant 64 : index
          %get3A_313 = tpu.vector_load %arg27[%get3A_311, %get3A_312] {strides = array<i32>} : memref<40x128xf32, #tpu.memory_space<vmem>>, vector<1x16xf32>,
          %get3A_314 = vector.shape_cast %get3A_313 : vector<1x16xf32> to vector<16xf32>
          %mul3A_315 = arith.mulf %div3A_310, %get3A_314 : vector<16xf32>
          %swap3A_316 = arith.index_cast %scan3A_130 : i32 to index
          %swap3A_317 = arith.constant 64 : index
          %swap3A_318 = tpu.vector_load %arg27[%swap3A_316, %swap3A_317] {strides = array<i32>} : memref<40x128xf32, #tpu.memory_space<vmem>>, vector<1x16xf32>,
          %swap3A_319 = vector.shape_cast %swap3A_318 : vector<1x16xf32> to vector<16xf32>
          %swap3A_320 = vector.shape_cast %mul3A_315 : vector<16xf32> to vector<1x16xf32>
          tpu.vector_store %arg27[%swap3A_316, %swap3A_317], %swap3A_320 {strides = array<i32>} : memref<40x128xf32, #tpu.memory_space<vmem>>, vector<1x16xf32>,
          %get3A_321 = arith.index_cast %scan3A_130 : i32 to index
          %get3A_322 = arith.constant 80 : index
          %get3A_323 = tpu.vector_load %arg21[%get3A_321, %get3A_322] {strides = array<i32>} : memref<40x128xf32, #tpu.memory_space<vmem>>, vector<1x16xf32>,
          %get3A_324 = vector.shape_cast %get3A_323 : vector<1x16xf32> to vector<16xf32>
          %get3A_325 = arith.index_cast %scan3A_130 : i32 to index
          %get3A_326 = arith.constant 80 : index
          %get3A_327 = tpu.vector_load %arg23[%get3A_325, %get3A_326] {strides = array<i32>} : memref<40x128xf32, #tpu.memory_space<vmem>>, vector<1x16xf32>,
          %get3A_328 = vector.shape_cast %get3A_327 : vector<1x16xf32> to vector<16xf32>
          %add3A_329 = arith.addf %get3A_324, %get3A_328 : vector<16xf32>
          %get3A_330 = arith.index_cast %scan3A_130 : i32 to index
          %get3A_331 = arith.constant 80 : index
          %get3A_332 = tpu.vector_load %arg25[%get3A_330, %get3A_331] {strides = array<i32>} : memref<40x128xf32, #tpu.memory_space<vmem>>, vector<1x16xf32>,
          %get3A_333 = vector.shape_cast %get3A_332 : vector<1x16xf32> to vector<16xf32>
          %add3A_334 = arith.addf %add3A_329, %get3A_333 : vector<16xf32>
          %swap3A_335 = arith.index_cast %scan3A_130 : i32 to index
          %swap3A_336 = arith.constant 80 : index
          %swap3A_337 = tpu.vector_load %arg25[%swap3A_335, %swap3A_336] {strides = array<i32>} : memref<40x128xf32, #tpu.memory_space<vmem>>, vector<1x16xf32>,
          %swap3A_338 = vector.shape_cast %swap3A_337 : vector<1x16xf32> to vector<16xf32>
          %swap3A_339 = vector.shape_cast %add3A_334 : vector<16xf32> to vector<1x16xf32>
          tpu.vector_store %arg25[%swap3A_335, %swap3A_336], %swap3A_339 {strides = array<i32>} : memref<40x128xf32, #tpu.memory_space<vmem>>, vector<1x16xf32>,
          %neg3A_340 = arith.constant 0.000000e+00 : f32
          %neg3A_341 = vector.broadcast %neg3A_340 : f32 to vector<16xf32>
          %neg3A_342 = arith.subf %neg3A_341, %add3A_334 : vector<16xf32>
          %exp3A_343 = math.exp %neg3A_342 : vector<16xf32>
          %add3A_344 = arith.constant 1.000000e+00 : f32
          %add3A_345 = vector.broadcast %add3A_344 : f32 to vector<16xf32>
          %add3A_346 = arith.addf %add3A_345, %exp3A_343 : vector<16xf32>
          %div3A_347 = arith.constant 1.000000e+00 : f32
          %div3A_348 = vector.broadcast %div3A_347 : f32 to vector<16xf32>
          %div3A_349 = arith.divf %div3A_348, %add3A_346 : vector<16xf32>
          %get3A_350 = arith.index_cast %scan3A_130 : i32 to index
          %get3A_351 = arith.constant 80 : index
          %get3A_352 = tpu.vector_load %arg27[%get3A_350, %get3A_351] {strides = array<i32>} : memref<40x128xf32, #tpu.memory_space<vmem>>, vector<1x16xf32>,
          %get3A_353 = vector.shape_cast %get3A_352 : vector<1x16xf32> to vector<16xf32>
          %mul3A_354 = arith.mulf %div3A_349, %get3A_353 : vector<16xf32>
          %swap3A_355 = arith.index_cast %scan3A_130 : i32 to index
          %swap3A_356 = arith.constant 80 : index
          %swap3A_357 = tpu.vector_load %arg27[%swap3A_355, %swap3A_356] {strides = array<i32>} : memref<40x128xf32, #tpu.memory_space<vmem>>, vector<1x16xf32>,
          %swap3A_358 = vector.shape_cast %swap3A_357 : vector<1x16xf32> to vector<16xf32>
          %swap3A_359 = vector.shape_cast %mul3A_354 : vector<16xf32> to vector<1x16xf32>
          tpu.vector_store %arg27[%swap3A_355, %swap3A_356], %swap3A_359 {strides = array<i32>} : memref<40x128xf32, #tpu.memory_space<vmem>>, vector<1x16xf32>,
          %get3A_360 = arith.index_cast %scan3A_130 : i32 to index
          %get3A_361 = arith.constant 96 : index
          %get3A_362 = tpu.vector_load %arg21[%get3A_360, %get3A_361] {strides = array<i32>} : memref<40x128xf32, #tpu.memory_space<vmem>>, vector<1x16xf32>,
          %get3A_363 = vector.shape_cast %get3A_362 : vector<1x16xf32> to vector<16xf32>
          %get3A_364 = arith.index_cast %scan3A_130 : i32 to index
          %get3A_365 = arith.constant 96 : index
          %get3A_366 = tpu.vector_load %arg23[%get3A_364, %get3A_365] {strides = array<i32>} : memref<40x128xf32, #tpu.memory_space<vmem>>, vector<1x16xf32>,
          %get3A_367 = vector.shape_cast %get3A_366 : vector<1x16xf32> to vector<16xf32>
          %add3A_368 = arith.addf %get3A_363, %get3A_367 : vector<16xf32>
          %get3A_369 = arith.index_cast %scan3A_130 : i32 to index
          %get3A_370 = arith.constant 96 : index
          %get3A_371 = tpu.vector_load %arg25[%get3A_369, %get3A_370] {strides = array<i32>} : memref<40x128xf32, #tpu.memory_space<vmem>>, vector<1x16xf32>,
          %get3A_372 = vector.shape_cast %get3A_371 : vector<1x16xf32> to vector<16xf32>
          %add3A_373 = arith.addf %add3A_368, %get3A_372 : vector<16xf32>
          %swap3A_374 = arith.index_cast %scan3A_130 : i32 to index
          %swap3A_375 = arith.constant 96 : index
          %swap3A_376 = tpu.vector_load %arg25[%swap3A_374, %swap3A_375] {strides = array<i32>} : memref<40x128xf32, #tpu.memory_space<vmem>>, vector<1x16xf32>,
          %swap3A_377 = vector.shape_cast %swap3A_376 : vector<1x16xf32> to vector<16xf32>
          %swap3A_378 = vector.shape_cast %add3A_373 : vector<16xf32> to vector<1x16xf32>
          tpu.vector_store %arg25[%swap3A_374, %swap3A_375], %swap3A_378 {strides = array<i32>} : memref<40x128xf32, #tpu.memory_space<vmem>>, vector<1x16xf32>,
          %neg3A_379 = arith.constant 0.000000e+00 : f32
          %neg3A_380 = vector.broadcast %neg3A_379 : f32 to vector<16xf32>
          %neg3A_381 = arith.subf %neg3A_380, %add3A_373 : vector<16xf32>
          %exp3A_382 = math.exp %neg3A_381 : vector<16xf32>
          %add3A_383 = arith.constant 1.000000e+00 : f32
          %add3A_384 = vector.broadcast %add3A_383 : f32 to vector<16xf32>
          %add3A_385 = arith.addf %add3A_384, %exp3A_382 : vector<16xf32>
          %div3A_386 = arith.constant 1.000000e+00 : f32
          %div3A_387 = vector.broadcast %div3A_386 : f32 to vector<16xf32>
          %div3A_388 = arith.divf %div3A_387, %add3A_385 : vector<16xf32>
          %get3A_389 = arith.index_cast %scan3A_130 : i32 to index
          %get3A_390 = arith.constant 96 : index
          %get3A_391 = tpu.vector_load %arg27[%get3A_389, %get3A_390] {strides = array<i32>} : memref<40x128xf32, #tpu.memory_space<vmem>>, vector<1x16xf32>,
          %get3A_392 = vector.shape_cast %get3A_391 : vector<1x16xf32> to vector<16xf32>
          %mul3A_393 = arith.mulf %div3A_388, %get3A_392 : vector<16xf32>
          %swap3A_394 = arith.index_cast %scan3A_130 : i32 to index
          %swap3A_395 = arith.constant 96 : index
          %swap3A_396 = tpu.vector_load %arg27[%swap3A_394, %swap3A_395] {strides = array<i32>} : memref<40x128xf32, #tpu.memory_space<vmem>>, vector<1x16xf32>,
          %swap3A_397 = vector.shape_cast %swap3A_396 : vector<1x16xf32> to vector<16xf32>
          %swap3A_398 = vector.shape_cast %mul3A_393 : vector<16xf32> to vector<1x16xf32>
          tpu.vector_store %arg27[%swap3A_394, %swap3A_395], %swap3A_398 {strides = array<i32>} : memref<40x128xf32, #tpu.memory_space<vmem>>, vector<1x16xf32>,
          %get3A_399 = arith.index_cast %scan3A_130 : i32 to index
          %get3A_400 = arith.constant 112 : index
          %get3A_401 = tpu.vector_load %arg21[%get3A_399, %get3A_400] {strides = array<i32>} : memref<40x128xf32, #tpu.memory_space<vmem>>, vector<1x16xf32>,
          %get3A_402 = vector.shape_cast %get3A_401 : vector<1x16xf32> to vector<16xf32>
          %get3A_403 = arith.index_cast %scan3A_130 : i32 to index
          %get3A_404 = arith.constant 112 : index
          %get3A_405 = tpu.vector_load %arg23[%get3A_403, %get3A_404] {strides = array<i32>} : memref<40x128xf32, #tpu.memory_space<vmem>>, vector<1x16xf32>,
          %get3A_406 = vector.shape_cast %get3A_405 : vector<1x16xf32> to vector<16xf32>
          %add3A_407 = arith.addf %get3A_402, %get3A_406 : vector<16xf32>
          %get3A_408 = arith.index_cast %scan3A_130 : i32 to index
          %get3A_409 = arith.constant 112 : index
          %get3A_410 = tpu.vector_load %arg25[%get3A_408, %get3A_409] {strides = array<i32>} : memref<40x128xf32, #tpu.memory_space<vmem>>, vector<1x16xf32>,
          %get3A_411 = vector.shape_cast %get3A_410 : vector<1x16xf32> to vector<16xf32>
          %add3A_412 = arith.addf %add3A_407, %get3A_411 : vector<16xf32>
          %swap3A_413 = arith.index_cast %scan3A_130 : i32 to index
          %swap3A_414 = arith.constant 112 : index
          %swap3A_415 = tpu.vector_load %arg25[%swap3A_413, %swap3A_414] {strides = array<i32>} : memref<40x128xf32, #tpu.memory_space<vmem>>, vector<1x16xf32>,
          %swap3A_416 = vector.shape_cast %swap3A_415 : vector<1x16xf32> to vector<16xf32>
          %swap3A_417 = vector.shape_cast %add3A_412 : vector<16xf32> to vector<1x16xf32>
          tpu.vector_store %arg25[%swap3A_413, %swap3A_414], %swap3A_417 {strides = array<i32>} : memref<40x128xf32, #tpu.memory_space<vmem>>, vector<1x16xf32>,
          %neg3A_418 = arith.constant 0.000000e+00 : f32
          %neg3A_419 = vector.broadcast %neg3A_418 : f32 to vector<16xf32>
          %neg3A_420 = arith.subf %neg3A_419, %add3A_412 : vector<16xf32>
          %exp3A_421 = math.exp %neg3A_420 : vector<16xf32>
          %add3A_422 = arith.constant 1.000000e+00 : f32
          %add3A_423 = vector.broadcast %add3A_422 : f32 to vector<16xf32>
          %add3A_424 = arith.addf %add3A_423, %exp3A_421 : vector<16xf32>
          %div3A_425 = arith.constant 1.000000e+00 : f32
          %div3A_426 = vector.broadcast %div3A_425 : f32 to vector<16xf32>
          %div3A_427 = arith.divf %div3A_426, %add3A_424 : vector<16xf32>
          %get3A_428 = arith.index_cast %scan3A_130 : i32 to index
          %get3A_429 = arith.constant 112 : index
          %get3A_430 = tpu.vector_load %arg27[%get3A_428, %get3A_429] {strides = array<i32>} : memref<40x128xf32, #tpu.memory_space<vmem>>, vector<1x16xf32>,
          %get3A_431 = vector.shape_cast %get3A_430 : vector<1x16xf32> to vector<16xf32>
          %mul3A_432 = arith.mulf %div3A_427, %get3A_431 : vector<16xf32>
          %swap3A_433 = arith.index_cast %scan3A_130 : i32 to index
          %swap3A_434 = arith.constant 112 : index
          %swap3A_435 = tpu.vector_load %arg27[%swap3A_433, %swap3A_434] {strides = array<i32>} : memref<40x128xf32, #tpu.memory_space<vmem>>, vector<1x16xf32>,
          %swap3A_436 = vector.shape_cast %swap3A_435 : vector<1x16xf32> to vector<16xf32>
          %swap3A_437 = vector.shape_cast %mul3A_432 : vector<16xf32> to vector<1x16xf32>
          tpu.vector_store %arg27[%swap3A_433, %swap3A_434], %swap3A_437 {strides = array<i32>} : memref<40x128xf32, #tpu.memory_space<vmem>>, vector<1x16xf32>,
        }
        %scan3A_93 = arith.constant 40 : i32
        %mul3A_94 = arith.constant 40 : i32
        %mul3A_95 = arith.muli %add3A_51, %mul3A_94 : i32
        %add3A_96 = arith.addi %mul3A_16, %mul3A_95 : i32
        "tpu.region"() ({
          %run_scoped3A = tpu.sem_alloc : memref<!tpu.dma_semaphore, #tpu.memory_space<semaphore_mem>>
          %dma_start3A_130 = arith.constant 0 : i32
          %dma_start3A_131 = tpu.memref_slice %arg13[%add3A_96, %dma_start3A_130] : memref<160000x128xf32, #tpu.memory_space<hbm>> -> memref<40x128xf32, #tpu.memory_space<hbm>>
          %dma_start3A_132 = arith.constant 0 : i32
          %dma_start3A_133 = tpu.memref_slice %arg13[%add3A_96, %dma_start3A_132] : memref<160000x128xf32, #tpu.memory_space<hbm>> -> memref<40x128xf32, #tpu.memory_space<hbm>>
          tpu.enqueue_dma source(%arg25 : memref<40x128xf32, #tpu.memory_space<vmem>>) target(%dma_start3A_133 : memref<40x128xf32, #tpu.memory_space<hbm>>) target_semaphore(%run_scoped3A : memref<!tpu.dma_semaphore, #tpu.memory_space<semaphore_mem>>)
          %dma_wait3A_134 = arith.constant 0 : i32
          %dma_wait3A_135 = tpu.memref_slice %arg13[%add3A_96, %dma_wait3A_134] : memref<160000x128xf32, #tpu.memory_space<hbm>> -> memref<40x128xf32, #tpu.memory_space<hbm>>
          %dma_wait3A_136 = arith.constant 0 : i32
          %dma_wait3A_137 = tpu.memref_slice %arg13[%add3A_96, %dma_wait3A_136] : memref<160000x128xf32, #tpu.memory_space<hbm>> -> memref<40x128xf32, #tpu.memory_space<hbm>>
          tpu.wait_dma2 semaphore(%run_scoped3A : memref<!tpu.dma_semaphore, #tpu.memory_space<semaphore_mem>>) src(%arg25 : memref<40x128xf32, #tpu.memory_space<vmem>>) dst(%dma_wait3A_137 : memref<40x128xf32, #tpu.memory_space<hbm>>)
          tpu.yield
        }) : () -> ()
        "tpu.region"() ({
          %run_scoped3A = tpu.sem_alloc : memref<!tpu.dma_semaphore, #tpu.memory_space<semaphore_mem>>
          %dma_start3A_130 = arith.constant 0 : i32
          %dma_start3A_131 = arith.constant 0 : i32
          %dma_start3A_132 = tpu.memref_slice %arg31[%dma_start3A_130, %dma_start3A_131] : memref<10000x128xf32, #tpu.memory_space<vmem_shared>> -> memref<10000x128xf32, #tpu.memory_space<vmem_shared>>
          tpu.enqueue_indirect_dma source(%arg27 : memref<40x128xf32, #tpu.memory_space<vmem>>) target(%dma_start3A_132 : memref<10000x128xf32, #tpu.memory_space<vmem_shared>>) offsets(%arg19 : memref<40xi32, #tpu.memory_space<vmem>>) semaphore(%run_scoped3A : memref<!tpu.dma_semaphore, #tpu.memory_space<semaphore_mem>>) {add = true}
          %dma_wait3A_133 = arith.constant 0 : i32
          %dma_wait3A_134 = arith.constant 0 : i32
          %dma_wait3A_135 = tpu.memref_slice %arg31[%dma_wait3A_133, %dma_wait3A_134] : memref<10000x128xf32, #tpu.memory_space<vmem_shared>> -> memref<10000x128xf32, #tpu.memory_space<vmem_shared>>
          tpu.wait_indirect_dma semaphore(%run_scoped3A : memref<!tpu.dma_semaphore, #tpu.memory_space<semaphore_mem>>) src(%arg27 : memref<40x128xf32, #tpu.memory_space<vmem>>) dst(%dma_wait3A_135 : memref<10000x128xf32, #tpu.memory_space<vmem_shared>>)
          tpu.yield
        }) : () -> ()
        %mul3A_97 = arith.constant 2 : i32
        %mul3A_98 = arith.muli %scan3A_47, %mul3A_97 : i32
        %add3A_99 = arith.constant 1 : i32
        %add3A_100 = arith.addi %mul3A_98, %add3A_99 : i32
        %lt3A = arith.constant 124 : i32
        %lt3A_101 = arith.cmpi slt, %scan3A_47, %lt3A : i32
        %convert_element_type3A_102 = arith.extui %lt3A_101 : i1 to i32
        %cond3A_103 = arith.constant 0 : i32
        %cond3A_104 = arith.cmpi ne, %convert_element_type3A_102, %cond3A_103 : i32
        scf.if %cond3A_104 {
          %add3A_130 = arith.constant 1 : i32
          %add3A_131 = arith.addi %add3A_100, %add3A_130 : i32
          %mul3A_132 = arith.constant 40 : i32
          %mul3A_133 = arith.muli %add3A_131, %mul3A_132 : i32
          %add3A_134 = arith.addi %mul3A_16, %mul3A_133 : i32
          "tpu.region"() ({
            %run_scoped3A = tpu.sem_alloc : memref<!tpu.dma_semaphore, #tpu.memory_space<semaphore_mem>>
            %dma_start3A_151 = tpu.memref_slice %arg2[%add3A_134] : memref<160000xi32, #tpu.memory_space<hbm>> -> memref<40xi32, #tpu.memory_space<hbm>>
            %dma_start3A_152 = tpu.memref_slice %arg2[%add3A_134] : memref<160000xi32, #tpu.memory_space<hbm>> -> memref<40xi32, #tpu.memory_space<hbm>>
            tpu.enqueue_dma source(%dma_start3A_152 : memref<40xi32, #tpu.memory_space<hbm>>) target(%arg17 : memref<40xi32, #tpu.memory_space<vmem>>) target_semaphore(%run_scoped3A : memref<!tpu.dma_semaphore, #tpu.memory_space<semaphore_mem>>)
            %dma_wait3A_153 = tpu.memref_slice %arg2[%add3A_134] : memref<160000xi32, #tpu.memory_space<hbm>> -> memref<40xi32, #tpu.memory_space<hbm>>
            %dma_wait3A_154 = tpu.memref_slice %arg2[%add3A_134] : memref<160000xi32, #tpu.memory_space<hbm>> -> memref<40xi32, #tpu.memory_space<hbm>>
            tpu.wait_dma2 semaphore(%run_scoped3A : memref<!tpu.dma_semaphore, #tpu.memory_space<semaphore_mem>>) src(%dma_wait3A_154 : memref<40xi32, #tpu.memory_space<hbm>>) dst(%arg17 : memref<40xi32, #tpu.memory_space<vmem>>)
            tpu.yield
          }) : () -> ()
          "tpu.region"() ({
            %run_scoped3A = tpu.sem_alloc : memref<!tpu.dma_semaphore, #tpu.memory_space<semaphore_mem>>
            %dma_start3A_151 = tpu.memref_slice %arg3[%add3A_134] : memref<160000xi32, #tpu.memory_space<hbm>> -> memref<40xi32, #tpu.memory_space<hbm>>
            %dma_start3A_152 = tpu.memref_slice %arg3[%add3A_134] : memref<160000xi32, #tpu.memory_space<hbm>> -> memref<40xi32, #tpu.memory_space<hbm>>
            tpu.enqueue_dma source(%dma_start3A_152 : memref<40xi32, #tpu.memory_space<hbm>>) target(%arg19 : memref<40xi32, #tpu.memory_space<vmem>>) target_semaphore(%run_scoped3A : memref<!tpu.dma_semaphore, #tpu.memory_space<semaphore_mem>>)
            %dma_wait3A_153 = tpu.memref_slice %arg3[%add3A_134] : memref<160000xi32, #tpu.memory_space<hbm>> -> memref<40xi32, #tpu.memory_space<hbm>>
            %dma_wait3A_154 = tpu.memref_slice %arg3[%add3A_134] : memref<160000xi32, #tpu.memory_space<hbm>> -> memref<40xi32, #tpu.memory_space<hbm>>
            tpu.wait_dma2 semaphore(%run_scoped3A : memref<!tpu.dma_semaphore, #tpu.memory_space<semaphore_mem>>) src(%dma_wait3A_154 : memref<40xi32, #tpu.memory_space<hbm>>) dst(%arg19 : memref<40xi32, #tpu.memory_space<vmem>>)
            tpu.yield
          }) : () -> ()
          %mul3A_135 = arith.constant 40 : i32
          %mul3A_136 = arith.muli %add3A_131, %mul3A_135 : i32
          %add3A_137 = arith.addi %mul3A_16, %mul3A_136 : i32
          %dma_start3A_138 = arith.constant 0 : i32
          %dma_start3A_139 = tpu.memref_slice %arg10[%add3A_137, %dma_start3A_138] : memref<160000x128xf32, #tpu.memory_space<hbm>> -> memref<40x128xf32, #tpu.memory_space<hbm>>
          %dma_start3A_140 = arith.constant 0 : i32
          %dma_start3A_141 = tpu.memref_slice %arg10[%add3A_137, %dma_start3A_140] : memref<160000x128xf32, #tpu.memory_space<hbm>> -> memref<40x128xf32, #tpu.memory_space<hbm>>
          tpu.enqueue_dma source(%dma_start3A_141 : memref<40x128xf32, #tpu.memory_space<hbm>>) target(%arg25 : memref<40x128xf32, #tpu.memory_space<vmem>>) target_semaphore(%arg29 : memref<!tpu.dma_semaphore, #tpu.memory_space<semaphore_mem>>)
          %dma_start3A_142 = arith.constant 0 : i32
          %dma_start3A_143 = arith.constant 0 : i32
          %dma_start3A_144 = tpu.memref_slice %arg6[%dma_start3A_142, %dma_start3A_143] : memref<10000x128xf32, #tpu.memory_space<hbm>> -> memref<10000x128xf32, #tpu.memory_space<hbm>>
          tpu.enqueue_indirect_dma source(%dma_start3A_144 : memref<10000x128xf32, #tpu.memory_space<hbm>>) target(%arg21 : memref<40x128xf32, #tpu.memory_space<vmem>>) offsets(%arg17 : memref<40xi32, #tpu.memory_space<vmem>>) semaphore(%arg29 : memref<!tpu.dma_semaphore, #tpu.memory_space<semaphore_mem>>)
          %dma_start3A_145 = arith.constant 0 : i32
          %dma_start3A_146 = arith.constant 0 : i32
          %dma_start3A_147 = tpu.memref_slice %arg8[%dma_start3A_145, %dma_start3A_146] : memref<10000x128xf32, #tpu.memory_space<hbm>> -> memref<10000x128xf32, #tpu.memory_space<hbm>>
          tpu.enqueue_indirect_dma source(%dma_start3A_147 : memref<10000x128xf32, #tpu.memory_space<hbm>>) target(%arg23 : memref<40x128xf32, #tpu.memory_space<vmem>>) offsets(%arg19 : memref<40xi32, #tpu.memory_space<vmem>>) semaphore(%arg29 : memref<!tpu.dma_semaphore, #tpu.memory_space<semaphore_mem>>)
          %dma_start3A_148 = arith.constant 0 : i32
          %dma_start3A_149 = arith.constant 0 : i32
          %dma_start3A_150 = tpu.memref_slice %arg4[%dma_start3A_148, %dma_start3A_149] : memref<10000x128xf32, #tpu.memory_space<hbm>> -> memref<10000x128xf32, #tpu.memory_space<hbm>>
          tpu.enqueue_indirect_dma source(%dma_start3A_150 : memref<10000x128xf32, #tpu.memory_space<hbm>>) target(%arg27 : memref<40x128xf32, #tpu.memory_space<vmem>>) offsets(%arg17 : memref<40xi32, #tpu.memory_space<vmem>>) semaphore(%arg29 : memref<!tpu.dma_semaphore, #tpu.memory_space<semaphore_mem>>)
        } else {
        }
        %mul3A_105 = arith.constant 40 : i32
        %mul3A_106 = arith.muli %add3A_100, %mul3A_105 : i32
        %add3A_107 = arith.addi %mul3A_16, %mul3A_106 : i32
        %dma_wait3A_108 = arith.constant 0 : i32
        %dma_wait3A_109 = tpu.memref_slice %arg10[%add3A_107, %dma_wait3A_108] : memref<160000x128xf32, #tpu.memory_space<hbm>> -> memref<40x128xf32, #tpu.memory_space<hbm>>
        %dma_wait3A_110 = arith.constant 0 : i32
        %dma_wait3A_111 = tpu.memref_slice %arg10[%add3A_107, %dma_wait3A_110] : memref<160000x128xf32, #tpu.memory_space<hbm>> -> memref<40x128xf32, #tpu.memory_space<hbm>>
        tpu.wait_dma2 semaphore(%arg30 : memref<!tpu.dma_semaphore, #tpu.memory_space<semaphore_mem>>) src(%dma_wait3A_111 : memref<40x128xf32, #tpu.memory_space<hbm>>) dst(%arg26 : memref<40x128xf32, #tpu.memory_space<vmem>>)
        %dma_wait3A_112 = arith.constant 0 : i32
        %dma_wait3A_113 = arith.constant 0 : i32
        %dma_wait3A_114 = tpu.memref_slice %arg6[%dma_wait3A_112, %dma_wait3A_113] : memref<10000x128xf32, #tpu.memory_space<hbm>> -> memref<10000x128xf32, #tpu.memory_space<hbm>>
        tpu.wait_indirect_dma semaphore(%arg30 : memref<!tpu.dma_semaphore, #tpu.memory_space<semaphore_mem>>) src(%dma_wait3A_114 : memref<10000x128xf32, #tpu.memory_space<hbm>>) dst(%arg22 : memref<40x128xf32, #tpu.memory_space<vmem>>)
        %dma_wait3A_115 = arith.constant 0 : i32
        %dma_wait3A_116 = arith.constant 0 : i32
        %dma_wait3A_117 = tpu.memref_slice %arg8[%dma_wait3A_115, %dma_wait3A_116] : memref<10000x128xf32, #tpu.memory_space<hbm>> -> memref<10000x128xf32, #tpu.memory_space<hbm>>
        tpu.wait_indirect_dma semaphore(%arg30 : memref<!tpu.dma_semaphore, #tpu.memory_space<semaphore_mem>>) src(%dma_wait3A_117 : memref<10000x128xf32, #tpu.memory_space<hbm>>) dst(%arg24 : memref<40x128xf32, #tpu.memory_space<vmem>>)
        %dma_wait3A_118 = arith.constant 0 : i32
        %dma_wait3A_119 = arith.constant 0 : i32
        %dma_wait3A_120 = tpu.memref_slice %arg4[%dma_wait3A_118, %dma_wait3A_119] : memref<10000x128xf32, #tpu.memory_space<hbm>> -> memref<10000x128xf32, #tpu.memory_space<hbm>>
        tpu.wait_indirect_dma semaphore(%arg30 : memref<!tpu.dma_semaphore, #tpu.memory_space<semaphore_mem>>) src(%dma_wait3A_120 : memref<10000x128xf32, #tpu.memory_space<hbm>>) dst(%arg28 : memref<40x128xf32, #tpu.memory_space<vmem>>)
        %scan3A_121 = arith.constant 0 : i32
        %scan3A_122 = arith.constant 0 : i32
        %scan3A_123 = arith.constant 40 : i32
        %scan3A_124 = arith.addi %scan3A_122, %scan3A_123 : i32
        %scan3A_125 = arith.constant 1 : i32
        scf.for %scan3A_130 = %scan3A_122 to %scan3A_124 step %scan3A_125  : i32 {
          %get3A = arith.index_cast %scan3A_130 : i32 to index
          %get3A_131 = arith.constant 0 : index
          %get3A_132 = tpu.vector_load %arg22[%get3A, %get3A_131] {strides = array<i32>} : memref<40x128xf32, #tpu.memory_space<vmem>>, vector<1x16xf32>,
          %get3A_133 = vector.shape_cast %get3A_132 : vector<1x16xf32> to vector<16xf32>
          %get3A_134 = arith.index_cast %scan3A_130 : i32 to index
          %get3A_135 = arith.constant 0 : index
          %get3A_136 = tpu.vector_load %arg24[%get3A_134, %get3A_135] {strides = array<i32>} : memref<40x128xf32, #tpu.memory_space<vmem>>, vector<1x16xf32>,
          %get3A_137 = vector.shape_cast %get3A_136 : vector<1x16xf32> to vector<16xf32>
          %add3A_138 = arith.addf %get3A_133, %get3A_137 : vector<16xf32>
          %get3A_139 = arith.index_cast %scan3A_130 : i32 to index
          %get3A_140 = arith.constant 0 : index
          %get3A_141 = tpu.vector_load %arg26[%get3A_139, %get3A_140] {strides = array<i32>} : memref<40x128xf32, #tpu.memory_space<vmem>>, vector<1x16xf32>,
          %get3A_142 = vector.shape_cast %get3A_141 : vector<1x16xf32> to vector<16xf32>
          %add3A_143 = arith.addf %add3A_138, %get3A_142 : vector<16xf32>
          %swap3A = arith.index_cast %scan3A_130 : i32 to index
          %swap3A_144 = arith.constant 0 : index
          %swap3A_145 = tpu.vector_load %arg26[%swap3A, %swap3A_144] {strides = array<i32>} : memref<40x128xf32, #tpu.memory_space<vmem>>, vector<1x16xf32>,
          %swap3A_146 = vector.shape_cast %swap3A_145 : vector<1x16xf32> to vector<16xf32>
          %swap3A_147 = vector.shape_cast %add3A_143 : vector<16xf32> to vector<1x16xf32>
          tpu.vector_store %arg26[%swap3A, %swap3A_144], %swap3A_147 {strides = array<i32>} : memref<40x128xf32, #tpu.memory_space<vmem>>, vector<1x16xf32>,
          %neg3A = arith.constant 0.000000e+00 : f32
          %neg3A_148 = vector.broadcast %neg3A : f32 to vector<16xf32>
          %neg3A_149 = arith.subf %neg3A_148, %add3A_143 : vector<16xf32>
          %exp3A = math.exp %neg3A_149 : vector<16xf32>
          %add3A_150 = arith.constant 1.000000e+00 : f32
          %add3A_151 = vector.broadcast %add3A_150 : f32 to vector<16xf32>
          %add3A_152 = arith.addf %add3A_151, %exp3A : vector<16xf32>
          %div3A = arith.constant 1.000000e+00 : f32
          %div3A_153 = vector.broadcast %div3A : f32 to vector<16xf32>
          %div3A_154 = arith.divf %div3A_153, %add3A_152 : vector<16xf32>
          %get3A_155 = arith.index_cast %scan3A_130 : i32 to index
          %get3A_156 = arith.constant 0 : index
          %get3A_157 = tpu.vector_load %arg28[%get3A_155, %get3A_156] {strides = array<i32>} : memref<40x128xf32, #tpu.memory_space<vmem>>, vector<1x16xf32>,
          %get3A_158 = vector.shape_cast %get3A_157 : vector<1x16xf32> to vector<16xf32>
          %mul3A_159 = arith.mulf %div3A_154, %get3A_158 : vector<16xf32>
          %swap3A_160 = arith.index_cast %scan3A_130 : i32 to index
          %swap3A_161 = arith.constant 0 : index
          %swap3A_162 = tpu.vector_load %arg28[%swap3A_160, %swap3A_161] {strides = array<i32>} : memref<40x128xf32, #tpu.memory_space<vmem>>, vector<1x16xf32>,
          %swap3A_163 = vector.shape_cast %swap3A_162 : vector<1x16xf32> to vector<16xf32>
          %swap3A_164 = vector.shape_cast %mul3A_159 : vector<16xf32> to vector<1x16xf32>
          tpu.vector_store %arg28[%swap3A_160, %swap3A_161], %swap3A_164 {strides = array<i32>} : memref<40x128xf32, #tpu.memory_space<vmem>>, vector<1x16xf32>,
          %get3A_165 = arith.index_cast %scan3A_130 : i32 to index
          %get3A_166 = arith.constant 16 : index
          %get3A_167 = tpu.vector_load %arg22[%get3A_165, %get3A_166] {strides = array<i32>} : memref<40x128xf32, #tpu.memory_space<vmem>>, vector<1x16xf32>,
          %get3A_168 = vector.shape_cast %get3A_167 : vector<1x16xf32> to vector<16xf32>
          %get3A_169 = arith.index_cast %scan3A_130 : i32 to index
          %get3A_170 = arith.constant 16 : index
          %get3A_171 = tpu.vector_load %arg24[%get3A_169, %get3A_170] {strides = array<i32>} : memref<40x128xf32, #tpu.memory_space<vmem>>, vector<1x16xf32>,
          %get3A_172 = vector.shape_cast %get3A_171 : vector<1x16xf32> to vector<16xf32>
          %add3A_173 = arith.addf %get3A_168, %get3A_172 : vector<16xf32>
          %get3A_174 = arith.index_cast %scan3A_130 : i32 to index
          %get3A_175 = arith.constant 16 : index
          %get3A_176 = tpu.vector_load %arg26[%get3A_174, %get3A_175] {strides = array<i32>} : memref<40x128xf32, #tpu.memory_space<vmem>>, vector<1x16xf32>,
          %get3A_177 = vector.shape_cast %get3A_176 : vector<1x16xf32> to vector<16xf32>
          %add3A_178 = arith.addf %add3A_173, %get3A_177 : vector<16xf32>
          %swap3A_179 = arith.index_cast %scan3A_130 : i32 to index
          %swap3A_180 = arith.constant 16 : index
          %swap3A_181 = tpu.vector_load %arg26[%swap3A_179, %swap3A_180] {strides = array<i32>} : memref<40x128xf32, #tpu.memory_space<vmem>>, vector<1x16xf32>,
          %swap3A_182 = vector.shape_cast %swap3A_181 : vector<1x16xf32> to vector<16xf32>
          %swap3A_183 = vector.shape_cast %add3A_178 : vector<16xf32> to vector<1x16xf32>
          tpu.vector_store %arg26[%swap3A_179, %swap3A_180], %swap3A_183 {strides = array<i32>} : memref<40x128xf32, #tpu.memory_space<vmem>>, vector<1x16xf32>,
          %neg3A_184 = arith.constant 0.000000e+00 : f32
          %neg3A_185 = vector.broadcast %neg3A_184 : f32 to vector<16xf32>
          %neg3A_186 = arith.subf %neg3A_185, %add3A_178 : vector<16xf32>
          %exp3A_187 = math.exp %neg3A_186 : vector<16xf32>
          %add3A_188 = arith.constant 1.000000e+00 : f32
          %add3A_189 = vector.broadcast %add3A_188 : f32 to vector<16xf32>
          %add3A_190 = arith.addf %add3A_189, %exp3A_187 : vector<16xf32>
          %div3A_191 = arith.constant 1.000000e+00 : f32
          %div3A_192 = vector.broadcast %div3A_191 : f32 to vector<16xf32>
          %div3A_193 = arith.divf %div3A_192, %add3A_190 : vector<16xf32>
          %get3A_194 = arith.index_cast %scan3A_130 : i32 to index
          %get3A_195 = arith.constant 16 : index
          %get3A_196 = tpu.vector_load %arg28[%get3A_194, %get3A_195] {strides = array<i32>} : memref<40x128xf32, #tpu.memory_space<vmem>>, vector<1x16xf32>,
          %get3A_197 = vector.shape_cast %get3A_196 : vector<1x16xf32> to vector<16xf32>
          %mul3A_198 = arith.mulf %div3A_193, %get3A_197 : vector<16xf32>
          %swap3A_199 = arith.index_cast %scan3A_130 : i32 to index
          %swap3A_200 = arith.constant 16 : index
          %swap3A_201 = tpu.vector_load %arg28[%swap3A_199, %swap3A_200] {strides = array<i32>} : memref<40x128xf32, #tpu.memory_space<vmem>>, vector<1x16xf32>,
          %swap3A_202 = vector.shape_cast %swap3A_201 : vector<1x16xf32> to vector<16xf32>
          %swap3A_203 = vector.shape_cast %mul3A_198 : vector<16xf32> to vector<1x16xf32>
          tpu.vector_store %arg28[%swap3A_199, %swap3A_200], %swap3A_203 {strides = array<i32>} : memref<40x128xf32, #tpu.memory_space<vmem>>, vector<1x16xf32>,
          %get3A_204 = arith.index_cast %scan3A_130 : i32 to index
          %get3A_205 = arith.constant 32 : index
          %get3A_206 = tpu.vector_load %arg22[%get3A_204, %get3A_205] {strides = array<i32>} : memref<40x128xf32, #tpu.memory_space<vmem>>, vector<1x16xf32>,
          %get3A_207 = vector.shape_cast %get3A_206 : vector<1x16xf32> to vector<16xf32>
          %get3A_208 = arith.index_cast %scan3A_130 : i32 to index
          %get3A_209 = arith.constant 32 : index
          %get3A_210 = tpu.vector_load %arg24[%get3A_208, %get3A_209] {strides = array<i32>} : memref<40x128xf32, #tpu.memory_space<vmem>>, vector<1x16xf32>,
          %get3A_211 = vector.shape_cast %get3A_210 : vector<1x16xf32> to vector<16xf32>
          %add3A_212 = arith.addf %get3A_207, %get3A_211 : vector<16xf32>
          %get3A_213 = arith.index_cast %scan3A_130 : i32 to index
          %get3A_214 = arith.constant 32 : index
          %get3A_215 = tpu.vector_load %arg26[%get3A_213, %get3A_214] {strides = array<i32>} : memref<40x128xf32, #tpu.memory_space<vmem>>, vector<1x16xf32>,
          %get3A_216 = vector.shape_cast %get3A_215 : vector<1x16xf32> to vector<16xf32>
          %add3A_217 = arith.addf %add3A_212, %get3A_216 : vector<16xf32>
          %swap3A_218 = arith.index_cast %scan3A_130 : i32 to index
          %swap3A_219 = arith.constant 32 : index
          %swap3A_220 = tpu.vector_load %arg26[%swap3A_218, %swap3A_219] {strides = array<i32>} : memref<40x128xf32, #tpu.memory_space<vmem>>, vector<1x16xf32>,
          %swap3A_221 = vector.shape_cast %swap3A_220 : vector<1x16xf32> to vector<16xf32>
          %swap3A_222 = vector.shape_cast %add3A_217 : vector<16xf32> to vector<1x16xf32>
          tpu.vector_store %arg26[%swap3A_218, %swap3A_219], %swap3A_222 {strides = array<i32>} : memref<40x128xf32, #tpu.memory_space<vmem>>, vector<1x16xf32>,
          %neg3A_223 = arith.constant 0.000000e+00 : f32
          %neg3A_224 = vector.broadcast %neg3A_223 : f32 to vector<16xf32>
          %neg3A_225 = arith.subf %neg3A_224, %add3A_217 : vector<16xf32>
          %exp3A_226 = math.exp %neg3A_225 : vector<16xf32>
          %add3A_227 = arith.constant 1.000000e+00 : f32
          %add3A_228 = vector.broadcast %add3A_227 : f32 to vector<16xf32>
          %add3A_229 = arith.addf %add3A_228, %exp3A_226 : vector<16xf32>
          %div3A_230 = arith.constant 1.000000e+00 : f32
          %div3A_231 = vector.broadcast %div3A_230 : f32 to vector<16xf32>
          %div3A_232 = arith.divf %div3A_231, %add3A_229 : vector<16xf32>
          %get3A_233 = arith.index_cast %scan3A_130 : i32 to index
          %get3A_234 = arith.constant 32 : index
          %get3A_235 = tpu.vector_load %arg28[%get3A_233, %get3A_234] {strides = array<i32>} : memref<40x128xf32, #tpu.memory_space<vmem>>, vector<1x16xf32>,
          %get3A_236 = vector.shape_cast %get3A_235 : vector<1x16xf32> to vector<16xf32>
          %mul3A_237 = arith.mulf %div3A_232, %get3A_236 : vector<16xf32>
          %swap3A_238 = arith.index_cast %scan3A_130 : i32 to index
          %swap3A_239 = arith.constant 32 : index
          %swap3A_240 = tpu.vector_load %arg28[%swap3A_238, %swap3A_239] {strides = array<i32>} : memref<40x128xf32, #tpu.memory_space<vmem>>, vector<1x16xf32>,
          %swap3A_241 = vector.shape_cast %swap3A_240 : vector<1x16xf32> to vector<16xf32>
          %swap3A_242 = vector.shape_cast %mul3A_237 : vector<16xf32> to vector<1x16xf32>
          tpu.vector_store %arg28[%swap3A_238, %swap3A_239], %swap3A_242 {strides = array<i32>} : memref<40x128xf32, #tpu.memory_space<vmem>>, vector<1x16xf32>,
          %get3A_243 = arith.index_cast %scan3A_130 : i32 to index
          %get3A_244 = arith.constant 48 : index
          %get3A_245 = tpu.vector_load %arg22[%get3A_243, %get3A_244] {strides = array<i32>} : memref<40x128xf32, #tpu.memory_space<vmem>>, vector<1x16xf32>,
          %get3A_246 = vector.shape_cast %get3A_245 : vector<1x16xf32> to vector<16xf32>
          %get3A_247 = arith.index_cast %scan3A_130 : i32 to index
          %get3A_248 = arith.constant 48 : index
          %get3A_249 = tpu.vector_load %arg24[%get3A_247, %get3A_248] {strides = array<i32>} : memref<40x128xf32, #tpu.memory_space<vmem>>, vector<1x16xf32>,
          %get3A_250 = vector.shape_cast %get3A_249 : vector<1x16xf32> to vector<16xf32>
          %add3A_251 = arith.addf %get3A_246, %get3A_250 : vector<16xf32>
          %get3A_252 = arith.index_cast %scan3A_130 : i32 to index
          %get3A_253 = arith.constant 48 : index
          %get3A_254 = tpu.vector_load %arg26[%get3A_252, %get3A_253] {strides = array<i32>} : memref<40x128xf32, #tpu.memory_space<vmem>>, vector<1x16xf32>,
          %get3A_255 = vector.shape_cast %get3A_254 : vector<1x16xf32> to vector<16xf32>
          %add3A_256 = arith.addf %add3A_251, %get3A_255 : vector<16xf32>
          %swap3A_257 = arith.index_cast %scan3A_130 : i32 to index
          %swap3A_258 = arith.constant 48 : index
          %swap3A_259 = tpu.vector_load %arg26[%swap3A_257, %swap3A_258] {strides = array<i32>} : memref<40x128xf32, #tpu.memory_space<vmem>>, vector<1x16xf32>,
          %swap3A_260 = vector.shape_cast %swap3A_259 : vector<1x16xf32> to vector<16xf32>
          %swap3A_261 = vector.shape_cast %add3A_256 : vector<16xf32> to vector<1x16xf32>
          tpu.vector_store %arg26[%swap3A_257, %swap3A_258], %swap3A_261 {strides = array<i32>} : memref<40x128xf32, #tpu.memory_space<vmem>>, vector<1x16xf32>,
          %neg3A_262 = arith.constant 0.000000e+00 : f32
          %neg3A_263 = vector.broadcast %neg3A_262 : f32 to vector<16xf32>
          %neg3A_264 = arith.subf %neg3A_263, %add3A_256 : vector<16xf32>
          %exp3A_265 = math.exp %neg3A_264 : vector<16xf32>
          %add3A_266 = arith.constant 1.000000e+00 : f32
          %add3A_267 = vector.broadcast %add3A_266 : f32 to vector<16xf32>
          %add3A_268 = arith.addf %add3A_267, %exp3A_265 : vector<16xf32>
          %div3A_269 = arith.constant 1.000000e+00 : f32
          %div3A_270 = vector.broadcast %div3A_269 : f32 to vector<16xf32>
          %div3A_271 = arith.divf %div3A_270, %add3A_268 : vector<16xf32>
          %get3A_272 = arith.index_cast %scan3A_130 : i32 to index
          %get3A_273 = arith.constant 48 : index
          %get3A_274 = tpu.vector_load %arg28[%get3A_272, %get3A_273] {strides = array<i32>} : memref<40x128xf32, #tpu.memory_space<vmem>>, vector<1x16xf32>,
          %get3A_275 = vector.shape_cast %get3A_274 : vector<1x16xf32> to vector<16xf32>
          %mul3A_276 = arith.mulf %div3A_271, %get3A_275 : vector<16xf32>
          %swap3A_277 = arith.index_cast %scan3A_130 : i32 to index
          %swap3A_278 = arith.constant 48 : index
          %swap3A_279 = tpu.vector_load %arg28[%swap3A_277, %swap3A_278] {strides = array<i32>} : memref<40x128xf32, #tpu.memory_space<vmem>>, vector<1x16xf32>,
          %swap3A_280 = vector.shape_cast %swap3A_279 : vector<1x16xf32> to vector<16xf32>
          %swap3A_281 = vector.shape_cast %mul3A_276 : vector<16xf32> to vector<1x16xf32>
          tpu.vector_store %arg28[%swap3A_277, %swap3A_278], %swap3A_281 {strides = array<i32>} : memref<40x128xf32, #tpu.memory_space<vmem>>, vector<1x16xf32>,
          %get3A_282 = arith.index_cast %scan3A_130 : i32 to index
          %get3A_283 = arith.constant 64 : index
          %get3A_284 = tpu.vector_load %arg22[%get3A_282, %get3A_283] {strides = array<i32>} : memref<40x128xf32, #tpu.memory_space<vmem>>, vector<1x16xf32>,
          %get3A_285 = vector.shape_cast %get3A_284 : vector<1x16xf32> to vector<16xf32>
          %get3A_286 = arith.index_cast %scan3A_130 : i32 to index
          %get3A_287 = arith.constant 64 : index
          %get3A_288 = tpu.vector_load %arg24[%get3A_286, %get3A_287] {strides = array<i32>} : memref<40x128xf32, #tpu.memory_space<vmem>>, vector<1x16xf32>,
          %get3A_289 = vector.shape_cast %get3A_288 : vector<1x16xf32> to vector<16xf32>
          %add3A_290 = arith.addf %get3A_285, %get3A_289 : vector<16xf32>
          %get3A_291 = arith.index_cast %scan3A_130 : i32 to index
          %get3A_292 = arith.constant 64 : index
          %get3A_293 = tpu.vector_load %arg26[%get3A_291, %get3A_292] {strides = array<i32>} : memref<40x128xf32, #tpu.memory_space<vmem>>, vector<1x16xf32>,
          %get3A_294 = vector.shape_cast %get3A_293 : vector<1x16xf32> to vector<16xf32>
          %add3A_295 = arith.addf %add3A_290, %get3A_294 : vector<16xf32>
          %swap3A_296 = arith.index_cast %scan3A_130 : i32 to index
          %swap3A_297 = arith.constant 64 : index
          %swap3A_298 = tpu.vector_load %arg26[%swap3A_296, %swap3A_297] {strides = array<i32>} : memref<40x128xf32, #tpu.memory_space<vmem>>, vector<1x16xf32>,
          %swap3A_299 = vector.shape_cast %swap3A_298 : vector<1x16xf32> to vector<16xf32>
          %swap3A_300 = vector.shape_cast %add3A_295 : vector<16xf32> to vector<1x16xf32>
          tpu.vector_store %arg26[%swap3A_296, %swap3A_297], %swap3A_300 {strides = array<i32>} : memref<40x128xf32, #tpu.memory_space<vmem>>, vector<1x16xf32>,
          %neg3A_301 = arith.constant 0.000000e+00 : f32
          %neg3A_302 = vector.broadcast %neg3A_301 : f32 to vector<16xf32>
          %neg3A_303 = arith.subf %neg3A_302, %add3A_295 : vector<16xf32>
          %exp3A_304 = math.exp %neg3A_303 : vector<16xf32>
          %add3A_305 = arith.constant 1.000000e+00 : f32
          %add3A_306 = vector.broadcast %add3A_305 : f32 to vector<16xf32>
          %add3A_307 = arith.addf %add3A_306, %exp3A_304 : vector<16xf32>
          %div3A_308 = arith.constant 1.000000e+00 : f32
          %div3A_309 = vector.broadcast %div3A_308 : f32 to vector<16xf32>
          %div3A_310 = arith.divf %div3A_309, %add3A_307 : vector<16xf32>
          %get3A_311 = arith.index_cast %scan3A_130 : i32 to index
          %get3A_312 = arith.constant 64 : index
          %get3A_313 = tpu.vector_load %arg28[%get3A_311, %get3A_312] {strides = array<i32>} : memref<40x128xf32, #tpu.memory_space<vmem>>, vector<1x16xf32>,
          %get3A_314 = vector.shape_cast %get3A_313 : vector<1x16xf32> to vector<16xf32>
          %mul3A_315 = arith.mulf %div3A_310, %get3A_314 : vector<16xf32>
          %swap3A_316 = arith.index_cast %scan3A_130 : i32 to index
          %swap3A_317 = arith.constant 64 : index
          %swap3A_318 = tpu.vector_load %arg28[%swap3A_316, %swap3A_317] {strides = array<i32>} : memref<40x128xf32, #tpu.memory_space<vmem>>, vector<1x16xf32>,
          %swap3A_319 = vector.shape_cast %swap3A_318 : vector<1x16xf32> to vector<16xf32>
          %swap3A_320 = vector.shape_cast %mul3A_315 : vector<16xf32> to vector<1x16xf32>
          tpu.vector_store %arg28[%swap3A_316, %swap3A_317], %swap3A_320 {strides = array<i32>} : memref<40x128xf32, #tpu.memory_space<vmem>>, vector<1x16xf32>,
          %get3A_321 = arith.index_cast %scan3A_130 : i32 to index
          %get3A_322 = arith.constant 80 : index
          %get3A_323 = tpu.vector_load %arg22[%get3A_321, %get3A_322] {strides = array<i32>} : memref<40x128xf32, #tpu.memory_space<vmem>>, vector<1x16xf32>,
          %get3A_324 = vector.shape_cast %get3A_323 : vector<1x16xf32> to vector<16xf32>
          %get3A_325 = arith.index_cast %scan3A_130 : i32 to index
          %get3A_326 = arith.constant 80 : index
          %get3A_327 = tpu.vector_load %arg24[%get3A_325, %get3A_326] {strides = array<i32>} : memref<40x128xf32, #tpu.memory_space<vmem>>, vector<1x16xf32>,
          %get3A_328 = vector.shape_cast %get3A_327 : vector<1x16xf32> to vector<16xf32>
          %add3A_329 = arith.addf %get3A_324, %get3A_328 : vector<16xf32>
          %get3A_330 = arith.index_cast %scan3A_130 : i32 to index
          %get3A_331 = arith.constant 80 : index
          %get3A_332 = tpu.vector_load %arg26[%get3A_330, %get3A_331] {strides = array<i32>} : memref<40x128xf32, #tpu.memory_space<vmem>>, vector<1x16xf32>,
          %get3A_333 = vector.shape_cast %get3A_332 : vector<1x16xf32> to vector<16xf32>
          %add3A_334 = arith.addf %add3A_329, %get3A_333 : vector<16xf32>
          %swap3A_335 = arith.index_cast %scan3A_130 : i32 to index
          %swap3A_336 = arith.constant 80 : index
          %swap3A_337 = tpu.vector_load %arg26[%swap3A_335, %swap3A_336] {strides = array<i32>} : memref<40x128xf32, #tpu.memory_space<vmem>>, vector<1x16xf32>,
          %swap3A_338 = vector.shape_cast %swap3A_337 : vector<1x16xf32> to vector<16xf32>
          %swap3A_339 = vector.shape_cast %add3A_334 : vector<16xf32> to vector<1x16xf32>
          tpu.vector_store %arg26[%swap3A_335, %swap3A_336], %swap3A_339 {strides = array<i32>} : memref<40x128xf32, #tpu.memory_space<vmem>>, vector<1x16xf32>,
          %neg3A_340 = arith.constant 0.000000e+00 : f32
          %neg3A_341 = vector.broadcast %neg3A_340 : f32 to vector<16xf32>
          %neg3A_342 = arith.subf %neg3A_341, %add3A_334 : vector<16xf32>
          %exp3A_343 = math.exp %neg3A_342 : vector<16xf32>
          %add3A_344 = arith.constant 1.000000e+00 : f32
          %add3A_345 = vector.broadcast %add3A_344 : f32 to vector<16xf32>
          %add3A_346 = arith.addf %add3A_345, %exp3A_343 : vector<16xf32>
          %div3A_347 = arith.constant 1.000000e+00 : f32
          %div3A_348 = vector.broadcast %div3A_347 : f32 to vector<16xf32>
          %div3A_349 = arith.divf %div3A_348, %add3A_346 : vector<16xf32>
          %get3A_350 = arith.index_cast %scan3A_130 : i32 to index
          %get3A_351 = arith.constant 80 : index
          %get3A_352 = tpu.vector_load %arg28[%get3A_350, %get3A_351] {strides = array<i32>} : memref<40x128xf32, #tpu.memory_space<vmem>>, vector<1x16xf32>,
          %get3A_353 = vector.shape_cast %get3A_352 : vector<1x16xf32> to vector<16xf32>
          %mul3A_354 = arith.mulf %div3A_349, %get3A_353 : vector<16xf32>
          %swap3A_355 = arith.index_cast %scan3A_130 : i32 to index
          %swap3A_356 = arith.constant 80 : index
          %swap3A_357 = tpu.vector_load %arg28[%swap3A_355, %swap3A_356] {strides = array<i32>} : memref<40x128xf32, #tpu.memory_space<vmem>>, vector<1x16xf32>,
          %swap3A_358 = vector.shape_cast %swap3A_357 : vector<1x16xf32> to vector<16xf32>
          %swap3A_359 = vector.shape_cast %mul3A_354 : vector<16xf32> to vector<1x16xf32>
          tpu.vector_store %arg28[%swap3A_355, %swap3A_356], %swap3A_359 {strides = array<i32>} : memref<40x128xf32, #tpu.memory_space<vmem>>, vector<1x16xf32>,
          %get3A_360 = arith.index_cast %scan3A_130 : i32 to index
          %get3A_361 = arith.constant 96 : index
          %get3A_362 = tpu.vector_load %arg22[%get3A_360, %get3A_361] {strides = array<i32>} : memref<40x128xf32, #tpu.memory_space<vmem>>, vector<1x16xf32>,
          %get3A_363 = vector.shape_cast %get3A_362 : vector<1x16xf32> to vector<16xf32>
          %get3A_364 = arith.index_cast %scan3A_130 : i32 to index
          %get3A_365 = arith.constant 96 : index
          %get3A_366 = tpu.vector_load %arg24[%get3A_364, %get3A_365] {strides = array<i32>} : memref<40x128xf32, #tpu.memory_space<vmem>>, vector<1x16xf32>,
          %get3A_367 = vector.shape_cast %get3A_366 : vector<1x16xf32> to vector<16xf32>
          %add3A_368 = arith.addf %get3A_363, %get3A_367 : vector<16xf32>
          %get3A_369 = arith.index_cast %scan3A_130 : i32 to index
          %get3A_370 = arith.constant 96 : index
          %get3A_371 = tpu.vector_load %arg26[%get3A_369, %get3A_370] {strides = array<i32>} : memref<40x128xf32, #tpu.memory_space<vmem>>, vector<1x16xf32>,
          %get3A_372 = vector.shape_cast %get3A_371 : vector<1x16xf32> to vector<16xf32>
          %add3A_373 = arith.addf %add3A_368, %get3A_372 : vector<16xf32>
          %swap3A_374 = arith.index_cast %scan3A_130 : i32 to index
          %swap3A_375 = arith.constant 96 : index
          %swap3A_376 = tpu.vector_load %arg26[%swap3A_374, %swap3A_375] {strides = array<i32>} : memref<40x128xf32, #tpu.memory_space<vmem>>, vector<1x16xf32>,
          %swap3A_377 = vector.shape_cast %swap3A_376 : vector<1x16xf32> to vector<16xf32>
          %swap3A_378 = vector.shape_cast %add3A_373 : vector<16xf32> to vector<1x16xf32>
          tpu.vector_store %arg26[%swap3A_374, %swap3A_375], %swap3A_378 {strides = array<i32>} : memref<40x128xf32, #tpu.memory_space<vmem>>, vector<1x16xf32>,
          %neg3A_379 = arith.constant 0.000000e+00 : f32
          %neg3A_380 = vector.broadcast %neg3A_379 : f32 to vector<16xf32>
          %neg3A_381 = arith.subf %neg3A_380, %add3A_373 : vector<16xf32>
          %exp3A_382 = math.exp %neg3A_381 : vector<16xf32>
          %add3A_383 = arith.constant 1.000000e+00 : f32
          %add3A_384 = vector.broadcast %add3A_383 : f32 to vector<16xf32>
          %add3A_385 = arith.addf %add3A_384, %exp3A_382 : vector<16xf32>
          %div3A_386 = arith.constant 1.000000e+00 : f32
          %div3A_387 = vector.broadcast %div3A_386 : f32 to vector<16xf32>
          %div3A_388 = arith.divf %div3A_387, %add3A_385 : vector<16xf32>
          %get3A_389 = arith.index_cast %scan3A_130 : i32 to index
          %get3A_390 = arith.constant 96 : index
          %get3A_391 = tpu.vector_load %arg28[%get3A_389, %get3A_390] {strides = array<i32>} : memref<40x128xf32, #tpu.memory_space<vmem>>, vector<1x16xf32>,
          %get3A_392 = vector.shape_cast %get3A_391 : vector<1x16xf32> to vector<16xf32>
          %mul3A_393 = arith.mulf %div3A_388, %get3A_392 : vector<16xf32>
          %swap3A_394 = arith.index_cast %scan3A_130 : i32 to index
          %swap3A_395 = arith.constant 96 : index
          %swap3A_396 = tpu.vector_load %arg28[%swap3A_394, %swap3A_395] {strides = array<i32>} : memref<40x128xf32, #tpu.memory_space<vmem>>, vector<1x16xf32>,
          %swap3A_397 = vector.shape_cast %swap3A_396 : vector<1x16xf32> to vector<16xf32>
          %swap3A_398 = vector.shape_cast %mul3A_393 : vector<16xf32> to vector<1x16xf32>
          tpu.vector_store %arg28[%swap3A_394, %swap3A_395], %swap3A_398 {strides = array<i32>} : memref<40x128xf32, #tpu.memory_space<vmem>>, vector<1x16xf32>,
          %get3A_399 = arith.index_cast %scan3A_130 : i32 to index
          %get3A_400 = arith.constant 112 : index
          %get3A_401 = tpu.vector_load %arg22[%get3A_399, %get3A_400] {strides = array<i32>} : memref<40x128xf32, #tpu.memory_space<vmem>>, vector<1x16xf32>,
          %get3A_402 = vector.shape_cast %get3A_401 : vector<1x16xf32> to vector<16xf32>
          %get3A_403 = arith.index_cast %scan3A_130 : i32 to index
          %get3A_404 = arith.constant 112 : index
          %get3A_405 = tpu.vector_load %arg24[%get3A_403, %get3A_404] {strides = array<i32>} : memref<40x128xf32, #tpu.memory_space<vmem>>, vector<1x16xf32>,
          %get3A_406 = vector.shape_cast %get3A_405 : vector<1x16xf32> to vector<16xf32>
          %add3A_407 = arith.addf %get3A_402, %get3A_406 : vector<16xf32>
          %get3A_408 = arith.index_cast %scan3A_130 : i32 to index
          %get3A_409 = arith.constant 112 : index
          %get3A_410 = tpu.vector_load %arg26[%get3A_408, %get3A_409] {strides = array<i32>} : memref<40x128xf32, #tpu.memory_space<vmem>>, vector<1x16xf32>,
          %get3A_411 = vector.shape_cast %get3A_410 : vector<1x16xf32> to vector<16xf32>
          %add3A_412 = arith.addf %add3A_407, %get3A_411 : vector<16xf32>
          %swap3A_413 = arith.index_cast %scan3A_130 : i32 to index
          %swap3A_414 = arith.constant 112 : index
          %swap3A_415 = tpu.vector_load %arg26[%swap3A_413, %swap3A_414] {strides = array<i32>} : memref<40x128xf32, #tpu.memory_space<vmem>>, vector<1x16xf32>,
          %swap3A_416 = vector.shape_cast %swap3A_415 : vector<1x16xf32> to vector<16xf32>
          %swap3A_417 = vector.shape_cast %add3A_412 : vector<16xf32> to vector<1x16xf32>
          tpu.vector_store %arg26[%swap3A_413, %swap3A_414], %swap3A_417 {strides = array<i32>} : memref<40x128xf32, #tpu.memory_space<vmem>>, vector<1x16xf32>,
          %neg3A_418 = arith.constant 0.000000e+00 : f32
          %neg3A_419 = vector.broadcast %neg3A_418 : f32 to vector<16xf32>
          %neg3A_420 = arith.subf %neg3A_419, %add3A_412 : vector<16xf32>
          %exp3A_421 = math.exp %neg3A_420 : vector<16xf32>
          %add3A_422 = arith.constant 1.000000e+00 : f32
          %add3A_423 = vector.broadcast %add3A_422 : f32 to vector<16xf32>
          %add3A_424 = arith.addf %add3A_423, %exp3A_421 : vector<16xf32>
          %div3A_425 = arith.constant 1.000000e+00 : f32
          %div3A_426 = vector.broadcast %div3A_425 : f32 to vector<16xf32>
          %div3A_427 = arith.divf %div3A_426, %add3A_424 : vector<16xf32>
          %get3A_428 = arith.index_cast %scan3A_130 : i32 to index
          %get3A_429 = arith.constant 112 : index
          %get3A_430 = tpu.vector_load %arg28[%get3A_428, %get3A_429] {strides = array<i32>} : memref<40x128xf32, #tpu.memory_space<vmem>>, vector<1x16xf32>,
          %get3A_431 = vector.shape_cast %get3A_430 : vector<1x16xf32> to vector<16xf32>
          %mul3A_432 = arith.mulf %div3A_427, %get3A_431 : vector<16xf32>
          %swap3A_433 = arith.index_cast %scan3A_130 : i32 to index
          %swap3A_434 = arith.constant 112 : index
          %swap3A_435 = tpu.vector_load %arg28[%swap3A_433, %swap3A_434] {strides = array<i32>} : memref<40x128xf32, #tpu.memory_space<vmem>>, vector<1x16xf32>,
          %swap3A_436 = vector.shape_cast %swap3A_435 : vector<1x16xf32> to vector<16xf32>
          %swap3A_437 = vector.shape_cast %mul3A_432 : vector<16xf32> to vector<1x16xf32>
          tpu.vector_store %arg28[%swap3A_433, %swap3A_434], %swap3A_437 {strides = array<i32>} : memref<40x128xf32, #tpu.memory_space<vmem>>, vector<1x16xf32>,
        }
        %scan3A_126 = arith.constant 40 : i32
        %mul3A_127 = arith.constant 40 : i32
        %mul3A_128 = arith.muli %add3A_100, %mul3A_127 : i32
        %add3A_129 = arith.addi %mul3A_16, %mul3A_128 : i32
        "tpu.region"() ({
          %run_scoped3A = tpu.sem_alloc : memref<!tpu.dma_semaphore, #tpu.memory_space<semaphore_mem>>
          %dma_start3A_130 = arith.constant 0 : i32
          %dma_start3A_131 = tpu.memref_slice %arg13[%add3A_129, %dma_start3A_130] : memref<160000x128xf32, #tpu.memory_space<hbm>> -> memref<40x128xf32, #tpu.memory_space<hbm>>
          %dma_start3A_132 = arith.constant 0 : i32
          %dma_start3A_133 = tpu.memref_slice %arg13[%add3A_129, %dma_start3A_132] : memref<160000x128xf32, #tpu.memory_space<hbm>> -> memref<40x128xf32, #tpu.memory_space<hbm>>
          tpu.enqueue_dma source(%arg26 : memref<40x128xf32, #tpu.memory_space<vmem>>) target(%dma_start3A_133 : memref<40x128xf32, #tpu.memory_space<hbm>>) target_semaphore(%run_scoped3A : memref<!tpu.dma_semaphore, #tpu.memory_space<semaphore_mem>>)
          %dma_wait3A_134 = arith.constant 0 : i32
          %dma_wait3A_135 = tpu.memref_slice %arg13[%add3A_129, %dma_wait3A_134] : memref<160000x128xf32, #tpu.memory_space<hbm>> -> memref<40x128xf32, #tpu.memory_space<hbm>>
          %dma_wait3A_136 = arith.constant 0 : i32
          %dma_wait3A_137 = tpu.memref_slice %arg13[%add3A_129, %dma_wait3A_136] : memref<160000x128xf32, #tpu.memory_space<hbm>> -> memref<40x128xf32, #tpu.memory_space<hbm>>
          tpu.wait_dma2 semaphore(%run_scoped3A : memref<!tpu.dma_semaphore, #tpu.memory_space<semaphore_mem>>) src(%arg26 : memref<40x128xf32, #tpu.memory_space<vmem>>) dst(%dma_wait3A_137 : memref<40x128xf32, #tpu.memory_space<hbm>>)
          tpu.yield
        }) : () -> ()
        "tpu.region"() ({
          %run_scoped3A = tpu.sem_alloc : memref<!tpu.dma_semaphore, #tpu.memory_space<semaphore_mem>>
          %dma_start3A_130 = arith.constant 0 : i32
          %dma_start3A_131 = arith.constant 0 : i32
          %dma_start3A_132 = tpu.memref_slice %arg31[%dma_start3A_130, %dma_start3A_131] : memref<10000x128xf32, #tpu.memory_space<vmem_shared>> -> memref<10000x128xf32, #tpu.memory_space<vmem_shared>>
          tpu.enqueue_indirect_dma source(%arg28 : memref<40x128xf32, #tpu.memory_space<vmem>>) target(%dma_start3A_132 : memref<10000x128xf32, #tpu.memory_space<vmem_shared>>) offsets(%arg20 : memref<40xi32, #tpu.memory_space<vmem>>) semaphore(%run_scoped3A : memref<!tpu.dma_semaphore, #tpu.memory_space<semaphore_mem>>) {add = true}
          %dma_wait3A_133 = arith.constant 0 : i32
          %dma_wait3A_134 = arith.constant 0 : i32
          %dma_wait3A_135 = tpu.memref_slice %arg31[%dma_wait3A_133, %dma_wait3A_134] : memref<10000x128xf32, #tpu.memory_space<vmem_shared>> -> memref<10000x128xf32, #tpu.memory_space<vmem_shared>>
          tpu.wait_indirect_dma semaphore(%run_scoped3A : memref<!tpu.dma_semaphore, #tpu.memory_space<semaphore_mem>>) src(%arg28 : memref<40x128xf32, #tpu.memory_space<vmem>>) dst(%dma_wait3A_135 : memref<10000x128xf32, #tpu.memory_space<vmem_shared>>)
          tpu.yield
        }) : () -> ()
      }
      %scan3A_36 = arith.constant 125 : i32
      %barrier3A_37 = arith.constant 0 : index
      tpu.barrier barrier_id(%barrier3A_37)
      %mul3A_38 = arith.constant 624 : i32
      %mul3A_39 = arith.muli %arg1, %mul3A_38 : i32
      %mul3A_40 = arith.constant 624 : i32
      %mul3A_41 = arith.muli %arg1, %mul3A_40 : i32
      "tpu.region"() ({
        %run_scoped3A = tpu.sem_alloc : memref<!tpu.dma_semaphore, #tpu.memory_space<semaphore_mem>>
        %dma_start3A_47 = arith.constant 0 : i32
        %dma_start3A_48 = tpu.memref_slice %arg15[%mul3A_41, %dma_start3A_47] : memref<10000x128xf32, #tpu.memory_space<hbm>> -> memref<624x128xf32, #tpu.memory_space<hbm>>
        %dma_start3A_49 = arith.constant 0 : i32
        %dma_start3A_50 = tpu.memref_slice %arg31[%mul3A_39, %dma_start3A_49] : memref<10000x128xf32, #tpu.memory_space<vmem_shared>> -> memref<624x128xf32, #tpu.memory_space<vmem_shared>>
        tpu.enqueue_dma source(%dma_start3A_50 : memref<624x128xf32, #tpu.memory_space<vmem_shared>>) target(%dma_start3A_48 : memref<624x128xf32, #tpu.memory_space<hbm>>) target_semaphore(%run_scoped3A : memref<!tpu.dma_semaphore, #tpu.memory_space<semaphore_mem>>)
        %dma_wait3A = arith.constant 0 : i32
        %dma_wait3A_51 = tpu.memref_slice %arg15[%mul3A_41, %dma_wait3A] : memref<10000x128xf32, #tpu.memory_space<hbm>> -> memref<624x128xf32, #tpu.memory_space<hbm>>
        %dma_wait3A_52 = arith.constant 0 : i32
        %dma_wait3A_53 = tpu.memref_slice %arg31[%mul3A_39, %dma_wait3A_52] : memref<10000x128xf32, #tpu.memory_space<vmem_shared>> -> memref<624x128xf32, #tpu.memory_space<vmem_shared>>
        tpu.wait_dma2 semaphore(%run_scoped3A : memref<!tpu.dma_semaphore, #tpu.memory_space<semaphore_mem>>) src(%dma_wait3A_53 : memref<624x128xf32, #tpu.memory_space<vmem_shared>>) dst(%dma_wait3A_51 : memref<624x128xf32, #tpu.memory_space<hbm>>)
        tpu.yield
      }) : () -> ()
      %eq3A_42 = arith.constant 15 : i32
      %eq3A_43 = arith.cmpi eq, %arg1, %eq3A_42 : i32
      %convert_element_type3A_44 = arith.extui %eq3A_43 : i1 to i32
      %cond3A_45 = arith.constant 0 : i32
      %cond3A_46 = arith.cmpi ne, %convert_element_type3A_44, %cond3A_45 : i32
      scf.if %cond3A_46 {
        "tpu.region"() ({
          %run_scoped3A = tpu.sem_alloc : memref<!tpu.dma_semaphore, #tpu.memory_space<semaphore_mem>>
          %dma_start3A_47 = arith.constant 9984 : i32
          %dma_start3A_48 = arith.constant 0 : i32
          %dma_start3A_49 = tpu.memref_slice %arg15[%dma_start3A_47, %dma_start3A_48] : memref<10000x128xf32, #tpu.memory_space<hbm>> -> memref<16x128xf32, #tpu.memory_space<hbm>>
          %dma_start3A_50 = arith.constant 9984 : i32
          %dma_start3A_51 = arith.constant 0 : i32
          %dma_start3A_52 = tpu.memref_slice %arg31[%dma_start3A_50, %dma_start3A_51] : memref<10000x128xf32, #tpu.memory_space<vmem_shared>> -> memref<16x128xf32, #tpu.memory_space<vmem_shared>>
          tpu.enqueue_dma source(%dma_start3A_52 : memref<16x128xf32, #tpu.memory_space<vmem_shared>>) target(%dma_start3A_49 : memref<16x128xf32, #tpu.memory_space<hbm>>) target_semaphore(%run_scoped3A : memref<!tpu.dma_semaphore, #tpu.memory_space<semaphore_mem>>)
          %dma_wait3A = arith.constant 9984 : i32
          %dma_wait3A_53 = arith.constant 0 : i32
          %dma_wait3A_54 = tpu.memref_slice %arg15[%dma_wait3A, %dma_wait3A_53] : memref<10000x128xf32, #tpu.memory_space<hbm>> -> memref<16x128xf32, #tpu.memory_space<hbm>>
          %dma_wait3A_55 = arith.constant 9984 : i32
          %dma_wait3A_56 = arith.constant 0 : i32
          %dma_wait3A_57 = tpu.memref_slice %arg31[%dma_wait3A_55, %dma_wait3A_56] : memref<10000x128xf32, #tpu.memory_space<vmem_shared>> -> memref<16x128xf32, #tpu.memory_space<vmem_shared>>
          tpu.wait_dma2 semaphore(%run_scoped3A : memref<!tpu.dma_semaphore, #tpu.memory_space<semaphore_mem>>) src(%dma_wait3A_57 : memref<16x128xf32, #tpu.memory_space<vmem_shared>>) dst(%dma_wait3A_54 : memref<16x128xf32, #tpu.memory_space<hbm>>)
          tpu.yield
        }) : () -> ()
      } else {
      }
    } else {
    }
    %eq3A_2 = arith.constant 1 : i32
    %eq3A_3 = arith.cmpi eq, %arg0, %eq3A_2 : i32
    %convert_element_type3A_4 = arith.extui %eq3A_3 : i1 to i32
    %cond3A_5 = arith.constant 0 : i32
    %cond3A_6 = arith.cmpi ne, %convert_element_type3A_4, %cond3A_5 : i32
    scf.if %cond3A_6 {
      %mul3A = arith.constant 624 : i32
      %mul3A_7 = arith.muli %arg1, %mul3A : i32
      %mul3A_8 = arith.constant 624 : i32
      %mul3A_9 = arith.muli %arg1, %mul3A_8 : i32
      "tpu.region"() ({
        %run_scoped3A = tpu.sem_alloc : memref<!tpu.dma_semaphore, #tpu.memory_space<semaphore_mem>>
        %dma_start3A_47 = arith.constant 0 : i32
        %dma_start3A_48 = tpu.memref_slice %arg31[%mul3A_9, %dma_start3A_47] : memref<10000x128xf32, #tpu.memory_space<vmem_shared>> -> memref<624x128xf32, #tpu.memory_space<vmem_shared>>
        %dma_start3A_49 = arith.constant 0 : i32
        %dma_start3A_50 = tpu.memref_slice %arg12[%mul3A_7, %dma_start3A_49] : memref<10000x128xf32, #tpu.memory_space<hbm>> -> memref<624x128xf32, #tpu.memory_space<hbm>>
        tpu.enqueue_dma source(%dma_start3A_50 : memref<624x128xf32, #tpu.memory_space<hbm>>) target(%dma_start3A_48 : memref<624x128xf32, #tpu.memory_space<vmem_shared>>) target_semaphore(%run_scoped3A : memref<!tpu.dma_semaphore, #tpu.memory_space<semaphore_mem>>)
        %dma_wait3A = arith.constant 0 : i32
        %dma_wait3A_51 = tpu.memref_slice %arg31[%mul3A_9, %dma_wait3A] : memref<10000x128xf32, #tpu.memory_space<vmem_shared>> -> memref<624x128xf32, #tpu.memory_space<vmem_shared>>
        %dma_wait3A_52 = arith.constant 0 : i32
        %dma_wait3A_53 = tpu.memref_slice %arg12[%mul3A_7, %dma_wait3A_52] : memref<10000x128xf32, #tpu.memory_space<hbm>> -> memref<624x128xf32, #tpu.memory_space<hbm>>
        tpu.wait_dma2 semaphore(%run_scoped3A : memref<!tpu.dma_semaphore, #tpu.memory_space<semaphore_mem>>) src(%dma_wait3A_53 : memref<624x128xf32, #tpu.memory_space<hbm>>) dst(%dma_wait3A_51 : memref<624x128xf32, #tpu.memory_space<vmem_shared>>)
        tpu.yield
      }) : () -> ()
      %eq3A_10 = arith.constant 15 : i32
      %eq3A_11 = arith.cmpi eq, %arg1, %eq3A_10 : i32
      %convert_element_type3A_12 = arith.extui %eq3A_11 : i1 to i32
      %cond3A_13 = arith.constant 0 : i32
      %cond3A_14 = arith.cmpi ne, %convert_element_type3A_12, %cond3A_13 : i32
      scf.if %cond3A_14 {
        "tpu.region"() ({
          %run_scoped3A = tpu.sem_alloc : memref<!tpu.dma_semaphore, #tpu.memory_space<semaphore_mem>>
          %dma_start3A_47 = arith.constant 9984 : i32
          %dma_start3A_48 = arith.constant 0 : i32
          %dma_start3A_49 = tpu.memref_slice %arg31[%dma_start3A_47, %dma_start3A_48] : memref<10000x128xf32, #tpu.memory_space<vmem_shared>> -> memref<16x128xf32, #tpu.memory_space<vmem_shared>>
          %dma_start3A_50 = arith.constant 9984 : i32
          %dma_start3A_51 = arith.constant 0 : i32
          %dma_start3A_52 = tpu.memref_slice %arg12[%dma_start3A_50, %dma_start3A_51] : memref<10000x128xf32, #tpu.memory_space<hbm>> -> memref<16x128xf32, #tpu.memory_space<hbm>>
          tpu.enqueue_dma source(%dma_start3A_52 : memref<16x128xf32, #tpu.memory_space<hbm>>) target(%dma_start3A_49 : memref<16x128xf32, #tpu.memory_space<vmem_shared>>) target_semaphore(%run_scoped3A : memref<!tpu.dma_semaphore, #tpu.memory_space<semaphore_mem>>)
          %dma_wait3A = arith.constant 9984 : i32
          %dma_wait3A_53 = arith.constant 0 : i32
          %dma_wait3A_54 = tpu.memref_slice %arg31[%dma_wait3A, %dma_wait3A_53] : memref<10000x128xf32, #tpu.memory_space<vmem_shared>> -> memref<16x128xf32, #tpu.memory_space<vmem_shared>>
          %dma_wait3A_55 = arith.constant 9984 : i32
          %dma_wait3A_56 = arith.constant 0 : i32
          %dma_wait3A_57 = tpu.memref_slice %arg12[%dma_wait3A_55, %dma_wait3A_56] : memref<10000x128xf32, #tpu.memory_space<hbm>> -> memref<16x128xf32, #tpu.memory_space<hbm>>
          tpu.wait_dma2 semaphore(%run_scoped3A : memref<!tpu.dma_semaphore, #tpu.memory_space<semaphore_mem>>) src(%dma_wait3A_57 : memref<16x128xf32, #tpu.memory_space<hbm>>) dst(%dma_wait3A_54 : memref<16x128xf32, #tpu.memory_space<vmem_shared>>)
          tpu.yield
        }) : () -> ()
      } else {
      }
      %barrier3A = arith.constant 0 : index
      tpu.barrier barrier_id(%barrier3A)
      %mul3A_15 = arith.constant 10000 : i32
      %mul3A_16 = arith.muli %arg1, %mul3A_15 : i32
      %add3A = arith.constant 0 : i32
      %add3A_17 = arith.addi %mul3A_16, %add3A : i32
      "tpu.region"() ({
        %run_scoped3A = tpu.sem_alloc : memref<!tpu.dma_semaphore, #tpu.memory_space<semaphore_mem>>
        %dma_start3A_47 = tpu.memref_slice %arg2[%add3A_17] : memref<160000xi32, #tpu.memory_space<hbm>> -> memref<40xi32, #tpu.memory_space<hbm>>
        %dma_start3A_48 = tpu.memref_slice %arg2[%add3A_17] : memref<160000xi32, #tpu.memory_space<hbm>> -> memref<40xi32, #tpu.memory_space<hbm>>
        tpu.enqueue_dma source(%dma_start3A_48 : memref<40xi32, #tpu.memory_space<hbm>>) target(%arg17 : memref<40xi32, #tpu.memory_space<vmem>>) target_semaphore(%run_scoped3A : memref<!tpu.dma_semaphore, #tpu.memory_space<semaphore_mem>>)
        %dma_wait3A = tpu.memref_slice %arg2[%add3A_17] : memref<160000xi32, #tpu.memory_space<hbm>> -> memref<40xi32, #tpu.memory_space<hbm>>
        %dma_wait3A_49 = tpu.memref_slice %arg2[%add3A_17] : memref<160000xi32, #tpu.memory_space<hbm>> -> memref<40xi32, #tpu.memory_space<hbm>>
        tpu.wait_dma2 semaphore(%run_scoped3A : memref<!tpu.dma_semaphore, #tpu.memory_space<semaphore_mem>>) src(%dma_wait3A_49 : memref<40xi32, #tpu.memory_space<hbm>>) dst(%arg17 : memref<40xi32, #tpu.memory_space<vmem>>)
        tpu.yield
      }) : () -> ()
      "tpu.region"() ({
        %run_scoped3A = tpu.sem_alloc : memref<!tpu.dma_semaphore, #tpu.memory_space<semaphore_mem>>
        %dma_start3A_47 = tpu.memref_slice %arg3[%add3A_17] : memref<160000xi32, #tpu.memory_space<hbm>> -> memref<40xi32, #tpu.memory_space<hbm>>
        %dma_start3A_48 = tpu.memref_slice %arg3[%add3A_17] : memref<160000xi32, #tpu.memory_space<hbm>> -> memref<40xi32, #tpu.memory_space<hbm>>
        tpu.enqueue_dma source(%dma_start3A_48 : memref<40xi32, #tpu.memory_space<hbm>>) target(%arg19 : memref<40xi32, #tpu.memory_space<vmem>>) target_semaphore(%run_scoped3A : memref<!tpu.dma_semaphore, #tpu.memory_space<semaphore_mem>>)
        %dma_wait3A = tpu.memref_slice %arg3[%add3A_17] : memref<160000xi32, #tpu.memory_space<hbm>> -> memref<40xi32, #tpu.memory_space<hbm>>
        %dma_wait3A_49 = tpu.memref_slice %arg3[%add3A_17] : memref<160000xi32, #tpu.memory_space<hbm>> -> memref<40xi32, #tpu.memory_space<hbm>>
        tpu.wait_dma2 semaphore(%run_scoped3A : memref<!tpu.dma_semaphore, #tpu.memory_space<semaphore_mem>>) src(%dma_wait3A_49 : memref<40xi32, #tpu.memory_space<hbm>>) dst(%arg19 : memref<40xi32, #tpu.memory_space<vmem>>)
        tpu.yield
      }) : () -> ()
      %add3A_18 = arith.constant 0 : i32
      %add3A_19 = arith.addi %mul3A_16, %add3A_18 : i32
      %dma_start3A = arith.constant 0 : i32
      %dma_start3A_20 = tpu.memref_slice %arg11[%add3A_19, %dma_start3A] : memref<160000x128xf32, #tpu.memory_space<hbm>> -> memref<40x128xf32, #tpu.memory_space<hbm>>
      %dma_start3A_21 = arith.constant 0 : i32
      %dma_start3A_22 = tpu.memref_slice %arg11[%add3A_19, %dma_start3A_21] : memref<160000x128xf32, #tpu.memory_space<hbm>> -> memref<40x128xf32, #tpu.memory_space<hbm>>
      tpu.enqueue_dma source(%dma_start3A_22 : memref<40x128xf32, #tpu.memory_space<hbm>>) target(%arg25 : memref<40x128xf32, #tpu.memory_space<vmem>>) target_semaphore(%arg29 : memref<!tpu.dma_semaphore, #tpu.memory_space<semaphore_mem>>)
      %dma_start3A_23 = arith.constant 0 : i32
      %dma_start3A_24 = arith.constant 0 : i32
      %dma_start3A_25 = tpu.memref_slice %arg7[%dma_start3A_23, %dma_start3A_24] : memref<10000x128xf32, #tpu.memory_space<hbm>> -> memref<10000x128xf32, #tpu.memory_space<hbm>>
      tpu.enqueue_indirect_dma source(%dma_start3A_25 : memref<10000x128xf32, #tpu.memory_space<hbm>>) target(%arg21 : memref<40x128xf32, #tpu.memory_space<vmem>>) offsets(%arg17 : memref<40xi32, #tpu.memory_space<vmem>>) semaphore(%arg29 : memref<!tpu.dma_semaphore, #tpu.memory_space<semaphore_mem>>)
      %dma_start3A_26 = arith.constant 0 : i32
      %dma_start3A_27 = arith.constant 0 : i32
      %dma_start3A_28 = tpu.memref_slice %arg9[%dma_start3A_26, %dma_start3A_27] : memref<10000x128xf32, #tpu.memory_space<hbm>> -> memref<10000x128xf32, #tpu.memory_space<hbm>>
      tpu.enqueue_indirect_dma source(%dma_start3A_28 : memref<10000x128xf32, #tpu.memory_space<hbm>>) target(%arg23 : memref<40x128xf32, #tpu.memory_space<vmem>>) offsets(%arg19 : memref<40xi32, #tpu.memory_space<vmem>>) semaphore(%arg29 : memref<!tpu.dma_semaphore, #tpu.memory_space<semaphore_mem>>)
      %dma_start3A_29 = arith.constant 0 : i32
      %dma_start3A_30 = arith.constant 0 : i32
      %dma_start3A_31 = tpu.memref_slice %arg5[%dma_start3A_29, %dma_start3A_30] : memref<10000x128xf32, #tpu.memory_space<hbm>> -> memref<10000x128xf32, #tpu.memory_space<hbm>>
      tpu.enqueue_indirect_dma source(%dma_start3A_31 : memref<10000x128xf32, #tpu.memory_space<hbm>>) target(%arg27 : memref<40x128xf32, #tpu.memory_space<vmem>>) offsets(%arg17 : memref<40xi32, #tpu.memory_space<vmem>>) semaphore(%arg29 : memref<!tpu.dma_semaphore, #tpu.memory_space<semaphore_mem>>)
      %scan3A = arith.constant 0 : i32
      %scan3A_32 = arith.constant 0 : i32
      %scan3A_33 = arith.constant 125 : i32
      %scan3A_34 = arith.addi %scan3A_32, %scan3A_33 : i32
      %scan3A_35 = arith.constant 1 : i32
      scf.for %scan3A_47 = %scan3A_32 to %scan3A_34 step %scan3A_35  : i32 {
        %mul3A_48 = arith.constant 2 : i32
        %mul3A_49 = arith.muli %scan3A_47, %mul3A_48 : i32
        %add3A_50 = arith.constant 0 : i32
        %add3A_51 = arith.addi %mul3A_49, %add3A_50 : i32
        %add3A_52 = arith.constant 1 : i32
        %add3A_53 = arith.addi %add3A_51, %add3A_52 : i32
        %mul3A_54 = arith.constant 40 : i32
        %mul3A_55 = arith.muli %add3A_53, %mul3A_54 : i32
        %add3A_56 = arith.addi %mul3A_16, %mul3A_55 : i32
        "tpu.region"() ({
          %run_scoped3A = tpu.sem_alloc : memref<!tpu.dma_semaphore, #tpu.memory_space<semaphore_mem>>
          %dma_start3A_130 = tpu.memref_slice %arg2[%add3A_56] : memref<160000xi32, #tpu.memory_space<hbm>> -> memref<40xi32, #tpu.memory_space<hbm>>
          %dma_start3A_131 = tpu.memref_slice %arg2[%add3A_56] : memref<160000xi32, #tpu.memory_space<hbm>> -> memref<40xi32, #tpu.memory_space<hbm>>
          tpu.enqueue_dma source(%dma_start3A_131 : memref<40xi32, #tpu.memory_space<hbm>>) target(%arg18 : memref<40xi32, #tpu.memory_space<vmem>>) target_semaphore(%run_scoped3A : memref<!tpu.dma_semaphore, #tpu.memory_space<semaphore_mem>>)
          %dma_wait3A_132 = tpu.memref_slice %arg2[%add3A_56] : memref<160000xi32, #tpu.memory_space<hbm>> -> memref<40xi32, #tpu.memory_space<hbm>>
          %dma_wait3A_133 = tpu.memref_slice %arg2[%add3A_56] : memref<160000xi32, #tpu.memory_space<hbm>> -> memref<40xi32, #tpu.memory_space<hbm>>
          tpu.wait_dma2 semaphore(%run_scoped3A : memref<!tpu.dma_semaphore, #tpu.memory_space<semaphore_mem>>) src(%dma_wait3A_133 : memref<40xi32, #tpu.memory_space<hbm>>) dst(%arg18 : memref<40xi32, #tpu.memory_space<vmem>>)
          tpu.yield
        }) : () -> ()
        "tpu.region"() ({
          %run_scoped3A = tpu.sem_alloc : memref<!tpu.dma_semaphore, #tpu.memory_space<semaphore_mem>>
          %dma_start3A_130 = tpu.memref_slice %arg3[%add3A_56] : memref<160000xi32, #tpu.memory_space<hbm>> -> memref<40xi32, #tpu.memory_space<hbm>>
          %dma_start3A_131 = tpu.memref_slice %arg3[%add3A_56] : memref<160000xi32, #tpu.memory_space<hbm>> -> memref<40xi32, #tpu.memory_space<hbm>>
          tpu.enqueue_dma source(%dma_start3A_131 : memref<40xi32, #tpu.memory_space<hbm>>) target(%arg20 : memref<40xi32, #tpu.memory_space<vmem>>) target_semaphore(%run_scoped3A : memref<!tpu.dma_semaphore, #tpu.memory_space<semaphore_mem>>)
          %dma_wait3A_132 = tpu.memref_slice %arg3[%add3A_56] : memref<160000xi32, #tpu.memory_space<hbm>> -> memref<40xi32, #tpu.memory_space<hbm>>
          %dma_wait3A_133 = tpu.memref_slice %arg3[%add3A_56] : memref<160000xi32, #tpu.memory_space<hbm>> -> memref<40xi32, #tpu.memory_space<hbm>>
          tpu.wait_dma2 semaphore(%run_scoped3A : memref<!tpu.dma_semaphore, #tpu.memory_space<semaphore_mem>>) src(%dma_wait3A_133 : memref<40xi32, #tpu.memory_space<hbm>>) dst(%arg20 : memref<40xi32, #tpu.memory_space<vmem>>)
          tpu.yield
        }) : () -> ()
        %mul3A_57 = arith.constant 40 : i32
        %mul3A_58 = arith.muli %add3A_53, %mul3A_57 : i32
        %add3A_59 = arith.addi %mul3A_16, %mul3A_58 : i32
        %dma_start3A_60 = arith.constant 0 : i32
        %dma_start3A_61 = tpu.memref_slice %arg11[%add3A_59, %dma_start3A_60] : memref<160000x128xf32, #tpu.memory_space<hbm>> -> memref<40x128xf32, #tpu.memory_space<hbm>>
        %dma_start3A_62 = arith.constant 0 : i32
        %dma_start3A_63 = tpu.memref_slice %arg11[%add3A_59, %dma_start3A_62] : memref<160000x128xf32, #tpu.memory_space<hbm>> -> memref<40x128xf32, #tpu.memory_space<hbm>>
        tpu.enqueue_dma source(%dma_start3A_63 : memref<40x128xf32, #tpu.memory_space<hbm>>) target(%arg26 : memref<40x128xf32, #tpu.memory_space<vmem>>) target_semaphore(%arg30 : memref<!tpu.dma_semaphore, #tpu.memory_space<semaphore_mem>>)
        %dma_start3A_64 = arith.constant 0 : i32
        %dma_start3A_65 = arith.constant 0 : i32
        %dma_start3A_66 = tpu.memref_slice %arg7[%dma_start3A_64, %dma_start3A_65] : memref<10000x128xf32, #tpu.memory_space<hbm>> -> memref<10000x128xf32, #tpu.memory_space<hbm>>
        tpu.enqueue_indirect_dma source(%dma_start3A_66 : memref<10000x128xf32, #tpu.memory_space<hbm>>) target(%arg22 : memref<40x128xf32, #tpu.memory_space<vmem>>) offsets(%arg18 : memref<40xi32, #tpu.memory_space<vmem>>) semaphore(%arg30 : memref<!tpu.dma_semaphore, #tpu.memory_space<semaphore_mem>>)
        %dma_start3A_67 = arith.constant 0 : i32
        %dma_start3A_68 = arith.constant 0 : i32
        %dma_start3A_69 = tpu.memref_slice %arg9[%dma_start3A_67, %dma_start3A_68] : memref<10000x128xf32, #tpu.memory_space<hbm>> -> memref<10000x128xf32, #tpu.memory_space<hbm>>
        tpu.enqueue_indirect_dma source(%dma_start3A_69 : memref<10000x128xf32, #tpu.memory_space<hbm>>) target(%arg24 : memref<40x128xf32, #tpu.memory_space<vmem>>) offsets(%arg20 : memref<40xi32, #tpu.memory_space<vmem>>) semaphore(%arg30 : memref<!tpu.dma_semaphore, #tpu.memory_space<semaphore_mem>>)
        %dma_start3A_70 = arith.constant 0 : i32
        %dma_start3A_71 = arith.constant 0 : i32
        %dma_start3A_72 = tpu.memref_slice %arg5[%dma_start3A_70, %dma_start3A_71] : memref<10000x128xf32, #tpu.memory_space<hbm>> -> memref<10000x128xf32, #tpu.memory_space<hbm>>
        tpu.enqueue_indirect_dma source(%dma_start3A_72 : memref<10000x128xf32, #tpu.memory_space<hbm>>) target(%arg28 : memref<40x128xf32, #tpu.memory_space<vmem>>) offsets(%arg18 : memref<40xi32, #tpu.memory_space<vmem>>) semaphore(%arg30 : memref<!tpu.dma_semaphore, #tpu.memory_space<semaphore_mem>>)
        %mul3A_73 = arith.constant 40 : i32
        %mul3A_74 = arith.muli %add3A_51, %mul3A_73 : i32
        %add3A_75 = arith.addi %mul3A_16, %mul3A_74 : i32
        %dma_wait3A = arith.constant 0 : i32
        %dma_wait3A_76 = tpu.memref_slice %arg11[%add3A_75, %dma_wait3A] : memref<160000x128xf32, #tpu.memory_space<hbm>> -> memref<40x128xf32, #tpu.memory_space<hbm>>
        %dma_wait3A_77 = arith.constant 0 : i32
        %dma_wait3A_78 = tpu.memref_slice %arg11[%add3A_75, %dma_wait3A_77] : memref<160000x128xf32, #tpu.memory_space<hbm>> -> memref<40x128xf32, #tpu.memory_space<hbm>>
        tpu.wait_dma2 semaphore(%arg29 : memref<!tpu.dma_semaphore, #tpu.memory_space<semaphore_mem>>) src(%dma_wait3A_78 : memref<40x128xf32, #tpu.memory_space<hbm>>) dst(%arg25 : memref<40x128xf32, #tpu.memory_space<vmem>>)
        %dma_wait3A_79 = arith.constant 0 : i32
        %dma_wait3A_80 = arith.constant 0 : i32
        %dma_wait3A_81 = tpu.memref_slice %arg7[%dma_wait3A_79, %dma_wait3A_80] : memref<10000x128xf32, #tpu.memory_space<hbm>> -> memref<10000x128xf32, #tpu.memory_space<hbm>>
        tpu.wait_indirect_dma semaphore(%arg29 : memref<!tpu.dma_semaphore, #tpu.memory_space<semaphore_mem>>) src(%dma_wait3A_81 : memref<10000x128xf32, #tpu.memory_space<hbm>>) dst(%arg21 : memref<40x128xf32, #tpu.memory_space<vmem>>)
        %dma_wait3A_82 = arith.constant 0 : i32
        %dma_wait3A_83 = arith.constant 0 : i32
        %dma_wait3A_84 = tpu.memref_slice %arg9[%dma_wait3A_82, %dma_wait3A_83] : memref<10000x128xf32, #tpu.memory_space<hbm>> -> memref<10000x128xf32, #tpu.memory_space<hbm>>
        tpu.wait_indirect_dma semaphore(%arg29 : memref<!tpu.dma_semaphore, #tpu.memory_space<semaphore_mem>>) src(%dma_wait3A_84 : memref<10000x128xf32, #tpu.memory_space<hbm>>) dst(%arg23 : memref<40x128xf32, #tpu.memory_space<vmem>>)
        %dma_wait3A_85 = arith.constant 0 : i32
        %dma_wait3A_86 = arith.constant 0 : i32
        %dma_wait3A_87 = tpu.memref_slice %arg5[%dma_wait3A_85, %dma_wait3A_86] : memref<10000x128xf32, #tpu.memory_space<hbm>> -> memref<10000x128xf32, #tpu.memory_space<hbm>>
        tpu.wait_indirect_dma semaphore(%arg29 : memref<!tpu.dma_semaphore, #tpu.memory_space<semaphore_mem>>) src(%dma_wait3A_87 : memref<10000x128xf32, #tpu.memory_space<hbm>>) dst(%arg27 : memref<40x128xf32, #tpu.memory_space<vmem>>)
        %scan3A_88 = arith.constant 0 : i32
        %scan3A_89 = arith.constant 0 : i32
        %scan3A_90 = arith.constant 40 : i32
        %scan3A_91 = arith.addi %scan3A_89, %scan3A_90 : i32
        %scan3A_92 = arith.constant 1 : i32
        scf.for %scan3A_130 = %scan3A_89 to %scan3A_91 step %scan3A_92  : i32 {
          %get3A = arith.index_cast %scan3A_130 : i32 to index
          %get3A_131 = arith.constant 0 : index
          %get3A_132 = tpu.vector_load %arg21[%get3A, %get3A_131] {strides = array<i32>} : memref<40x128xf32, #tpu.memory_space<vmem>>, vector<1x16xf32>,
          %get3A_133 = vector.shape_cast %get3A_132 : vector<1x16xf32> to vector<16xf32>
          %get3A_134 = arith.index_cast %scan3A_130 : i32 to index
          %get3A_135 = arith.constant 0 : index
          %get3A_136 = tpu.vector_load %arg23[%get3A_134, %get3A_135] {strides = array<i32>} : memref<40x128xf32, #tpu.memory_space<vmem>>, vector<1x16xf32>,
          %get3A_137 = vector.shape_cast %get3A_136 : vector<1x16xf32> to vector<16xf32>
          %add3A_138 = arith.addf %get3A_133, %get3A_137 : vector<16xf32>
          %get3A_139 = arith.index_cast %scan3A_130 : i32 to index
          %get3A_140 = arith.constant 0 : index
          %get3A_141 = tpu.vector_load %arg25[%get3A_139, %get3A_140] {strides = array<i32>} : memref<40x128xf32, #tpu.memory_space<vmem>>, vector<1x16xf32>,
          %get3A_142 = vector.shape_cast %get3A_141 : vector<1x16xf32> to vector<16xf32>
          %add3A_143 = arith.addf %add3A_138, %get3A_142 : vector<16xf32>
          %swap3A = arith.index_cast %scan3A_130 : i32 to index
          %swap3A_144 = arith.constant 0 : index
          %swap3A_145 = tpu.vector_load %arg25[%swap3A, %swap3A_144] {strides = array<i32>} : memref<40x128xf32, #tpu.memory_space<vmem>>, vector<1x16xf32>,
          %swap3A_146 = vector.shape_cast %swap3A_145 : vector<1x16xf32> to vector<16xf32>
          %swap3A_147 = vector.shape_cast %add3A_143 : vector<16xf32> to vector<1x16xf32>
          tpu.vector_store %arg25[%swap3A, %swap3A_144], %swap3A_147 {strides = array<i32>} : memref<40x128xf32, #tpu.memory_space<vmem>>, vector<1x16xf32>,
          %neg3A = arith.constant 0.000000e+00 : f32
          %neg3A_148 = vector.broadcast %neg3A : f32 to vector<16xf32>
          %neg3A_149 = arith.subf %neg3A_148, %add3A_143 : vector<16xf32>
          %exp3A = math.exp %neg3A_149 : vector<16xf32>
          %add3A_150 = arith.constant 1.000000e+00 : f32
          %add3A_151 = vector.broadcast %add3A_150 : f32 to vector<16xf32>
          %add3A_152 = arith.addf %add3A_151, %exp3A : vector<16xf32>
          %div3A = arith.constant 1.000000e+00 : f32
          %div3A_153 = vector.broadcast %div3A : f32 to vector<16xf32>
          %div3A_154 = arith.divf %div3A_153, %add3A_152 : vector<16xf32>
          %get3A_155 = arith.index_cast %scan3A_130 : i32 to index
          %get3A_156 = arith.constant 0 : index
          %get3A_157 = tpu.vector_load %arg27[%get3A_155, %get3A_156] {strides = array<i32>} : memref<40x128xf32, #tpu.memory_space<vmem>>, vector<1x16xf32>,
          %get3A_158 = vector.shape_cast %get3A_157 : vector<1x16xf32> to vector<16xf32>
          %mul3A_159 = arith.mulf %div3A_154, %get3A_158 : vector<16xf32>
          %swap3A_160 = arith.index_cast %scan3A_130 : i32 to index
          %swap3A_161 = arith.constant 0 : index
          %swap3A_162 = tpu.vector_load %arg27[%swap3A_160, %swap3A_161] {strides = array<i32>} : memref<40x128xf32, #tpu.memory_space<vmem>>, vector<1x16xf32>,
          %swap3A_163 = vector.shape_cast %swap3A_162 : vector<1x16xf32> to vector<16xf32>
          %swap3A_164 = vector.shape_cast %mul3A_159 : vector<16xf32> to vector<1x16xf32>
          tpu.vector_store %arg27[%swap3A_160, %swap3A_161], %swap3A_164 {strides = array<i32>} : memref<40x128xf32, #tpu.memory_space<vmem>>, vector<1x16xf32>,
          %get3A_165 = arith.index_cast %scan3A_130 : i32 to index
          %get3A_166 = arith.constant 16 : index
          %get3A_167 = tpu.vector_load %arg21[%get3A_165, %get3A_166] {strides = array<i32>} : memref<40x128xf32, #tpu.memory_space<vmem>>, vector<1x16xf32>,
          %get3A_168 = vector.shape_cast %get3A_167 : vector<1x16xf32> to vector<16xf32>
          %get3A_169 = arith.index_cast %scan3A_130 : i32 to index
          %get3A_170 = arith.constant 16 : index
          %get3A_171 = tpu.vector_load %arg23[%get3A_169, %get3A_170] {strides = array<i32>} : memref<40x128xf32, #tpu.memory_space<vmem>>, vector<1x16xf32>,
          %get3A_172 = vector.shape_cast %get3A_171 : vector<1x16xf32> to vector<16xf32>
          %add3A_173 = arith.addf %get3A_168, %get3A_172 : vector<16xf32>
          %get3A_174 = arith.index_cast %scan3A_130 : i32 to index
          %get3A_175 = arith.constant 16 : index
          %get3A_176 = tpu.vector_load %arg25[%get3A_174, %get3A_175] {strides = array<i32>} : memref<40x128xf32, #tpu.memory_space<vmem>>, vector<1x16xf32>,
          %get3A_177 = vector.shape_cast %get3A_176 : vector<1x16xf32> to vector<16xf32>
          %add3A_178 = arith.addf %add3A_173, %get3A_177 : vector<16xf32>
          %swap3A_179 = arith.index_cast %scan3A_130 : i32 to index
          %swap3A_180 = arith.constant 16 : index
          %swap3A_181 = tpu.vector_load %arg25[%swap3A_179, %swap3A_180] {strides = array<i32>} : memref<40x128xf32, #tpu.memory_space<vmem>>, vector<1x16xf32>,
          %swap3A_182 = vector.shape_cast %swap3A_181 : vector<1x16xf32> to vector<16xf32>
          %swap3A_183 = vector.shape_cast %add3A_178 : vector<16xf32> to vector<1x16xf32>
          tpu.vector_store %arg25[%swap3A_179, %swap3A_180], %swap3A_183 {strides = array<i32>} : memref<40x128xf32, #tpu.memory_space<vmem>>, vector<1x16xf32>,
          %neg3A_184 = arith.constant 0.000000e+00 : f32
          %neg3A_185 = vector.broadcast %neg3A_184 : f32 to vector<16xf32>
          %neg3A_186 = arith.subf %neg3A_185, %add3A_178 : vector<16xf32>
          %exp3A_187 = math.exp %neg3A_186 : vector<16xf32>
          %add3A_188 = arith.constant 1.000000e+00 : f32
          %add3A_189 = vector.broadcast %add3A_188 : f32 to vector<16xf32>
          %add3A_190 = arith.addf %add3A_189, %exp3A_187 : vector<16xf32>
          %div3A_191 = arith.constant 1.000000e+00 : f32
          %div3A_192 = vector.broadcast %div3A_191 : f32 to vector<16xf32>
          %div3A_193 = arith.divf %div3A_192, %add3A_190 : vector<16xf32>
          %get3A_194 = arith.index_cast %scan3A_130 : i32 to index
          %get3A_195 = arith.constant 16 : index
          %get3A_196 = tpu.vector_load %arg27[%get3A_194, %get3A_195] {strides = array<i32>} : memref<40x128xf32, #tpu.memory_space<vmem>>, vector<1x16xf32>,
          %get3A_197 = vector.shape_cast %get3A_196 : vector<1x16xf32> to vector<16xf32>
          %mul3A_198 = arith.mulf %div3A_193, %get3A_197 : vector<16xf32>
          %swap3A_199 = arith.index_cast %scan3A_130 : i32 to index
          %swap3A_200 = arith.constant 16 : index
          %swap3A_201 = tpu.vector_load %arg27[%swap3A_199, %swap3A_200] {strides = array<i32>} : memref<40x128xf32, #tpu.memory_space<vmem>>, vector<1x16xf32>,
          %swap3A_202 = vector.shape_cast %swap3A_201 : vector<1x16xf32> to vector<16xf32>
          %swap3A_203 = vector.shape_cast %mul3A_198 : vector<16xf32> to vector<1x16xf32>
          tpu.vector_store %arg27[%swap3A_199, %swap3A_200], %swap3A_203 {strides = array<i32>} : memref<40x128xf32, #tpu.memory_space<vmem>>, vector<1x16xf32>,
          %get3A_204 = arith.index_cast %scan3A_130 : i32 to index
          %get3A_205 = arith.constant 32 : index
          %get3A_206 = tpu.vector_load %arg21[%get3A_204, %get3A_205] {strides = array<i32>} : memref<40x128xf32, #tpu.memory_space<vmem>>, vector<1x16xf32>,
          %get3A_207 = vector.shape_cast %get3A_206 : vector<1x16xf32> to vector<16xf32>
          %get3A_208 = arith.index_cast %scan3A_130 : i32 to index
          %get3A_209 = arith.constant 32 : index
          %get3A_210 = tpu.vector_load %arg23[%get3A_208, %get3A_209] {strides = array<i32>} : memref<40x128xf32, #tpu.memory_space<vmem>>, vector<1x16xf32>,
          %get3A_211 = vector.shape_cast %get3A_210 : vector<1x16xf32> to vector<16xf32>
          %add3A_212 = arith.addf %get3A_207, %get3A_211 : vector<16xf32>
          %get3A_213 = arith.index_cast %scan3A_130 : i32 to index
          %get3A_214 = arith.constant 32 : index
          %get3A_215 = tpu.vector_load %arg25[%get3A_213, %get3A_214] {strides = array<i32>} : memref<40x128xf32, #tpu.memory_space<vmem>>, vector<1x16xf32>,
          %get3A_216 = vector.shape_cast %get3A_215 : vector<1x16xf32> to vector<16xf32>
          %add3A_217 = arith.addf %add3A_212, %get3A_216 : vector<16xf32>
          %swap3A_218 = arith.index_cast %scan3A_130 : i32 to index
          %swap3A_219 = arith.constant 32 : index
          %swap3A_220 = tpu.vector_load %arg25[%swap3A_218, %swap3A_219] {strides = array<i32>} : memref<40x128xf32, #tpu.memory_space<vmem>>, vector<1x16xf32>,
          %swap3A_221 = vector.shape_cast %swap3A_220 : vector<1x16xf32> to vector<16xf32>
          %swap3A_222 = vector.shape_cast %add3A_217 : vector<16xf32> to vector<1x16xf32>
          tpu.vector_store %arg25[%swap3A_218, %swap3A_219], %swap3A_222 {strides = array<i32>} : memref<40x128xf32, #tpu.memory_space<vmem>>, vector<1x16xf32>,
          %neg3A_223 = arith.constant 0.000000e+00 : f32
          %neg3A_224 = vector.broadcast %neg3A_223 : f32 to vector<16xf32>
          %neg3A_225 = arith.subf %neg3A_224, %add3A_217 : vector<16xf32>
          %exp3A_226 = math.exp %neg3A_225 : vector<16xf32>
          %add3A_227 = arith.constant 1.000000e+00 : f32
          %add3A_228 = vector.broadcast %add3A_227 : f32 to vector<16xf32>
          %add3A_229 = arith.addf %add3A_228, %exp3A_226 : vector<16xf32>
          %div3A_230 = arith.constant 1.000000e+00 : f32
          %div3A_231 = vector.broadcast %div3A_230 : f32 to vector<16xf32>
          %div3A_232 = arith.divf %div3A_231, %add3A_229 : vector<16xf32>
          %get3A_233 = arith.index_cast %scan3A_130 : i32 to index
          %get3A_234 = arith.constant 32 : index
          %get3A_235 = tpu.vector_load %arg27[%get3A_233, %get3A_234] {strides = array<i32>} : memref<40x128xf32, #tpu.memory_space<vmem>>, vector<1x16xf32>,
          %get3A_236 = vector.shape_cast %get3A_235 : vector<1x16xf32> to vector<16xf32>
          %mul3A_237 = arith.mulf %div3A_232, %get3A_236 : vector<16xf32>
          %swap3A_238 = arith.index_cast %scan3A_130 : i32 to index
          %swap3A_239 = arith.constant 32 : index
          %swap3A_240 = tpu.vector_load %arg27[%swap3A_238, %swap3A_239] {strides = array<i32>} : memref<40x128xf32, #tpu.memory_space<vmem>>, vector<1x16xf32>,
          %swap3A_241 = vector.shape_cast %swap3A_240 : vector<1x16xf32> to vector<16xf32>
          %swap3A_242 = vector.shape_cast %mul3A_237 : vector<16xf32> to vector<1x16xf32>
          tpu.vector_store %arg27[%swap3A_238, %swap3A_239], %swap3A_242 {strides = array<i32>} : memref<40x128xf32, #tpu.memory_space<vmem>>, vector<1x16xf32>,
          %get3A_243 = arith.index_cast %scan3A_130 : i32 to index
          %get3A_244 = arith.constant 48 : index
          %get3A_245 = tpu.vector_load %arg21[%get3A_243, %get3A_244] {strides = array<i32>} : memref<40x128xf32, #tpu.memory_space<vmem>>, vector<1x16xf32>,
          %get3A_246 = vector.shape_cast %get3A_245 : vector<1x16xf32> to vector<16xf32>
          %get3A_247 = arith.index_cast %scan3A_130 : i32 to index
          %get3A_248 = arith.constant 48 : index
          %get3A_249 = tpu.vector_load %arg23[%get3A_247, %get3A_248] {strides = array<i32>} : memref<40x128xf32, #tpu.memory_space<vmem>>, vector<1x16xf32>,
          %get3A_250 = vector.shape_cast %get3A_249 : vector<1x16xf32> to vector<16xf32>
          %add3A_251 = arith.addf %get3A_246, %get3A_250 : vector<16xf32>
          %get3A_252 = arith.index_cast %scan3A_130 : i32 to index
          %get3A_253 = arith.constant 48 : index
          %get3A_254 = tpu.vector_load %arg25[%get3A_252, %get3A_253] {strides = array<i32>} : memref<40x128xf32, #tpu.memory_space<vmem>>, vector<1x16xf32>,
          %get3A_255 = vector.shape_cast %get3A_254 : vector<1x16xf32> to vector<16xf32>
          %add3A_256 = arith.addf %add3A_251, %get3A_255 : vector<16xf32>
          %swap3A_257 = arith.index_cast %scan3A_130 : i32 to index
          %swap3A_258 = arith.constant 48 : index
          %swap3A_259 = tpu.vector_load %arg25[%swap3A_257, %swap3A_258] {strides = array<i32>} : memref<40x128xf32, #tpu.memory_space<vmem>>, vector<1x16xf32>,
          %swap3A_260 = vector.shape_cast %swap3A_259 : vector<1x16xf32> to vector<16xf32>
          %swap3A_261 = vector.shape_cast %add3A_256 : vector<16xf32> to vector<1x16xf32>
          tpu.vector_store %arg25[%swap3A_257, %swap3A_258], %swap3A_261 {strides = array<i32>} : memref<40x128xf32, #tpu.memory_space<vmem>>, vector<1x16xf32>,
          %neg3A_262 = arith.constant 0.000000e+00 : f32
          %neg3A_263 = vector.broadcast %neg3A_262 : f32 to vector<16xf32>
          %neg3A_264 = arith.subf %neg3A_263, %add3A_256 : vector<16xf32>
          %exp3A_265 = math.exp %neg3A_264 : vector<16xf32>
          %add3A_266 = arith.constant 1.000000e+00 : f32
          %add3A_267 = vector.broadcast %add3A_266 : f32 to vector<16xf32>
          %add3A_268 = arith.addf %add3A_267, %exp3A_265 : vector<16xf32>
          %div3A_269 = arith.constant 1.000000e+00 : f32
          %div3A_270 = vector.broadcast %div3A_269 : f32 to vector<16xf32>
          %div3A_271 = arith.divf %div3A_270, %add3A_268 : vector<16xf32>
          %get3A_272 = arith.index_cast %scan3A_130 : i32 to index
          %get3A_273 = arith.constant 48 : index
          %get3A_274 = tpu.vector_load %arg27[%get3A_272, %get3A_273] {strides = array<i32>} : memref<40x128xf32, #tpu.memory_space<vmem>>, vector<1x16xf32>,
          %get3A_275 = vector.shape_cast %get3A_274 : vector<1x16xf32> to vector<16xf32>
          %mul3A_276 = arith.mulf %div3A_271, %get3A_275 : vector<16xf32>
          %swap3A_277 = arith.index_cast %scan3A_130 : i32 to index
          %swap3A_278 = arith.constant 48 : index
          %swap3A_279 = tpu.vector_load %arg27[%swap3A_277, %swap3A_278] {strides = array<i32>} : memref<40x128xf32, #tpu.memory_space<vmem>>, vector<1x16xf32>,
          %swap3A_280 = vector.shape_cast %swap3A_279 : vector<1x16xf32> to vector<16xf32>
          %swap3A_281 = vector.shape_cast %mul3A_276 : vector<16xf32> to vector<1x16xf32>
          tpu.vector_store %arg27[%swap3A_277, %swap3A_278], %swap3A_281 {strides = array<i32>} : memref<40x128xf32, #tpu.memory_space<vmem>>, vector<1x16xf32>,
          %get3A_282 = arith.index_cast %scan3A_130 : i32 to index
          %get3A_283 = arith.constant 64 : index
          %get3A_284 = tpu.vector_load %arg21[%get3A_282, %get3A_283] {strides = array<i32>} : memref<40x128xf32, #tpu.memory_space<vmem>>, vector<1x16xf32>,
          %get3A_285 = vector.shape_cast %get3A_284 : vector<1x16xf32> to vector<16xf32>
          %get3A_286 = arith.index_cast %scan3A_130 : i32 to index
          %get3A_287 = arith.constant 64 : index
          %get3A_288 = tpu.vector_load %arg23[%get3A_286, %get3A_287] {strides = array<i32>} : memref<40x128xf32, #tpu.memory_space<vmem>>, vector<1x16xf32>,
          %get3A_289 = vector.shape_cast %get3A_288 : vector<1x16xf32> to vector<16xf32>
          %add3A_290 = arith.addf %get3A_285, %get3A_289 : vector<16xf32>
          %get3A_291 = arith.index_cast %scan3A_130 : i32 to index
          %get3A_292 = arith.constant 64 : index
          %get3A_293 = tpu.vector_load %arg25[%get3A_291, %get3A_292] {strides = array<i32>} : memref<40x128xf32, #tpu.memory_space<vmem>>, vector<1x16xf32>,
          %get3A_294 = vector.shape_cast %get3A_293 : vector<1x16xf32> to vector<16xf32>
          %add3A_295 = arith.addf %add3A_290, %get3A_294 : vector<16xf32>
          %swap3A_296 = arith.index_cast %scan3A_130 : i32 to index
          %swap3A_297 = arith.constant 64 : index
          %swap3A_298 = tpu.vector_load %arg25[%swap3A_296, %swap3A_297] {strides = array<i32>} : memref<40x128xf32, #tpu.memory_space<vmem>>, vector<1x16xf32>,
          %swap3A_299 = vector.shape_cast %swap3A_298 : vector<1x16xf32> to vector<16xf32>
          %swap3A_300 = vector.shape_cast %add3A_295 : vector<16xf32> to vector<1x16xf32>
          tpu.vector_store %arg25[%swap3A_296, %swap3A_297], %swap3A_300 {strides = array<i32>} : memref<40x128xf32, #tpu.memory_space<vmem>>, vector<1x16xf32>,
          %neg3A_301 = arith.constant 0.000000e+00 : f32
          %neg3A_302 = vector.broadcast %neg3A_301 : f32 to vector<16xf32>
          %neg3A_303 = arith.subf %neg3A_302, %add3A_295 : vector<16xf32>
          %exp3A_304 = math.exp %neg3A_303 : vector<16xf32>
          %add3A_305 = arith.constant 1.000000e+00 : f32
          %add3A_306 = vector.broadcast %add3A_305 : f32 to vector<16xf32>
          %add3A_307 = arith.addf %add3A_306, %exp3A_304 : vector<16xf32>
          %div3A_308 = arith.constant 1.000000e+00 : f32
          %div3A_309 = vector.broadcast %div3A_308 : f32 to vector<16xf32>
          %div3A_310 = arith.divf %div3A_309, %add3A_307 : vector<16xf32>
          %get3A_311 = arith.index_cast %scan3A_130 : i32 to index
          %get3A_312 = arith.constant 64 : index
          %get3A_313 = tpu.vector_load %arg27[%get3A_311, %get3A_312] {strides = array<i32>} : memref<40x128xf32, #tpu.memory_space<vmem>>, vector<1x16xf32>,
          %get3A_314 = vector.shape_cast %get3A_313 : vector<1x16xf32> to vector<16xf32>
          %mul3A_315 = arith.mulf %div3A_310, %get3A_314 : vector<16xf32>
          %swap3A_316 = arith.index_cast %scan3A_130 : i32 to index
          %swap3A_317 = arith.constant 64 : index
          %swap3A_318 = tpu.vector_load %arg27[%swap3A_316, %swap3A_317] {strides = array<i32>} : memref<40x128xf32, #tpu.memory_space<vmem>>, vector<1x16xf32>,
          %swap3A_319 = vector.shape_cast %swap3A_318 : vector<1x16xf32> to vector<16xf32>
          %swap3A_320 = vector.shape_cast %mul3A_315 : vector<16xf32> to vector<1x16xf32>
          tpu.vector_store %arg27[%swap3A_316, %swap3A_317], %swap3A_320 {strides = array<i32>} : memref<40x128xf32, #tpu.memory_space<vmem>>, vector<1x16xf32>,
          %get3A_321 = arith.index_cast %scan3A_130 : i32 to index
          %get3A_322 = arith.constant 80 : index
          %get3A_323 = tpu.vector_load %arg21[%get3A_321, %get3A_322] {strides = array<i32>} : memref<40x128xf32, #tpu.memory_space<vmem>>, vector<1x16xf32>,
          %get3A_324 = vector.shape_cast %get3A_323 : vector<1x16xf32> to vector<16xf32>
          %get3A_325 = arith.index_cast %scan3A_130 : i32 to index
          %get3A_326 = arith.constant 80 : index
          %get3A_327 = tpu.vector_load %arg23[%get3A_325, %get3A_326] {strides = array<i32>} : memref<40x128xf32, #tpu.memory_space<vmem>>, vector<1x16xf32>,
          %get3A_328 = vector.shape_cast %get3A_327 : vector<1x16xf32> to vector<16xf32>
          %add3A_329 = arith.addf %get3A_324, %get3A_328 : vector<16xf32>
          %get3A_330 = arith.index_cast %scan3A_130 : i32 to index
          %get3A_331 = arith.constant 80 : index
          %get3A_332 = tpu.vector_load %arg25[%get3A_330, %get3A_331] {strides = array<i32>} : memref<40x128xf32, #tpu.memory_space<vmem>>, vector<1x16xf32>,
          %get3A_333 = vector.shape_cast %get3A_332 : vector<1x16xf32> to vector<16xf32>
          %add3A_334 = arith.addf %add3A_329, %get3A_333 : vector<16xf32>
          %swap3A_335 = arith.index_cast %scan3A_130 : i32 to index
          %swap3A_336 = arith.constant 80 : index
          %swap3A_337 = tpu.vector_load %arg25[%swap3A_335, %swap3A_336] {strides = array<i32>} : memref<40x128xf32, #tpu.memory_space<vmem>>, vector<1x16xf32>,
          %swap3A_338 = vector.shape_cast %swap3A_337 : vector<1x16xf32> to vector<16xf32>
          %swap3A_339 = vector.shape_cast %add3A_334 : vector<16xf32> to vector<1x16xf32>
          tpu.vector_store %arg25[%swap3A_335, %swap3A_336], %swap3A_339 {strides = array<i32>} : memref<40x128xf32, #tpu.memory_space<vmem>>, vector<1x16xf32>,
          %neg3A_340 = arith.constant 0.000000e+00 : f32
          %neg3A_341 = vector.broadcast %neg3A_340 : f32 to vector<16xf32>
          %neg3A_342 = arith.subf %neg3A_341, %add3A_334 : vector<16xf32>
          %exp3A_343 = math.exp %neg3A_342 : vector<16xf32>
          %add3A_344 = arith.constant 1.000000e+00 : f32
          %add3A_345 = vector.broadcast %add3A_344 : f32 to vector<16xf32>
          %add3A_346 = arith.addf %add3A_345, %exp3A_343 : vector<16xf32>
          %div3A_347 = arith.constant 1.000000e+00 : f32
          %div3A_348 = vector.broadcast %div3A_347 : f32 to vector<16xf32>
          %div3A_349 = arith.divf %div3A_348, %add3A_346 : vector<16xf32>
          %get3A_350 = arith.index_cast %scan3A_130 : i32 to index
          %get3A_351 = arith.constant 80 : index
          %get3A_352 = tpu.vector_load %arg27[%get3A_350, %get3A_351] {strides = array<i32>} : memref<40x128xf32, #tpu.memory_space<vmem>>, vector<1x16xf32>,
          %get3A_353 = vector.shape_cast %get3A_352 : vector<1x16xf32> to vector<16xf32>
          %mul3A_354 = arith.mulf %div3A_349, %get3A_353 : vector<16xf32>
          %swap3A_355 = arith.index_cast %scan3A_130 : i32 to index
          %swap3A_356 = arith.constant 80 : index
          %swap3A_357 = tpu.vector_load %arg27[%swap3A_355, %swap3A_356] {strides = array<i32>} : memref<40x128xf32, #tpu.memory_space<vmem>>, vector<1x16xf32>,
          %swap3A_358 = vector.shape_cast %swap3A_357 : vector<1x16xf32> to vector<16xf32>
          %swap3A_359 = vector.shape_cast %mul3A_354 : vector<16xf32> to vector<1x16xf32>
          tpu.vector_store %arg27[%swap3A_355, %swap3A_356], %swap3A_359 {strides = array<i32>} : memref<40x128xf32, #tpu.memory_space<vmem>>, vector<1x16xf32>,
          %get3A_360 = arith.index_cast %scan3A_130 : i32 to index
          %get3A_361 = arith.constant 96 : index
          %get3A_362 = tpu.vector_load %arg21[%get3A_360, %get3A_361] {strides = array<i32>} : memref<40x128xf32, #tpu.memory_space<vmem>>, vector<1x16xf32>,
          %get3A_363 = vector.shape_cast %get3A_362 : vector<1x16xf32> to vector<16xf32>
          %get3A_364 = arith.index_cast %scan3A_130 : i32 to index
          %get3A_365 = arith.constant 96 : index
          %get3A_366 = tpu.vector_load %arg23[%get3A_364, %get3A_365] {strides = array<i32>} : memref<40x128xf32, #tpu.memory_space<vmem>>, vector<1x16xf32>,
          %get3A_367 = vector.shape_cast %get3A_366 : vector<1x16xf32> to vector<16xf32>
          %add3A_368 = arith.addf %get3A_363, %get3A_367 : vector<16xf32>
          %get3A_369 = arith.index_cast %scan3A_130 : i32 to index
          %get3A_370 = arith.constant 96 : index
          %get3A_371 = tpu.vector_load %arg25[%get3A_369, %get3A_370] {strides = array<i32>} : memref<40x128xf32, #tpu.memory_space<vmem>>, vector<1x16xf32>,
          %get3A_372 = vector.shape_cast %get3A_371 : vector<1x16xf32> to vector<16xf32>
          %add3A_373 = arith.addf %add3A_368, %get3A_372 : vector<16xf32>
          %swap3A_374 = arith.index_cast %scan3A_130 : i32 to index
          %swap3A_375 = arith.constant 96 : index
          %swap3A_376 = tpu.vector_load %arg25[%swap3A_374, %swap3A_375] {strides = array<i32>} : memref<40x128xf32, #tpu.memory_space<vmem>>, vector<1x16xf32>,
          %swap3A_377 = vector.shape_cast %swap3A_376 : vector<1x16xf32> to vector<16xf32>
          %swap3A_378 = vector.shape_cast %add3A_373 : vector<16xf32> to vector<1x16xf32>
          tpu.vector_store %arg25[%swap3A_374, %swap3A_375], %swap3A_378 {strides = array<i32>} : memref<40x128xf32, #tpu.memory_space<vmem>>, vector<1x16xf32>,
          %neg3A_379 = arith.constant 0.000000e+00 : f32
          %neg3A_380 = vector.broadcast %neg3A_379 : f32 to vector<16xf32>
          %neg3A_381 = arith.subf %neg3A_380, %add3A_373 : vector<16xf32>
          %exp3A_382 = math.exp %neg3A_381 : vector<16xf32>
          %add3A_383 = arith.constant 1.000000e+00 : f32
          %add3A_384 = vector.broadcast %add3A_383 : f32 to vector<16xf32>
          %add3A_385 = arith.addf %add3A_384, %exp3A_382 : vector<16xf32>
          %div3A_386 = arith.constant 1.000000e+00 : f32
          %div3A_387 = vector.broadcast %div3A_386 : f32 to vector<16xf32>
          %div3A_388 = arith.divf %div3A_387, %add3A_385 : vector<16xf32>
          %get3A_389 = arith.index_cast %scan3A_130 : i32 to index
          %get3A_390 = arith.constant 96 : index
          %get3A_391 = tpu.vector_load %arg27[%get3A_389, %get3A_390] {strides = array<i32>} : memref<40x128xf32, #tpu.memory_space<vmem>>, vector<1x16xf32>,
          %get3A_392 = vector.shape_cast %get3A_391 : vector<1x16xf32> to vector<16xf32>
          %mul3A_393 = arith.mulf %div3A_388, %get3A_392 : vector<16xf32>
          %swap3A_394 = arith.index_cast %scan3A_130 : i32 to index
          %swap3A_395 = arith.constant 96 : index
          %swap3A_396 = tpu.vector_load %arg27[%swap3A_394, %swap3A_395] {strides = array<i32>} : memref<40x128xf32, #tpu.memory_space<vmem>>, vector<1x16xf32>,
          %swap3A_397 = vector.shape_cast %swap3A_396 : vector<1x16xf32> to vector<16xf32>
          %swap3A_398 = vector.shape_cast %mul3A_393 : vector<16xf32> to vector<1x16xf32>
          tpu.vector_store %arg27[%swap3A_394, %swap3A_395], %swap3A_398 {strides = array<i32>} : memref<40x128xf32, #tpu.memory_space<vmem>>, vector<1x16xf32>,
          %get3A_399 = arith.index_cast %scan3A_130 : i32 to index
          %get3A_400 = arith.constant 112 : index
          %get3A_401 = tpu.vector_load %arg21[%get3A_399, %get3A_400] {strides = array<i32>} : memref<40x128xf32, #tpu.memory_space<vmem>>, vector<1x16xf32>,
          %get3A_402 = vector.shape_cast %get3A_401 : vector<1x16xf32> to vector<16xf32>
          %get3A_403 = arith.index_cast %scan3A_130 : i32 to index
          %get3A_404 = arith.constant 112 : index
          %get3A_405 = tpu.vector_load %arg23[%get3A_403, %get3A_404] {strides = array<i32>} : memref<40x128xf32, #tpu.memory_space<vmem>>, vector<1x16xf32>,
          %get3A_406 = vector.shape_cast %get3A_405 : vector<1x16xf32> to vector<16xf32>
          %add3A_407 = arith.addf %get3A_402, %get3A_406 : vector<16xf32>
          %get3A_408 = arith.index_cast %scan3A_130 : i32 to index
          %get3A_409 = arith.constant 112 : index
          %get3A_410 = tpu.vector_load %arg25[%get3A_408, %get3A_409] {strides = array<i32>} : memref<40x128xf32, #tpu.memory_space<vmem>>, vector<1x16xf32>,
          %get3A_411 = vector.shape_cast %get3A_410 : vector<1x16xf32> to vector<16xf32>
          %add3A_412 = arith.addf %add3A_407, %get3A_411 : vector<16xf32>
          %swap3A_413 = arith.index_cast %scan3A_130 : i32 to index
          %swap3A_414 = arith.constant 112 : index
          %swap3A_415 = tpu.vector_load %arg25[%swap3A_413, %swap3A_414] {strides = array<i32>} : memref<40x128xf32, #tpu.memory_space<vmem>>, vector<1x16xf32>,
          %swap3A_416 = vector.shape_cast %swap3A_415 : vector<1x16xf32> to vector<16xf32>
          %swap3A_417 = vector.shape_cast %add3A_412 : vector<16xf32> to vector<1x16xf32>
          tpu.vector_store %arg25[%swap3A_413, %swap3A_414], %swap3A_417 {strides = array<i32>} : memref<40x128xf32, #tpu.memory_space<vmem>>, vector<1x16xf32>,
          %neg3A_418 = arith.constant 0.000000e+00 : f32
          %neg3A_419 = vector.broadcast %neg3A_418 : f32 to vector<16xf32>
          %neg3A_420 = arith.subf %neg3A_419, %add3A_412 : vector<16xf32>
          %exp3A_421 = math.exp %neg3A_420 : vector<16xf32>
          %add3A_422 = arith.constant 1.000000e+00 : f32
          %add3A_423 = vector.broadcast %add3A_422 : f32 to vector<16xf32>
          %add3A_424 = arith.addf %add3A_423, %exp3A_421 : vector<16xf32>
          %div3A_425 = arith.constant 1.000000e+00 : f32
          %div3A_426 = vector.broadcast %div3A_425 : f32 to vector<16xf32>
          %div3A_427 = arith.divf %div3A_426, %add3A_424 : vector<16xf32>
          %get3A_428 = arith.index_cast %scan3A_130 : i32 to index
          %get3A_429 = arith.constant 112 : index
          %get3A_430 = tpu.vector_load %arg27[%get3A_428, %get3A_429] {strides = array<i32>} : memref<40x128xf32, #tpu.memory_space<vmem>>, vector<1x16xf32>,
          %get3A_431 = vector.shape_cast %get3A_430 : vector<1x16xf32> to vector<16xf32>
          %mul3A_432 = arith.mulf %div3A_427, %get3A_431 : vector<16xf32>
          %swap3A_433 = arith.index_cast %scan3A_130 : i32 to index
          %swap3A_434 = arith.constant 112 : index
          %swap3A_435 = tpu.vector_load %arg27[%swap3A_433, %swap3A_434] {strides = array<i32>} : memref<40x128xf32, #tpu.memory_space<vmem>>, vector<1x16xf32>,
          %swap3A_436 = vector.shape_cast %swap3A_435 : vector<1x16xf32> to vector<16xf32>
          %swap3A_437 = vector.shape_cast %mul3A_432 : vector<16xf32> to vector<1x16xf32>
          tpu.vector_store %arg27[%swap3A_433, %swap3A_434], %swap3A_437 {strides = array<i32>} : memref<40x128xf32, #tpu.memory_space<vmem>>, vector<1x16xf32>,
        }
        %scan3A_93 = arith.constant 40 : i32
        %mul3A_94 = arith.constant 40 : i32
        %mul3A_95 = arith.muli %add3A_51, %mul3A_94 : i32
        %add3A_96 = arith.addi %mul3A_16, %mul3A_95 : i32
        "tpu.region"() ({
          %run_scoped3A = tpu.sem_alloc : memref<!tpu.dma_semaphore, #tpu.memory_space<semaphore_mem>>
          %dma_start3A_130 = arith.constant 0 : i32
          %dma_start3A_131 = tpu.memref_slice %arg14[%add3A_96, %dma_start3A_130] : memref<160000x128xf32, #tpu.memory_space<hbm>> -> memref<40x128xf32, #tpu.memory_space<hbm>>
          %dma_start3A_132 = arith.constant 0 : i32
          %dma_start3A_133 = tpu.memref_slice %arg14[%add3A_96, %dma_start3A_132] : memref<160000x128xf32, #tpu.memory_space<hbm>> -> memref<40x128xf32, #tpu.memory_space<hbm>>
          tpu.enqueue_dma source(%arg25 : memref<40x128xf32, #tpu.memory_space<vmem>>) target(%dma_start3A_133 : memref<40x128xf32, #tpu.memory_space<hbm>>) target_semaphore(%run_scoped3A : memref<!tpu.dma_semaphore, #tpu.memory_space<semaphore_mem>>)
          %dma_wait3A_134 = arith.constant 0 : i32
          %dma_wait3A_135 = tpu.memref_slice %arg14[%add3A_96, %dma_wait3A_134] : memref<160000x128xf32, #tpu.memory_space<hbm>> -> memref<40x128xf32, #tpu.memory_space<hbm>>
          %dma_wait3A_136 = arith.constant 0 : i32
          %dma_wait3A_137 = tpu.memref_slice %arg14[%add3A_96, %dma_wait3A_136] : memref<160000x128xf32, #tpu.memory_space<hbm>> -> memref<40x128xf32, #tpu.memory_space<hbm>>
          tpu.wait_dma2 semaphore(%run_scoped3A : memref<!tpu.dma_semaphore, #tpu.memory_space<semaphore_mem>>) src(%arg25 : memref<40x128xf32, #tpu.memory_space<vmem>>) dst(%dma_wait3A_137 : memref<40x128xf32, #tpu.memory_space<hbm>>)
          tpu.yield
        }) : () -> ()
        "tpu.region"() ({
          %run_scoped3A = tpu.sem_alloc : memref<!tpu.dma_semaphore, #tpu.memory_space<semaphore_mem>>
          %dma_start3A_130 = arith.constant 0 : i32
          %dma_start3A_131 = arith.constant 0 : i32
          %dma_start3A_132 = tpu.memref_slice %arg31[%dma_start3A_130, %dma_start3A_131] : memref<10000x128xf32, #tpu.memory_space<vmem_shared>> -> memref<10000x128xf32, #tpu.memory_space<vmem_shared>>
          tpu.enqueue_indirect_dma source(%arg27 : memref<40x128xf32, #tpu.memory_space<vmem>>) target(%dma_start3A_132 : memref<10000x128xf32, #tpu.memory_space<vmem_shared>>) offsets(%arg19 : memref<40xi32, #tpu.memory_space<vmem>>) semaphore(%run_scoped3A : memref<!tpu.dma_semaphore, #tpu.memory_space<semaphore_mem>>) {add = true}
          %dma_wait3A_133 = arith.constant 0 : i32
          %dma_wait3A_134 = arith.constant 0 : i32
          %dma_wait3A_135 = tpu.memref_slice %arg31[%dma_wait3A_133, %dma_wait3A_134] : memref<10000x128xf32, #tpu.memory_space<vmem_shared>> -> memref<10000x128xf32, #tpu.memory_space<vmem_shared>>
          tpu.wait_indirect_dma semaphore(%run_scoped3A : memref<!tpu.dma_semaphore, #tpu.memory_space<semaphore_mem>>) src(%arg27 : memref<40x128xf32, #tpu.memory_space<vmem>>) dst(%dma_wait3A_135 : memref<10000x128xf32, #tpu.memory_space<vmem_shared>>)
          tpu.yield
        }) : () -> ()
        %mul3A_97 = arith.constant 2 : i32
        %mul3A_98 = arith.muli %scan3A_47, %mul3A_97 : i32
        %add3A_99 = arith.constant 1 : i32
        %add3A_100 = arith.addi %mul3A_98, %add3A_99 : i32
        %lt3A = arith.constant 124 : i32
        %lt3A_101 = arith.cmpi slt, %scan3A_47, %lt3A : i32
        %convert_element_type3A_102 = arith.extui %lt3A_101 : i1 to i32
        %cond3A_103 = arith.constant 0 : i32
        %cond3A_104 = arith.cmpi ne, %convert_element_type3A_102, %cond3A_103 : i32
        scf.if %cond3A_104 {
          %add3A_130 = arith.constant 1 : i32
          %add3A_131 = arith.addi %add3A_100, %add3A_130 : i32
          %mul3A_132 = arith.constant 40 : i32
          %mul3A_133 = arith.muli %add3A_131, %mul3A_132 : i32
          %add3A_134 = arith.addi %mul3A_16, %mul3A_133 : i32
          "tpu.region"() ({
            %run_scoped3A = tpu.sem_alloc : memref<!tpu.dma_semaphore, #tpu.memory_space<semaphore_mem>>
            %dma_start3A_151 = tpu.memref_slice %arg2[%add3A_134] : memref<160000xi32, #tpu.memory_space<hbm>> -> memref<40xi32, #tpu.memory_space<hbm>>
            %dma_start3A_152 = tpu.memref_slice %arg2[%add3A_134] : memref<160000xi32, #tpu.memory_space<hbm>> -> memref<40xi32, #tpu.memory_space<hbm>>
            tpu.enqueue_dma source(%dma_start3A_152 : memref<40xi32, #tpu.memory_space<hbm>>) target(%arg17 : memref<40xi32, #tpu.memory_space<vmem>>) target_semaphore(%run_scoped3A : memref<!tpu.dma_semaphore, #tpu.memory_space<semaphore_mem>>)
            %dma_wait3A_153 = tpu.memref_slice %arg2[%add3A_134] : memref<160000xi32, #tpu.memory_space<hbm>> -> memref<40xi32, #tpu.memory_space<hbm>>
            %dma_wait3A_154 = tpu.memref_slice %arg2[%add3A_134] : memref<160000xi32, #tpu.memory_space<hbm>> -> memref<40xi32, #tpu.memory_space<hbm>>
            tpu.wait_dma2 semaphore(%run_scoped3A : memref<!tpu.dma_semaphore, #tpu.memory_space<semaphore_mem>>) src(%dma_wait3A_154 : memref<40xi32, #tpu.memory_space<hbm>>) dst(%arg17 : memref<40xi32, #tpu.memory_space<vmem>>)
            tpu.yield
          }) : () -> ()
          "tpu.region"() ({
            %run_scoped3A = tpu.sem_alloc : memref<!tpu.dma_semaphore, #tpu.memory_space<semaphore_mem>>
            %dma_start3A_151 = tpu.memref_slice %arg3[%add3A_134] : memref<160000xi32, #tpu.memory_space<hbm>> -> memref<40xi32, #tpu.memory_space<hbm>>
            %dma_start3A_152 = tpu.memref_slice %arg3[%add3A_134] : memref<160000xi32, #tpu.memory_space<hbm>> -> memref<40xi32, #tpu.memory_space<hbm>>
            tpu.enqueue_dma source(%dma_start3A_152 : memref<40xi32, #tpu.memory_space<hbm>>) target(%arg19 : memref<40xi32, #tpu.memory_space<vmem>>) target_semaphore(%run_scoped3A : memref<!tpu.dma_semaphore, #tpu.memory_space<semaphore_mem>>)
            %dma_wait3A_153 = tpu.memref_slice %arg3[%add3A_134] : memref<160000xi32, #tpu.memory_space<hbm>> -> memref<40xi32, #tpu.memory_space<hbm>>
            %dma_wait3A_154 = tpu.memref_slice %arg3[%add3A_134] : memref<160000xi32, #tpu.memory_space<hbm>> -> memref<40xi32, #tpu.memory_space<hbm>>
            tpu.wait_dma2 semaphore(%run_scoped3A : memref<!tpu.dma_semaphore, #tpu.memory_space<semaphore_mem>>) src(%dma_wait3A_154 : memref<40xi32, #tpu.memory_space<hbm>>) dst(%arg19 : memref<40xi32, #tpu.memory_space<vmem>>)
            tpu.yield
          }) : () -> ()
          %mul3A_135 = arith.constant 40 : i32
          %mul3A_136 = arith.muli %add3A_131, %mul3A_135 : i32
          %add3A_137 = arith.addi %mul3A_16, %mul3A_136 : i32
          %dma_start3A_138 = arith.constant 0 : i32
          %dma_start3A_139 = tpu.memref_slice %arg11[%add3A_137, %dma_start3A_138] : memref<160000x128xf32, #tpu.memory_space<hbm>> -> memref<40x128xf32, #tpu.memory_space<hbm>>
          %dma_start3A_140 = arith.constant 0 : i32
          %dma_start3A_141 = tpu.memref_slice %arg11[%add3A_137, %dma_start3A_140] : memref<160000x128xf32, #tpu.memory_space<hbm>> -> memref<40x128xf32, #tpu.memory_space<hbm>>
          tpu.enqueue_dma source(%dma_start3A_141 : memref<40x128xf32, #tpu.memory_space<hbm>>) target(%arg25 : memref<40x128xf32, #tpu.memory_space<vmem>>) target_semaphore(%arg29 : memref<!tpu.dma_semaphore, #tpu.memory_space<semaphore_mem>>)
          %dma_start3A_142 = arith.constant 0 : i32
          %dma_start3A_143 = arith.constant 0 : i32
          %dma_start3A_144 = tpu.memref_slice %arg7[%dma_start3A_142, %dma_start3A_143] : memref<10000x128xf32, #tpu.memory_space<hbm>> -> memref<10000x128xf32, #tpu.memory_space<hbm>>
          tpu.enqueue_indirect_dma source(%dma_start3A_144 : memref<10000x128xf32, #tpu.memory_space<hbm>>) target(%arg21 : memref<40x128xf32, #tpu.memory_space<vmem>>) offsets(%arg17 : memref<40xi32, #tpu.memory_space<vmem>>) semaphore(%arg29 : memref<!tpu.dma_semaphore, #tpu.memory_space<semaphore_mem>>)
          %dma_start3A_145 = arith.constant 0 : i32
          %dma_start3A_146 = arith.constant 0 : i32
          %dma_start3A_147 = tpu.memref_slice %arg9[%dma_start3A_145, %dma_start3A_146] : memref<10000x128xf32, #tpu.memory_space<hbm>> -> memref<10000x128xf32, #tpu.memory_space<hbm>>
          tpu.enqueue_indirect_dma source(%dma_start3A_147 : memref<10000x128xf32, #tpu.memory_space<hbm>>) target(%arg23 : memref<40x128xf32, #tpu.memory_space<vmem>>) offsets(%arg19 : memref<40xi32, #tpu.memory_space<vmem>>) semaphore(%arg29 : memref<!tpu.dma_semaphore, #tpu.memory_space<semaphore_mem>>)
          %dma_start3A_148 = arith.constant 0 : i32
          %dma_start3A_149 = arith.constant 0 : i32
          %dma_start3A_150 = tpu.memref_slice %arg5[%dma_start3A_148, %dma_start3A_149] : memref<10000x128xf32, #tpu.memory_space<hbm>> -> memref<10000x128xf32, #tpu.memory_space<hbm>>
          tpu.enqueue_indirect_dma source(%dma_start3A_150 : memref<10000x128xf32, #tpu.memory_space<hbm>>) target(%arg27 : memref<40x128xf32, #tpu.memory_space<vmem>>) offsets(%arg17 : memref<40xi32, #tpu.memory_space<vmem>>) semaphore(%arg29 : memref<!tpu.dma_semaphore, #tpu.memory_space<semaphore_mem>>)
        } else {
        }
        %mul3A_105 = arith.constant 40 : i32
        %mul3A_106 = arith.muli %add3A_100, %mul3A_105 : i32
        %add3A_107 = arith.addi %mul3A_16, %mul3A_106 : i32
        %dma_wait3A_108 = arith.constant 0 : i32
        %dma_wait3A_109 = tpu.memref_slice %arg11[%add3A_107, %dma_wait3A_108] : memref<160000x128xf32, #tpu.memory_space<hbm>> -> memref<40x128xf32, #tpu.memory_space<hbm>>
        %dma_wait3A_110 = arith.constant 0 : i32
        %dma_wait3A_111 = tpu.memref_slice %arg11[%add3A_107, %dma_wait3A_110] : memref<160000x128xf32, #tpu.memory_space<hbm>> -> memref<40x128xf32, #tpu.memory_space<hbm>>
        tpu.wait_dma2 semaphore(%arg30 : memref<!tpu.dma_semaphore, #tpu.memory_space<semaphore_mem>>) src(%dma_wait3A_111 : memref<40x128xf32, #tpu.memory_space<hbm>>) dst(%arg26 : memref<40x128xf32, #tpu.memory_space<vmem>>)
        %dma_wait3A_112 = arith.constant 0 : i32
        %dma_wait3A_113 = arith.constant 0 : i32
        %dma_wait3A_114 = tpu.memref_slice %arg7[%dma_wait3A_112, %dma_wait3A_113] : memref<10000x128xf32, #tpu.memory_space<hbm>> -> memref<10000x128xf32, #tpu.memory_space<hbm>>
        tpu.wait_indirect_dma semaphore(%arg30 : memref<!tpu.dma_semaphore, #tpu.memory_space<semaphore_mem>>) src(%dma_wait3A_114 : memref<10000x128xf32, #tpu.memory_space<hbm>>) dst(%arg22 : memref<40x128xf32, #tpu.memory_space<vmem>>)
        %dma_wait3A_115 = arith.constant 0 : i32
        %dma_wait3A_116 = arith.constant 0 : i32
        %dma_wait3A_117 = tpu.memref_slice %arg9[%dma_wait3A_115, %dma_wait3A_116] : memref<10000x128xf32, #tpu.memory_space<hbm>> -> memref<10000x128xf32, #tpu.memory_space<hbm>>
        tpu.wait_indirect_dma semaphore(%arg30 : memref<!tpu.dma_semaphore, #tpu.memory_space<semaphore_mem>>) src(%dma_wait3A_117 : memref<10000x128xf32, #tpu.memory_space<hbm>>) dst(%arg24 : memref<40x128xf32, #tpu.memory_space<vmem>>)
        %dma_wait3A_118 = arith.constant 0 : i32
        %dma_wait3A_119 = arith.constant 0 : i32
        %dma_wait3A_120 = tpu.memref_slice %arg5[%dma_wait3A_118, %dma_wait3A_119] : memref<10000x128xf32, #tpu.memory_space<hbm>> -> memref<10000x128xf32, #tpu.memory_space<hbm>>
        tpu.wait_indirect_dma semaphore(%arg30 : memref<!tpu.dma_semaphore, #tpu.memory_space<semaphore_mem>>) src(%dma_wait3A_120 : memref<10000x128xf32, #tpu.memory_space<hbm>>) dst(%arg28 : memref<40x128xf32, #tpu.memory_space<vmem>>)
        %scan3A_121 = arith.constant 0 : i32
        %scan3A_122 = arith.constant 0 : i32
        %scan3A_123 = arith.constant 40 : i32
        %scan3A_124 = arith.addi %scan3A_122, %scan3A_123 : i32
        %scan3A_125 = arith.constant 1 : i32
        scf.for %scan3A_130 = %scan3A_122 to %scan3A_124 step %scan3A_125  : i32 {
          %get3A = arith.index_cast %scan3A_130 : i32 to index
          %get3A_131 = arith.constant 0 : index
          %get3A_132 = tpu.vector_load %arg22[%get3A, %get3A_131] {strides = array<i32>} : memref<40x128xf32, #tpu.memory_space<vmem>>, vector<1x16xf32>,
          %get3A_133 = vector.shape_cast %get3A_132 : vector<1x16xf32> to vector<16xf32>
          %get3A_134 = arith.index_cast %scan3A_130 : i32 to index
          %get3A_135 = arith.constant 0 : index
          %get3A_136 = tpu.vector_load %arg24[%get3A_134, %get3A_135] {strides = array<i32>} : memref<40x128xf32, #tpu.memory_space<vmem>>, vector<1x16xf32>,
          %get3A_137 = vector.shape_cast %get3A_136 : vector<1x16xf32> to vector<16xf32>
          %add3A_138 = arith.addf %get3A_133, %get3A_137 : vector<16xf32>
          %get3A_139 = arith.index_cast %scan3A_130 : i32 to index
          %get3A_140 = arith.constant 0 : index
          %get3A_141 = tpu.vector_load %arg26[%get3A_139, %get3A_140] {strides = array<i32>} : memref<40x128xf32, #tpu.memory_space<vmem>>, vector<1x16xf32>,
          %get3A_142 = vector.shape_cast %get3A_141 : vector<1x16xf32> to vector<16xf32>
          %add3A_143 = arith.addf %add3A_138, %get3A_142 : vector<16xf32>
          %swap3A = arith.index_cast %scan3A_130 : i32 to index
          %swap3A_144 = arith.constant 0 : index
          %swap3A_145 = tpu.vector_load %arg26[%swap3A, %swap3A_144] {strides = array<i32>} : memref<40x128xf32, #tpu.memory_space<vmem>>, vector<1x16xf32>,
          %swap3A_146 = vector.shape_cast %swap3A_145 : vector<1x16xf32> to vector<16xf32>
          %swap3A_147 = vector.shape_cast %add3A_143 : vector<16xf32> to vector<1x16xf32>
          tpu.vector_store %arg26[%swap3A, %swap3A_144], %swap3A_147 {strides = array<i32>} : memref<40x128xf32, #tpu.memory_space<vmem>>, vector<1x16xf32>,
          %neg3A = arith.constant 0.000000e+00 : f32
          %neg3A_148 = vector.broadcast %neg3A : f32 to vector<16xf32>
          %neg3A_149 = arith.subf %neg3A_148, %add3A_143 : vector<16xf32>
          %exp3A = math.exp %neg3A_149 : vector<16xf32>
          %add3A_150 = arith.constant 1.000000e+00 : f32
          %add3A_151 = vector.broadcast %add3A_150 : f32 to vector<16xf32>
          %add3A_152 = arith.addf %add3A_151, %exp3A : vector<16xf32>
          %div3A = arith.constant 1.000000e+00 : f32
          %div3A_153 = vector.broadcast %div3A : f32 to vector<16xf32>
          %div3A_154 = arith.divf %div3A_153, %add3A_152 : vector<16xf32>
          %get3A_155 = arith.index_cast %scan3A_130 : i32 to index
          %get3A_156 = arith.constant 0 : index
          %get3A_157 = tpu.vector_load %arg28[%get3A_155, %get3A_156] {strides = array<i32>} : memref<40x128xf32, #tpu.memory_space<vmem>>, vector<1x16xf32>,
          %get3A_158 = vector.shape_cast %get3A_157 : vector<1x16xf32> to vector<16xf32>
          %mul3A_159 = arith.mulf %div3A_154, %get3A_158 : vector<16xf32>
          %swap3A_160 = arith.index_cast %scan3A_130 : i32 to index
          %swap3A_161 = arith.constant 0 : index
          %swap3A_162 = tpu.vector_load %arg28[%swap3A_160, %swap3A_161] {strides = array<i32>} : memref<40x128xf32, #tpu.memory_space<vmem>>, vector<1x16xf32>,
          %swap3A_163 = vector.shape_cast %swap3A_162 : vector<1x16xf32> to vector<16xf32>
          %swap3A_164 = vector.shape_cast %mul3A_159 : vector<16xf32> to vector<1x16xf32>
          tpu.vector_store %arg28[%swap3A_160, %swap3A_161], %swap3A_164 {strides = array<i32>} : memref<40x128xf32, #tpu.memory_space<vmem>>, vector<1x16xf32>,
          %get3A_165 = arith.index_cast %scan3A_130 : i32 to index
          %get3A_166 = arith.constant 16 : index
          %get3A_167 = tpu.vector_load %arg22[%get3A_165, %get3A_166] {strides = array<i32>} : memref<40x128xf32, #tpu.memory_space<vmem>>, vector<1x16xf32>,
          %get3A_168 = vector.shape_cast %get3A_167 : vector<1x16xf32> to vector<16xf32>
          %get3A_169 = arith.index_cast %scan3A_130 : i32 to index
          %get3A_170 = arith.constant 16 : index
          %get3A_171 = tpu.vector_load %arg24[%get3A_169, %get3A_170] {strides = array<i32>} : memref<40x128xf32, #tpu.memory_space<vmem>>, vector<1x16xf32>,
          %get3A_172 = vector.shape_cast %get3A_171 : vector<1x16xf32> to vector<16xf32>
          %add3A_173 = arith.addf %get3A_168, %get3A_172 : vector<16xf32>
          %get3A_174 = arith.index_cast %scan3A_130 : i32 to index
          %get3A_175 = arith.constant 16 : index
          %get3A_176 = tpu.vector_load %arg26[%get3A_174, %get3A_175] {strides = array<i32>} : memref<40x128xf32, #tpu.memory_space<vmem>>, vector<1x16xf32>,
          %get3A_177 = vector.shape_cast %get3A_176 : vector<1x16xf32> to vector<16xf32>
          %add3A_178 = arith.addf %add3A_173, %get3A_177 : vector<16xf32>
          %swap3A_179 = arith.index_cast %scan3A_130 : i32 to index
          %swap3A_180 = arith.constant 16 : index
          %swap3A_181 = tpu.vector_load %arg26[%swap3A_179, %swap3A_180] {strides = array<i32>} : memref<40x128xf32, #tpu.memory_space<vmem>>, vector<1x16xf32>,
          %swap3A_182 = vector.shape_cast %swap3A_181 : vector<1x16xf32> to vector<16xf32>
          %swap3A_183 = vector.shape_cast %add3A_178 : vector<16xf32> to vector<1x16xf32>
          tpu.vector_store %arg26[%swap3A_179, %swap3A_180], %swap3A_183 {strides = array<i32>} : memref<40x128xf32, #tpu.memory_space<vmem>>, vector<1x16xf32>,
          %neg3A_184 = arith.constant 0.000000e+00 : f32
          %neg3A_185 = vector.broadcast %neg3A_184 : f32 to vector<16xf32>
          %neg3A_186 = arith.subf %neg3A_185, %add3A_178 : vector<16xf32>
          %exp3A_187 = math.exp %neg3A_186 : vector<16xf32>
          %add3A_188 = arith.constant 1.000000e+00 : f32
          %add3A_189 = vector.broadcast %add3A_188 : f32 to vector<16xf32>
          %add3A_190 = arith.addf %add3A_189, %exp3A_187 : vector<16xf32>
          %div3A_191 = arith.constant 1.000000e+00 : f32
          %div3A_192 = vector.broadcast %div3A_191 : f32 to vector<16xf32>
          %div3A_193 = arith.divf %div3A_192, %add3A_190 : vector<16xf32>
          %get3A_194 = arith.index_cast %scan3A_130 : i32 to index
          %get3A_195 = arith.constant 16 : index
          %get3A_196 = tpu.vector_load %arg28[%get3A_194, %get3A_195] {strides = array<i32>} : memref<40x128xf32, #tpu.memory_space<vmem>>, vector<1x16xf32>,
          %get3A_197 = vector.shape_cast %get3A_196 : vector<1x16xf32> to vector<16xf32>
          %mul3A_198 = arith.mulf %div3A_193, %get3A_197 : vector<16xf32>
          %swap3A_199 = arith.index_cast %scan3A_130 : i32 to index
          %swap3A_200 = arith.constant 16 : index
          %swap3A_201 = tpu.vector_load %arg28[%swap3A_199, %swap3A_200] {strides = array<i32>} : memref<40x128xf32, #tpu.memory_space<vmem>>, vector<1x16xf32>,
          %swap3A_202 = vector.shape_cast %swap3A_201 : vector<1x16xf32> to vector<16xf32>
          %swap3A_203 = vector.shape_cast %mul3A_198 : vector<16xf32> to vector<1x16xf32>
          tpu.vector_store %arg28[%swap3A_199, %swap3A_200], %swap3A_203 {strides = array<i32>} : memref<40x128xf32, #tpu.memory_space<vmem>>, vector<1x16xf32>,
          %get3A_204 = arith.index_cast %scan3A_130 : i32 to index
          %get3A_205 = arith.constant 32 : index
          %get3A_206 = tpu.vector_load %arg22[%get3A_204, %get3A_205] {strides = array<i32>} : memref<40x128xf32, #tpu.memory_space<vmem>>, vector<1x16xf32>,
          %get3A_207 = vector.shape_cast %get3A_206 : vector<1x16xf32> to vector<16xf32>
          %get3A_208 = arith.index_cast %scan3A_130 : i32 to index
          %get3A_209 = arith.constant 32 : index
          %get3A_210 = tpu.vector_load %arg24[%get3A_208, %get3A_209] {strides = array<i32>} : memref<40x128xf32, #tpu.memory_space<vmem>>, vector<1x16xf32>,
          %get3A_211 = vector.shape_cast %get3A_210 : vector<1x16xf32> to vector<16xf32>
          %add3A_212 = arith.addf %get3A_207, %get3A_211 : vector<16xf32>
          %get3A_213 = arith.index_cast %scan3A_130 : i32 to index
          %get3A_214 = arith.constant 32 : index
          %get3A_215 = tpu.vector_load %arg26[%get3A_213, %get3A_214] {strides = array<i32>} : memref<40x128xf32, #tpu.memory_space<vmem>>, vector<1x16xf32>,
          %get3A_216 = vector.shape_cast %get3A_215 : vector<1x16xf32> to vector<16xf32>
          %add3A_217 = arith.addf %add3A_212, %get3A_216 : vector<16xf32>
          %swap3A_218 = arith.index_cast %scan3A_130 : i32 to index
          %swap3A_219 = arith.constant 32 : index
          %swap3A_220 = tpu.vector_load %arg26[%swap3A_218, %swap3A_219] {strides = array<i32>} : memref<40x128xf32, #tpu.memory_space<vmem>>, vector<1x16xf32>,
          %swap3A_221 = vector.shape_cast %swap3A_220 : vector<1x16xf32> to vector<16xf32>
          %swap3A_222 = vector.shape_cast %add3A_217 : vector<16xf32> to vector<1x16xf32>
          tpu.vector_store %arg26[%swap3A_218, %swap3A_219], %swap3A_222 {strides = array<i32>} : memref<40x128xf32, #tpu.memory_space<vmem>>, vector<1x16xf32>,
          %neg3A_223 = arith.constant 0.000000e+00 : f32
          %neg3A_224 = vector.broadcast %neg3A_223 : f32 to vector<16xf32>
          %neg3A_225 = arith.subf %neg3A_224, %add3A_217 : vector<16xf32>
          %exp3A_226 = math.exp %neg3A_225 : vector<16xf32>
          %add3A_227 = arith.constant 1.000000e+00 : f32
          %add3A_228 = vector.broadcast %add3A_227 : f32 to vector<16xf32>
          %add3A_229 = arith.addf %add3A_228, %exp3A_226 : vector<16xf32>
          %div3A_230 = arith.constant 1.000000e+00 : f32
          %div3A_231 = vector.broadcast %div3A_230 : f32 to vector<16xf32>
          %div3A_232 = arith.divf %div3A_231, %add3A_229 : vector<16xf32>
          %get3A_233 = arith.index_cast %scan3A_130 : i32 to index
          %get3A_234 = arith.constant 32 : index
          %get3A_235 = tpu.vector_load %arg28[%get3A_233, %get3A_234] {strides = array<i32>} : memref<40x128xf32, #tpu.memory_space<vmem>>, vector<1x16xf32>,
          %get3A_236 = vector.shape_cast %get3A_235 : vector<1x16xf32> to vector<16xf32>
          %mul3A_237 = arith.mulf %div3A_232, %get3A_236 : vector<16xf32>
          %swap3A_238 = arith.index_cast %scan3A_130 : i32 to index
          %swap3A_239 = arith.constant 32 : index
          %swap3A_240 = tpu.vector_load %arg28[%swap3A_238, %swap3A_239] {strides = array<i32>} : memref<40x128xf32, #tpu.memory_space<vmem>>, vector<1x16xf32>,
          %swap3A_241 = vector.shape_cast %swap3A_240 : vector<1x16xf32> to vector<16xf32>
          %swap3A_242 = vector.shape_cast %mul3A_237 : vector<16xf32> to vector<1x16xf32>
          tpu.vector_store %arg28[%swap3A_238, %swap3A_239], %swap3A_242 {strides = array<i32>} : memref<40x128xf32, #tpu.memory_space<vmem>>, vector<1x16xf32>,
          %get3A_243 = arith.index_cast %scan3A_130 : i32 to index
          %get3A_244 = arith.constant 48 : index
          %get3A_245 = tpu.vector_load %arg22[%get3A_243, %get3A_244] {strides = array<i32>} : memref<40x128xf32, #tpu.memory_space<vmem>>, vector<1x16xf32>,
          %get3A_246 = vector.shape_cast %get3A_245 : vector<1x16xf32> to vector<16xf32>
          %get3A_247 = arith.index_cast %scan3A_130 : i32 to index
          %get3A_248 = arith.constant 48 : index
          %get3A_249 = tpu.vector_load %arg24[%get3A_247, %get3A_248] {strides = array<i32>} : memref<40x128xf32, #tpu.memory_space<vmem>>, vector<1x16xf32>,
          %get3A_250 = vector.shape_cast %get3A_249 : vector<1x16xf32> to vector<16xf32>
          %add3A_251 = arith.addf %get3A_246, %get3A_250 : vector<16xf32>
          %get3A_252 = arith.index_cast %scan3A_130 : i32 to index
          %get3A_253 = arith.constant 48 : index
          %get3A_254 = tpu.vector_load %arg26[%get3A_252, %get3A_253] {strides = array<i32>} : memref<40x128xf32, #tpu.memory_space<vmem>>, vector<1x16xf32>,
          %get3A_255 = vector.shape_cast %get3A_254 : vector<1x16xf32> to vector<16xf32>
          %add3A_256 = arith.addf %add3A_251, %get3A_255 : vector<16xf32>
          %swap3A_257 = arith.index_cast %scan3A_130 : i32 to index
          %swap3A_258 = arith.constant 48 : index
          %swap3A_259 = tpu.vector_load %arg26[%swap3A_257, %swap3A_258] {strides = array<i32>} : memref<40x128xf32, #tpu.memory_space<vmem>>, vector<1x16xf32>,
          %swap3A_260 = vector.shape_cast %swap3A_259 : vector<1x16xf32> to vector<16xf32>
          %swap3A_261 = vector.shape_cast %add3A_256 : vector<16xf32> to vector<1x16xf32>
          tpu.vector_store %arg26[%swap3A_257, %swap3A_258], %swap3A_261 {strides = array<i32>} : memref<40x128xf32, #tpu.memory_space<vmem>>, vector<1x16xf32>,
          %neg3A_262 = arith.constant 0.000000e+00 : f32
          %neg3A_263 = vector.broadcast %neg3A_262 : f32 to vector<16xf32>
          %neg3A_264 = arith.subf %neg3A_263, %add3A_256 : vector<16xf32>
          %exp3A_265 = math.exp %neg3A_264 : vector<16xf32>
          %add3A_266 = arith.constant 1.000000e+00 : f32
          %add3A_267 = vector.broadcast %add3A_266 : f32 to vector<16xf32>
          %add3A_268 = arith.addf %add3A_267, %exp3A_265 : vector<16xf32>
          %div3A_269 = arith.constant 1.000000e+00 : f32
          %div3A_270 = vector.broadcast %div3A_269 : f32 to vector<16xf32>
          %div3A_271 = arith.divf %div3A_270, %add3A_268 : vector<16xf32>
          %get3A_272 = arith.index_cast %scan3A_130 : i32 to index
          %get3A_273 = arith.constant 48 : index
          %get3A_274 = tpu.vector_load %arg28[%get3A_272, %get3A_273] {strides = array<i32>} : memref<40x128xf32, #tpu.memory_space<vmem>>, vector<1x16xf32>,
          %get3A_275 = vector.shape_cast %get3A_274 : vector<1x16xf32> to vector<16xf32>
          %mul3A_276 = arith.mulf %div3A_271, %get3A_275 : vector<16xf32>
          %swap3A_277 = arith.index_cast %scan3A_130 : i32 to index
          %swap3A_278 = arith.constant 48 : index
          %swap3A_279 = tpu.vector_load %arg28[%swap3A_277, %swap3A_278] {strides = array<i32>} : memref<40x128xf32, #tpu.memory_space<vmem>>, vector<1x16xf32>,
          %swap3A_280 = vector.shape_cast %swap3A_279 : vector<1x16xf32> to vector<16xf32>
          %swap3A_281 = vector.shape_cast %mul3A_276 : vector<16xf32> to vector<1x16xf32>
          tpu.vector_store %arg28[%swap3A_277, %swap3A_278], %swap3A_281 {strides = array<i32>} : memref<40x128xf32, #tpu.memory_space<vmem>>, vector<1x16xf32>,
          %get3A_282 = arith.index_cast %scan3A_130 : i32 to index
          %get3A_283 = arith.constant 64 : index
          %get3A_284 = tpu.vector_load %arg22[%get3A_282, %get3A_283] {strides = array<i32>} : memref<40x128xf32, #tpu.memory_space<vmem>>, vector<1x16xf32>,
          %get3A_285 = vector.shape_cast %get3A_284 : vector<1x16xf32> to vector<16xf32>
          %get3A_286 = arith.index_cast %scan3A_130 : i32 to index
          %get3A_287 = arith.constant 64 : index
          %get3A_288 = tpu.vector_load %arg24[%get3A_286, %get3A_287] {strides = array<i32>} : memref<40x128xf32, #tpu.memory_space<vmem>>, vector<1x16xf32>,
          %get3A_289 = vector.shape_cast %get3A_288 : vector<1x16xf32> to vector<16xf32>
          %add3A_290 = arith.addf %get3A_285, %get3A_289 : vector<16xf32>
          %get3A_291 = arith.index_cast %scan3A_130 : i32 to index
          %get3A_292 = arith.constant 64 : index
          %get3A_293 = tpu.vector_load %arg26[%get3A_291, %get3A_292] {strides = array<i32>} : memref<40x128xf32, #tpu.memory_space<vmem>>, vector<1x16xf32>,
          %get3A_294 = vector.shape_cast %get3A_293 : vector<1x16xf32> to vector<16xf32>
          %add3A_295 = arith.addf %add3A_290, %get3A_294 : vector<16xf32>
          %swap3A_296 = arith.index_cast %scan3A_130 : i32 to index
          %swap3A_297 = arith.constant 64 : index
          %swap3A_298 = tpu.vector_load %arg26[%swap3A_296, %swap3A_297] {strides = array<i32>} : memref<40x128xf32, #tpu.memory_space<vmem>>, vector<1x16xf32>,
          %swap3A_299 = vector.shape_cast %swap3A_298 : vector<1x16xf32> to vector<16xf32>
          %swap3A_300 = vector.shape_cast %add3A_295 : vector<16xf32> to vector<1x16xf32>
          tpu.vector_store %arg26[%swap3A_296, %swap3A_297], %swap3A_300 {strides = array<i32>} : memref<40x128xf32, #tpu.memory_space<vmem>>, vector<1x16xf32>,
          %neg3A_301 = arith.constant 0.000000e+00 : f32
          %neg3A_302 = vector.broadcast %neg3A_301 : f32 to vector<16xf32>
          %neg3A_303 = arith.subf %neg3A_302, %add3A_295 : vector<16xf32>
          %exp3A_304 = math.exp %neg3A_303 : vector<16xf32>
          %add3A_305 = arith.constant 1.000000e+00 : f32
          %add3A_306 = vector.broadcast %add3A_305 : f32 to vector<16xf32>
          %add3A_307 = arith.addf %add3A_306, %exp3A_304 : vector<16xf32>
          %div3A_308 = arith.constant 1.000000e+00 : f32
          %div3A_309 = vector.broadcast %div3A_308 : f32 to vector<16xf32>
          %div3A_310 = arith.divf %div3A_309, %add3A_307 : vector<16xf32>
          %get3A_311 = arith.index_cast %scan3A_130 : i32 to index
          %get3A_312 = arith.constant 64 : index
          %get3A_313 = tpu.vector_load %arg28[%get3A_311, %get3A_312] {strides = array<i32>} : memref<40x128xf32, #tpu.memory_space<vmem>>, vector<1x16xf32>,
          %get3A_314 = vector.shape_cast %get3A_313 : vector<1x16xf32> to vector<16xf32>
          %mul3A_315 = arith.mulf %div3A_310, %get3A_314 : vector<16xf32>
          %swap3A_316 = arith.index_cast %scan3A_130 : i32 to index
          %swap3A_317 = arith.constant 64 : index
          %swap3A_318 = tpu.vector_load %arg28[%swap3A_316, %swap3A_317] {strides = array<i32>} : memref<40x128xf32, #tpu.memory_space<vmem>>, vector<1x16xf32>,
          %swap3A_319 = vector.shape_cast %swap3A_318 : vector<1x16xf32> to vector<16xf32>
          %swap3A_320 = vector.shape_cast %mul3A_315 : vector<16xf32> to vector<1x16xf32>
          tpu.vector_store %arg28[%swap3A_316, %swap3A_317], %swap3A_320 {strides = array<i32>} : memref<40x128xf32, #tpu.memory_space<vmem>>, vector<1x16xf32>,
          %get3A_321 = arith.index_cast %scan3A_130 : i32 to index
          %get3A_322 = arith.constant 80 : index
          %get3A_323 = tpu.vector_load %arg22[%get3A_321, %get3A_322] {strides = array<i32>} : memref<40x128xf32, #tpu.memory_space<vmem>>, vector<1x16xf32>,
          %get3A_324 = vector.shape_cast %get3A_323 : vector<1x16xf32> to vector<16xf32>
          %get3A_325 = arith.index_cast %scan3A_130 : i32 to index
          %get3A_326 = arith.constant 80 : index
          %get3A_327 = tpu.vector_load %arg24[%get3A_325, %get3A_326] {strides = array<i32>} : memref<40x128xf32, #tpu.memory_space<vmem>>, vector<1x16xf32>,
          %get3A_328 = vector.shape_cast %get3A_327 : vector<1x16xf32> to vector<16xf32>
          %add3A_329 = arith.addf %get3A_324, %get3A_328 : vector<16xf32>
          %get3A_330 = arith.index_cast %scan3A_130 : i32 to index
          %get3A_331 = arith.constant 80 : index
          %get3A_332 = tpu.vector_load %arg26[%get3A_330, %get3A_331] {strides = array<i32>} : memref<40x128xf32, #tpu.memory_space<vmem>>, vector<1x16xf32>,
          %get3A_333 = vector.shape_cast %get3A_332 : vector<1x16xf32> to vector<16xf32>
          %add3A_334 = arith.addf %add3A_329, %get3A_333 : vector<16xf32>
          %swap3A_335 = arith.index_cast %scan3A_130 : i32 to index
          %swap3A_336 = arith.constant 80 : index
          %swap3A_337 = tpu.vector_load %arg26[%swap3A_335, %swap3A_336] {strides = array<i32>} : memref<40x128xf32, #tpu.memory_space<vmem>>, vector<1x16xf32>,
          %swap3A_338 = vector.shape_cast %swap3A_337 : vector<1x16xf32> to vector<16xf32>
          %swap3A_339 = vector.shape_cast %add3A_334 : vector<16xf32> to vector<1x16xf32>
          tpu.vector_store %arg26[%swap3A_335, %swap3A_336], %swap3A_339 {strides = array<i32>} : memref<40x128xf32, #tpu.memory_space<vmem>>, vector<1x16xf32>,
          %neg3A_340 = arith.constant 0.000000e+00 : f32
          %neg3A_341 = vector.broadcast %neg3A_340 : f32 to vector<16xf32>
          %neg3A_342 = arith.subf %neg3A_341, %add3A_334 : vector<16xf32>
          %exp3A_343 = math.exp %neg3A_342 : vector<16xf32>
          %add3A_344 = arith.constant 1.000000e+00 : f32
          %add3A_345 = vector.broadcast %add3A_344 : f32 to vector<16xf32>
          %add3A_346 = arith.addf %add3A_345, %exp3A_343 : vector<16xf32>
          %div3A_347 = arith.constant 1.000000e+00 : f32
          %div3A_348 = vector.broadcast %div3A_347 : f32 to vector<16xf32>
          %div3A_349 = arith.divf %div3A_348, %add3A_346 : vector<16xf32>
          %get3A_350 = arith.index_cast %scan3A_130 : i32 to index
          %get3A_351 = arith.constant 80 : index
          %get3A_352 = tpu.vector_load %arg28[%get3A_350, %get3A_351] {strides = array<i32>} : memref<40x128xf32, #tpu.memory_space<vmem>>, vector<1x16xf32>,
          %get3A_353 = vector.shape_cast %get3A_352 : vector<1x16xf32> to vector<16xf32>
          %mul3A_354 = arith.mulf %div3A_349, %get3A_353 : vector<16xf32>
          %swap3A_355 = arith.index_cast %scan3A_130 : i32 to index
          %swap3A_356 = arith.constant 80 : index
          %swap3A_357 = tpu.vector_load %arg28[%swap3A_355, %swap3A_356] {strides = array<i32>} : memref<40x128xf32, #tpu.memory_space<vmem>>, vector<1x16xf32>,
          %swap3A_358 = vector.shape_cast %swap3A_357 : vector<1x16xf32> to vector<16xf32>
          %swap3A_359 = vector.shape_cast %mul3A_354 : vector<16xf32> to vector<1x16xf32>
          tpu.vector_store %arg28[%swap3A_355, %swap3A_356], %swap3A_359 {strides = array<i32>} : memref<40x128xf32, #tpu.memory_space<vmem>>, vector<1x16xf32>,
          %get3A_360 = arith.index_cast %scan3A_130 : i32 to index
          %get3A_361 = arith.constant 96 : index
          %get3A_362 = tpu.vector_load %arg22[%get3A_360, %get3A_361] {strides = array<i32>} : memref<40x128xf32, #tpu.memory_space<vmem>>, vector<1x16xf32>,
          %get3A_363 = vector.shape_cast %get3A_362 : vector<1x16xf32> to vector<16xf32>
          %get3A_364 = arith.index_cast %scan3A_130 : i32 to index
          %get3A_365 = arith.constant 96 : index
          %get3A_366 = tpu.vector_load %arg24[%get3A_364, %get3A_365] {strides = array<i32>} : memref<40x128xf32, #tpu.memory_space<vmem>>, vector<1x16xf32>,
          %get3A_367 = vector.shape_cast %get3A_366 : vector<1x16xf32> to vector<16xf32>
          %add3A_368 = arith.addf %get3A_363, %get3A_367 : vector<16xf32>
          %get3A_369 = arith.index_cast %scan3A_130 : i32 to index
          %get3A_370 = arith.constant 96 : index
          %get3A_371 = tpu.vector_load %arg26[%get3A_369, %get3A_370] {strides = array<i32>} : memref<40x128xf32, #tpu.memory_space<vmem>>, vector<1x16xf32>,
          %get3A_372 = vector.shape_cast %get3A_371 : vector<1x16xf32> to vector<16xf32>
          %add3A_373 = arith.addf %add3A_368, %get3A_372 : vector<16xf32>
          %swap3A_374 = arith.index_cast %scan3A_130 : i32 to index
          %swap3A_375 = arith.constant 96 : index
          %swap3A_376 = tpu.vector_load %arg26[%swap3A_374, %swap3A_375] {strides = array<i32>} : memref<40x128xf32, #tpu.memory_space<vmem>>, vector<1x16xf32>,
          %swap3A_377 = vector.shape_cast %swap3A_376 : vector<1x16xf32> to vector<16xf32>
          %swap3A_378 = vector.shape_cast %add3A_373 : vector<16xf32> to vector<1x16xf32>
          tpu.vector_store %arg26[%swap3A_374, %swap3A_375], %swap3A_378 {strides = array<i32>} : memref<40x128xf32, #tpu.memory_space<vmem>>, vector<1x16xf32>,
          %neg3A_379 = arith.constant 0.000000e+00 : f32
          %neg3A_380 = vector.broadcast %neg3A_379 : f32 to vector<16xf32>
          %neg3A_381 = arith.subf %neg3A_380, %add3A_373 : vector<16xf32>
          %exp3A_382 = math.exp %neg3A_381 : vector<16xf32>
          %add3A_383 = arith.constant 1.000000e+00 : f32
          %add3A_384 = vector.broadcast %add3A_383 : f32 to vector<16xf32>
          %add3A_385 = arith.addf %add3A_384, %exp3A_382 : vector<16xf32>
          %div3A_386 = arith.constant 1.000000e+00 : f32
          %div3A_387 = vector.broadcast %div3A_386 : f32 to vector<16xf32>
          %div3A_388 = arith.divf %div3A_387, %add3A_385 : vector<16xf32>
          %get3A_389 = arith.index_cast %scan3A_130 : i32 to index
          %get3A_390 = arith.constant 96 : index
          %get3A_391 = tpu.vector_load %arg28[%get3A_389, %get3A_390] {strides = array<i32>} : memref<40x128xf32, #tpu.memory_space<vmem>>, vector<1x16xf32>,
          %get3A_392 = vector.shape_cast %get3A_391 : vector<1x16xf32> to vector<16xf32>
          %mul3A_393 = arith.mulf %div3A_388, %get3A_392 : vector<16xf32>
          %swap3A_394 = arith.index_cast %scan3A_130 : i32 to index
          %swap3A_395 = arith.constant 96 : index
          %swap3A_396 = tpu.vector_load %arg28[%swap3A_394, %swap3A_395] {strides = array<i32>} : memref<40x128xf32, #tpu.memory_space<vmem>>, vector<1x16xf32>,
          %swap3A_397 = vector.shape_cast %swap3A_396 : vector<1x16xf32> to vector<16xf32>
          %swap3A_398 = vector.shape_cast %mul3A_393 : vector<16xf32> to vector<1x16xf32>
          tpu.vector_store %arg28[%swap3A_394, %swap3A_395], %swap3A_398 {strides = array<i32>} : memref<40x128xf32, #tpu.memory_space<vmem>>, vector<1x16xf32>,
          %get3A_399 = arith.index_cast %scan3A_130 : i32 to index
          %get3A_400 = arith.constant 112 : index
          %get3A_401 = tpu.vector_load %arg22[%get3A_399, %get3A_400] {strides = array<i32>} : memref<40x128xf32, #tpu.memory_space<vmem>>, vector<1x16xf32>,
          %get3A_402 = vector.shape_cast %get3A_401 : vector<1x16xf32> to vector<16xf32>
          %get3A_403 = arith.index_cast %scan3A_130 : i32 to index
          %get3A_404 = arith.constant 112 : index
          %get3A_405 = tpu.vector_load %arg24[%get3A_403, %get3A_404] {strides = array<i32>} : memref<40x128xf32, #tpu.memory_space<vmem>>, vector<1x16xf32>,
          %get3A_406 = vector.shape_cast %get3A_405 : vector<1x16xf32> to vector<16xf32>
          %add3A_407 = arith.addf %get3A_402, %get3A_406 : vector<16xf32>
          %get3A_408 = arith.index_cast %scan3A_130 : i32 to index
          %get3A_409 = arith.constant 112 : index
          %get3A_410 = tpu.vector_load %arg26[%get3A_408, %get3A_409] {strides = array<i32>} : memref<40x128xf32, #tpu.memory_space<vmem>>, vector<1x16xf32>,
          %get3A_411 = vector.shape_cast %get3A_410 : vector<1x16xf32> to vector<16xf32>
          %add3A_412 = arith.addf %add3A_407, %get3A_411 : vector<16xf32>
          %swap3A_413 = arith.index_cast %scan3A_130 : i32 to index
          %swap3A_414 = arith.constant 112 : index
          %swap3A_415 = tpu.vector_load %arg26[%swap3A_413, %swap3A_414] {strides = array<i32>} : memref<40x128xf32, #tpu.memory_space<vmem>>, vector<1x16xf32>,
          %swap3A_416 = vector.shape_cast %swap3A_415 : vector<1x16xf32> to vector<16xf32>
          %swap3A_417 = vector.shape_cast %add3A_412 : vector<16xf32> to vector<1x16xf32>
          tpu.vector_store %arg26[%swap3A_413, %swap3A_414], %swap3A_417 {strides = array<i32>} : memref<40x128xf32, #tpu.memory_space<vmem>>, vector<1x16xf32>,
          %neg3A_418 = arith.constant 0.000000e+00 : f32
          %neg3A_419 = vector.broadcast %neg3A_418 : f32 to vector<16xf32>
          %neg3A_420 = arith.subf %neg3A_419, %add3A_412 : vector<16xf32>
          %exp3A_421 = math.exp %neg3A_420 : vector<16xf32>
          %add3A_422 = arith.constant 1.000000e+00 : f32
          %add3A_423 = vector.broadcast %add3A_422 : f32 to vector<16xf32>
          %add3A_424 = arith.addf %add3A_423, %exp3A_421 : vector<16xf32>
          %div3A_425 = arith.constant 1.000000e+00 : f32
          %div3A_426 = vector.broadcast %div3A_425 : f32 to vector<16xf32>
          %div3A_427 = arith.divf %div3A_426, %add3A_424 : vector<16xf32>
          %get3A_428 = arith.index_cast %scan3A_130 : i32 to index
          %get3A_429 = arith.constant 112 : index
          %get3A_430 = tpu.vector_load %arg28[%get3A_428, %get3A_429] {strides = array<i32>} : memref<40x128xf32, #tpu.memory_space<vmem>>, vector<1x16xf32>,
          %get3A_431 = vector.shape_cast %get3A_430 : vector<1x16xf32> to vector<16xf32>
          %mul3A_432 = arith.mulf %div3A_427, %get3A_431 : vector<16xf32>
          %swap3A_433 = arith.index_cast %scan3A_130 : i32 to index
          %swap3A_434 = arith.constant 112 : index
          %swap3A_435 = tpu.vector_load %arg28[%swap3A_433, %swap3A_434] {strides = array<i32>} : memref<40x128xf32, #tpu.memory_space<vmem>>, vector<1x16xf32>,
          %swap3A_436 = vector.shape_cast %swap3A_435 : vector<1x16xf32> to vector<16xf32>
          %swap3A_437 = vector.shape_cast %mul3A_432 : vector<16xf32> to vector<1x16xf32>
          tpu.vector_store %arg28[%swap3A_433, %swap3A_434], %swap3A_437 {strides = array<i32>} : memref<40x128xf32, #tpu.memory_space<vmem>>, vector<1x16xf32>,
        }
        %scan3A_126 = arith.constant 40 : i32
        %mul3A_127 = arith.constant 40 : i32
        %mul3A_128 = arith.muli %add3A_100, %mul3A_127 : i32
        %add3A_129 = arith.addi %mul3A_16, %mul3A_128 : i32
        "tpu.region"() ({
          %run_scoped3A = tpu.sem_alloc : memref<!tpu.dma_semaphore, #tpu.memory_space<semaphore_mem>>
          %dma_start3A_130 = arith.constant 0 : i32
          %dma_start3A_131 = tpu.memref_slice %arg14[%add3A_129, %dma_start3A_130] : memref<160000x128xf32, #tpu.memory_space<hbm>> -> memref<40x128xf32, #tpu.memory_space<hbm>>
          %dma_start3A_132 = arith.constant 0 : i32
          %dma_start3A_133 = tpu.memref_slice %arg14[%add3A_129, %dma_start3A_132] : memref<160000x128xf32, #tpu.memory_space<hbm>> -> memref<40x128xf32, #tpu.memory_space<hbm>>
          tpu.enqueue_dma source(%arg26 : memref<40x128xf32, #tpu.memory_space<vmem>>) target(%dma_start3A_133 : memref<40x128xf32, #tpu.memory_space<hbm>>) target_semaphore(%run_scoped3A : memref<!tpu.dma_semaphore, #tpu.memory_space<semaphore_mem>>)
          %dma_wait3A_134 = arith.constant 0 : i32
          %dma_wait3A_135 = tpu.memref_slice %arg14[%add3A_129, %dma_wait3A_134] : memref<160000x128xf32, #tpu.memory_space<hbm>> -> memref<40x128xf32, #tpu.memory_space<hbm>>
          %dma_wait3A_136 = arith.constant 0 : i32
          %dma_wait3A_137 = tpu.memref_slice %arg14[%add3A_129, %dma_wait3A_136] : memref<160000x128xf32, #tpu.memory_space<hbm>> -> memref<40x128xf32, #tpu.memory_space<hbm>>
          tpu.wait_dma2 semaphore(%run_scoped3A : memref<!tpu.dma_semaphore, #tpu.memory_space<semaphore_mem>>) src(%arg26 : memref<40x128xf32, #tpu.memory_space<vmem>>) dst(%dma_wait3A_137 : memref<40x128xf32, #tpu.memory_space<hbm>>)
          tpu.yield
        }) : () -> ()
        "tpu.region"() ({
          %run_scoped3A = tpu.sem_alloc : memref<!tpu.dma_semaphore, #tpu.memory_space<semaphore_mem>>
          %dma_start3A_130 = arith.constant 0 : i32
          %dma_start3A_131 = arith.constant 0 : i32
          %dma_start3A_132 = tpu.memref_slice %arg31[%dma_start3A_130, %dma_start3A_131] : memref<10000x128xf32, #tpu.memory_space<vmem_shared>> -> memref<10000x128xf32, #tpu.memory_space<vmem_shared>>
          tpu.enqueue_indirect_dma source(%arg28 : memref<40x128xf32, #tpu.memory_space<vmem>>) target(%dma_start3A_132 : memref<10000x128xf32, #tpu.memory_space<vmem_shared>>) offsets(%arg20 : memref<40xi32, #tpu.memory_space<vmem>>) semaphore(%run_scoped3A : memref<!tpu.dma_semaphore, #tpu.memory_space<semaphore_mem>>) {add = true}
          %dma_wait3A_133 = arith.constant 0 : i32
          %dma_wait3A_134 = arith.constant 0 : i32
          %dma_wait3A_135 = tpu.memref_slice %arg31[%dma_wait3A_133, %dma_wait3A_134] : memref<10000x128xf32, #tpu.memory_space<vmem_shared>> -> memref<10000x128xf32, #tpu.memory_space<vmem_shared>>
          tpu.wait_indirect_dma semaphore(%run_scoped3A : memref<!tpu.dma_semaphore, #tpu.memory_space<semaphore_mem>>) src(%arg28 : memref<40x128xf32, #tpu.memory_space<vmem>>) dst(%dma_wait3A_135 : memref<10000x128xf32, #tpu.memory_space<vmem_shared>>)
          tpu.yield
        }) : () -> ()
      }
      %scan3A_36 = arith.constant 125 : i32
      %barrier3A_37 = arith.constant 0 : index
      tpu.barrier barrier_id(%barrier3A_37)
      %mul3A_38 = arith.constant 624 : i32
      %mul3A_39 = arith.muli %arg1, %mul3A_38 : i32
      %mul3A_40 = arith.constant 624 : i32
      %mul3A_41 = arith.muli %arg1, %mul3A_40 : i32
      "tpu.region"() ({
        %run_scoped3A = tpu.sem_alloc : memref<!tpu.dma_semaphore, #tpu.memory_space<semaphore_mem>>
        %dma_start3A_47 = arith.constant 0 : i32
        %dma_start3A_48 = tpu.memref_slice %arg16[%mul3A_41, %dma_start3A_47] : memref<10000x128xf32, #tpu.memory_space<hbm>> -> memref<624x128xf32, #tpu.memory_space<hbm>>
        %dma_start3A_49 = arith.constant 0 : i32
        %dma_start3A_50 = tpu.memref_slice %arg31[%mul3A_39, %dma_start3A_49] : memref<10000x128xf32, #tpu.memory_space<vmem_shared>> -> memref<624x128xf32, #tpu.memory_space<vmem_shared>>
        tpu.enqueue_dma source(%dma_start3A_50 : memref<624x128xf32, #tpu.memory_space<vmem_shared>>) target(%dma_start3A_48 : memref<624x128xf32, #tpu.memory_space<hbm>>) target_semaphore(%run_scoped3A : memref<!tpu.dma_semaphore, #tpu.memory_space<semaphore_mem>>)
        %dma_wait3A = arith.constant 0 : i32
        %dma_wait3A_51 = tpu.memref_slice %arg16[%mul3A_41, %dma_wait3A] : memref<10000x128xf32, #tpu.memory_space<hbm>> -> memref<624x128xf32, #tpu.memory_space<hbm>>
        %dma_wait3A_52 = arith.constant 0 : i32
        %dma_wait3A_53 = tpu.memref_slice %arg31[%mul3A_39, %dma_wait3A_52] : memref<10000x128xf32, #tpu.memory_space<vmem_shared>> -> memref<624x128xf32, #tpu.memory_space<vmem_shared>>
        tpu.wait_dma2 semaphore(%run_scoped3A : memref<!tpu.dma_semaphore, #tpu.memory_space<semaphore_mem>>) src(%dma_wait3A_53 : memref<624x128xf32, #tpu.memory_space<vmem_shared>>) dst(%dma_wait3A_51 : memref<624x128xf32, #tpu.memory_space<hbm>>)
        tpu.yield
      }) : () -> ()
      %eq3A_42 = arith.constant 15 : i32
      %eq3A_43 = arith.cmpi eq, %arg1, %eq3A_42 : i32
      %convert_element_type3A_44 = arith.extui %eq3A_43 : i1 to i32
      %cond3A_45 = arith.constant 0 : i32
      %cond3A_46 = arith.cmpi ne, %convert_element_type3A_44, %cond3A_45 : i32
      scf.if %cond3A_46 {
        "tpu.region"() ({
          %run_scoped3A = tpu.sem_alloc : memref<!tpu.dma_semaphore, #tpu.memory_space<semaphore_mem>>
          %dma_start3A_47 = arith.constant 9984 : i32
          %dma_start3A_48 = arith.constant 0 : i32
          %dma_start3A_49 = tpu.memref_slice %arg16[%dma_start3A_47, %dma_start3A_48] : memref<10000x128xf32, #tpu.memory_space<hbm>> -> memref<16x128xf32, #tpu.memory_space<hbm>>
          %dma_start3A_50 = arith.constant 9984 : i32
          %dma_start3A_51 = arith.constant 0 : i32
          %dma_start3A_52 = tpu.memref_slice %arg31[%dma_start3A_50, %dma_start3A_51] : memref<10000x128xf32, #tpu.memory_space<vmem_shared>> -> memref<16x128xf32, #tpu.memory_space<vmem_shared>>
          tpu.enqueue_dma source(%dma_start3A_52 : memref<16x128xf32, #tpu.memory_space<vmem_shared>>) target(%dma_start3A_49 : memref<16x128xf32, #tpu.memory_space<hbm>>) target_semaphore(%run_scoped3A : memref<!tpu.dma_semaphore, #tpu.memory_space<semaphore_mem>>)
          %dma_wait3A = arith.constant 9984 : i32
          %dma_wait3A_53 = arith.constant 0 : i32
          %dma_wait3A_54 = tpu.memref_slice %arg16[%dma_wait3A, %dma_wait3A_53] : memref<10000x128xf32, #tpu.memory_space<hbm>> -> memref<16x128xf32, #tpu.memory_space<hbm>>
          %dma_wait3A_55 = arith.constant 9984 : i32
          %dma_wait3A_56 = arith.constant 0 : i32
          %dma_wait3A_57 = tpu.memref_slice %arg31[%dma_wait3A_55, %dma_wait3A_56] : memref<10000x128xf32, #tpu.memory_space<vmem_shared>> -> memref<16x128xf32, #tpu.memory_space<vmem_shared>>
          tpu.wait_dma2 semaphore(%run_scoped3A : memref<!tpu.dma_semaphore, #tpu.memory_space<semaphore_mem>>) src(%dma_wait3A_57 : memref<16x128xf32, #tpu.memory_space<vmem_shared>>) dst(%dma_wait3A_54 : memref<16x128xf32, #tpu.memory_space<hbm>>)
          tpu.yield
        }) : () -> ()
      } else {
      }
    } else {
    }
    return
  }
}

module attributes {stable_mosaic.version = 14 : i64} {
  func.func @_mm_node_body(%arg0: i32, %arg1: memref<1000x256xf32, #tpu.memory_space<vmem>>, %arg2: memref<256x1024xf32, #tpu.memory_space<vmem>>, %arg3: memref<1x1024xf32, #tpu.memory_space<vmem>>, %arg4: memref<1000x256xf32, #tpu.memory_space<vmem>>, %arg5: memref<1000x128xf32, #tpu.memory_space<vmem>>, %arg6: memref<1000x128xf32, #tpu.memory_space<vmem>>, %arg7: memref<1000x128xf32, #tpu.memory_space<vmem>>, %arg8: memref<1000x128xf32, #tpu.memory_space<vmem>>, %arg9: memref<1000x128xf32, #tpu.memory_space<vmem>>, %arg10: memref<1000x128xf32, #tpu.memory_space<vmem>>) attributes {dimension_semantics = [#tpu.dimension_semantics<arbitrary>], iteration_bounds = array<i64: 10>, scalar_prefetch = 0 : i64, scratch_operands = 0 : i64, tpu.core_type = #tpu.core_type<tc>, window_params = [{transform_indices = @transform_0, window_bounds = array<i64: 1000, 256>}, {pipeline_mode = #tpu.pipeline_mode<synchronous>, transform_indices = @transform_1, window_bounds = array<i64: 256, 1024>}, {pipeline_mode = #tpu.pipeline_mode<synchronous>, transform_indices = @transform_2, window_bounds = array<i64: 1, 1024>}, {transform_indices = @transform_3, window_bounds = array<i64: 1000, 256>}, {transform_indices = @transform_4, window_bounds = array<i64: 1000, 128>}, {transform_indices = @transform_5, window_bounds = array<i64: 1000, 128>}, {transform_indices = @transform_6, window_bounds = array<i64: 1000, 128>}, {transform_indices = @transform_7, window_bounds = array<i64: 1000, 128>}, {transform_indices = @transform_8, window_bounds = array<i64: 1000, 128>}, {transform_indices = @transform_9, window_bounds = array<i64: 1000, 128>}]} {
    %get3A = arith.constant 0 : index
    %get3A_0 = arith.constant 0 : index
    %get3A_1 = vector.load %arg1[%get3A, %get3A_0] : memref<1000x256xf32, #tpu.memory_space<vmem>>, vector<1000x256xf32>
    %get3A_2 = arith.constant 0 : index
    %get3A_3 = arith.constant 0 : index
    %get3A_4 = vector.load %arg2[%get3A_2, %get3A_3] : memref<256x1024xf32, #tpu.memory_space<vmem>>, vector<256x1024xf32>
    %dot_general3A = arith.constant dense<0.000000e+00> : vector<1000x1024xf32>
    %dot_general3A_5 = tpu.matmul %get3A_1, %get3A_4, %dot_general3A {dimension_numbers = #tpu.dot_dimension_numbers<[1], [0], [0], [1], [0, 0, 1, 1], [], []>, transpose_lhs_hint = false} : vector<1000x256xf32>, vector<256x1024xf32>, vector<1000x1024xf32> -> vector<1000x1024xf32>
    %get3A_6 = arith.constant 0 : index
    %get3A_7 = arith.constant 0 : index
    %get3A_8 = vector.load %arg3[%get3A_6, %get3A_7] : memref<1x1024xf32, #tpu.memory_space<vmem>>, vector<1x1024xf32>
    %add3A = vector.broadcast %get3A_8 : vector<1x1024xf32> to vector<1000x1024xf32>
    %add3A_9 = arith.addf %dot_general3A_5, %add3A : vector<1000x1024xf32>
    %slice3A = vector.extract_strided_slice %add3A_9 {offsets = [0, 0], sizes = [1000, 256], strides = [1, 1]} : vector<1000x1024xf32> to vector<1000x256xf32>
    %swap3A = arith.constant 0 : index
    %swap3A_10 = arith.constant 0 : index
    %swap3A_11 = vector.load %arg4[%swap3A, %swap3A_10] : memref<1000x256xf32, #tpu.memory_space<vmem>>, vector<1000x256xf32>
    tpu.vector_store %arg4[%swap3A, %swap3A_10], %slice3A {strides = array<i32>} : memref<1000x256xf32, #tpu.memory_space<vmem>>, vector<1000x256xf32>,
    %slice3A_12 = vector.extract_strided_slice %add3A_9 {offsets = [0, 256], sizes = [1000, 128], strides = [1, 1]} : vector<1000x1024xf32> to vector<1000x128xf32>
    %swap3A_13 = arith.constant 0 : index
    %swap3A_14 = arith.constant 0 : index
    %swap3A_15 = vector.load %arg5[%swap3A_13, %swap3A_14] : memref<1000x128xf32, #tpu.memory_space<vmem>>, vector<1000x128xf32>
    tpu.vector_store %arg5[%swap3A_13, %swap3A_14], %slice3A_12 {strides = array<i32>} : memref<1000x128xf32, #tpu.memory_space<vmem>>, vector<1000x128xf32>,
    %slice3A_16 = vector.extract_strided_slice %add3A_9 {offsets = [0, 384], sizes = [1000, 128], strides = [1, 1]} : vector<1000x1024xf32> to vector<1000x128xf32>
    %swap3A_17 = arith.constant 0 : index
    %swap3A_18 = arith.constant 0 : index
    %swap3A_19 = vector.load %arg6[%swap3A_17, %swap3A_18] : memref<1000x128xf32, #tpu.memory_space<vmem>>, vector<1000x128xf32>
    tpu.vector_store %arg6[%swap3A_17, %swap3A_18], %slice3A_16 {strides = array<i32>} : memref<1000x128xf32, #tpu.memory_space<vmem>>, vector<1000x128xf32>,
    %slice3A_20 = vector.extract_strided_slice %add3A_9 {offsets = [0, 512], sizes = [1000, 128], strides = [1, 1]} : vector<1000x1024xf32> to vector<1000x128xf32>
    %swap3A_21 = arith.constant 0 : index
    %swap3A_22 = arith.constant 0 : index
    %swap3A_23 = vector.load %arg7[%swap3A_21, %swap3A_22] : memref<1000x128xf32, #tpu.memory_space<vmem>>, vector<1000x128xf32>
    tpu.vector_store %arg7[%swap3A_21, %swap3A_22], %slice3A_20 {strides = array<i32>} : memref<1000x128xf32, #tpu.memory_space<vmem>>, vector<1000x128xf32>,
    %slice3A_24 = vector.extract_strided_slice %add3A_9 {offsets = [0, 640], sizes = [1000, 128], strides = [1, 1]} : vector<1000x1024xf32> to vector<1000x128xf32>
    %swap3A_25 = arith.constant 0 : index
    %swap3A_26 = arith.constant 0 : index
    %swap3A_27 = vector.load %arg8[%swap3A_25, %swap3A_26] : memref<1000x128xf32, #tpu.memory_space<vmem>>, vector<1000x128xf32>
    tpu.vector_store %arg8[%swap3A_25, %swap3A_26], %slice3A_24 {strides = array<i32>} : memref<1000x128xf32, #tpu.memory_space<vmem>>, vector<1000x128xf32>,
    %slice3A_28 = vector.extract_strided_slice %add3A_9 {offsets = [0, 768], sizes = [1000, 128], strides = [1, 1]} : vector<1000x1024xf32> to vector<1000x128xf32>
    %swap3A_29 = arith.constant 0 : index
    %swap3A_30 = arith.constant 0 : index
    %swap3A_31 = vector.load %arg9[%swap3A_29, %swap3A_30] : memref<1000x128xf32, #tpu.memory_space<vmem>>, vector<1000x128xf32>
    tpu.vector_store %arg9[%swap3A_29, %swap3A_30], %slice3A_28 {strides = array<i32>} : memref<1000x128xf32, #tpu.memory_space<vmem>>, vector<1000x128xf32>,
    %slice3A_32 = vector.extract_strided_slice %add3A_9 {offsets = [0, 896], sizes = [1000, 128], strides = [1, 1]} : vector<1000x1024xf32> to vector<1000x128xf32>
    %swap3A_33 = arith.constant 0 : index
    %swap3A_34 = arith.constant 0 : index
    %swap3A_35 = vector.load %arg10[%swap3A_33, %swap3A_34] : memref<1000x128xf32, #tpu.memory_space<vmem>>, vector<1000x128xf32>
    tpu.vector_store %arg10[%swap3A_33, %swap3A_34], %slice3A_32 {strides = array<i32>} : memref<1000x128xf32, #tpu.memory_space<vmem>>, vector<1000x128xf32>,
    return
  }
  func.func @transform_0(%arg0: i32) -> (i32, i32) {
    %c0_i32 = arith.constant 0 : i32
    %c0_i32_0 = arith.constant 0 : i32
    return %arg0, %c0_i32 : i32, i32
  }
  func.func @transform_1(%arg0: i32) -> (i32, i32) {
    %c0_i32 = arith.constant 0 : i32
    %c0_i32_0 = arith.constant 0 : i32
    %c0_i32_1 = arith.constant 0 : i32
    return %c0_i32, %c0_i32_0 : i32, i32
  }
  func.func @transform_2(%arg0: i32) -> (i32, i32) {
    %c0_i32 = arith.constant 0 : i32
    %c0_i32_0 = arith.constant 0 : i32
    %c0_i32_1 = arith.constant 0 : i32
    return %c0_i32, %c0_i32_0 : i32, i32
  }
  func.func @transform_3(%arg0: i32) -> (i32, i32) {
    %c0_i32 = arith.constant 0 : i32
    %c0_i32_0 = arith.constant 0 : i32
    return %arg0, %c0_i32 : i32, i32
  }
  func.func @transform_4(%arg0: i32) -> (i32, i32) {
    %c0_i32 = arith.constant 0 : i32
    %c0_i32_0 = arith.constant 0 : i32
    return %arg0, %c0_i32 : i32, i32
  }
  func.func @transform_5(%arg0: i32) -> (i32, i32) {
    %c0_i32 = arith.constant 0 : i32
    %c0_i32_0 = arith.constant 0 : i32
    return %arg0, %c0_i32 : i32, i32
  }
  func.func @transform_6(%arg0: i32) -> (i32, i32) {
    %c0_i32 = arith.constant 0 : i32
    %c0_i32_0 = arith.constant 0 : i32
    return %arg0, %c0_i32 : i32, i32
  }
  func.func @transform_7(%arg0: i32) -> (i32, i32) {
    %c0_i32 = arith.constant 0 : i32
    %c0_i32_0 = arith.constant 0 : i32
    return %arg0, %c0_i32 : i32, i32
  }
  func.func @transform_8(%arg0: i32) -> (i32, i32) {
    %c0_i32 = arith.constant 0 : i32
    %c0_i32_0 = arith.constant 0 : i32
    return %arg0, %c0_i32 : i32, i32
  }
  func.func @transform_9(%arg0: i32) -> (i32, i32) {
    %c0_i32 = arith.constant 0 : i32
    %c0_i32_0 = arith.constant 0 : i32
    return %arg0, %c0_i32 : i32, i32
  }
}

module attributes {stable_mosaic.version = 14 : i64} {
  func.func @_mm_edge_body(%arg0: i32, %arg1: memref<1000x256xf32, #tpu.memory_space<vmem>>, %arg2: memref<256x256xf32, #tpu.memory_space<vmem>>, %arg3: memref<1x256xf32, #tpu.memory_space<vmem>>, %arg4: memref<1000x128xf32, #tpu.memory_space<vmem>>, %arg5: memref<1000x128xf32, #tpu.memory_space<vmem>>) attributes {dimension_semantics = [#tpu.dimension_semantics<arbitrary>], iteration_bounds = array<i64: 160>, scalar_prefetch = 0 : i64, scratch_operands = 0 : i64, tpu.core_type = #tpu.core_type<tc>, window_params = [{transform_indices = @transform_0, window_bounds = array<i64: 1000, 256>}, {pipeline_mode = #tpu.pipeline_mode<synchronous>, transform_indices = @transform_1, window_bounds = array<i64: 256, 256>}, {pipeline_mode = #tpu.pipeline_mode<synchronous>, transform_indices = @transform_2, window_bounds = array<i64: 1, 256>}, {transform_indices = @transform_3, window_bounds = array<i64: 1000, 128>}, {transform_indices = @transform_4, window_bounds = array<i64: 1000, 128>}]} {
    %get3A = arith.constant 0 : index
    %get3A_0 = arith.constant 0 : index
    %get3A_1 = vector.load %arg1[%get3A, %get3A_0] : memref<1000x256xf32, #tpu.memory_space<vmem>>, vector<1000x256xf32>
    %get3A_2 = arith.constant 0 : index
    %get3A_3 = arith.constant 0 : index
    %get3A_4 = vector.load %arg2[%get3A_2, %get3A_3] : memref<256x256xf32, #tpu.memory_space<vmem>>, vector<256x256xf32>
    %dot_general3A = arith.constant dense<0.000000e+00> : vector<1000x256xf32>
    %dot_general3A_5 = tpu.matmul %get3A_1, %get3A_4, %dot_general3A {dimension_numbers = #tpu.dot_dimension_numbers<[1], [0], [0], [1], [0, 0, 1, 1], [], []>, transpose_lhs_hint = false} : vector<1000x256xf32>, vector<256x256xf32>, vector<1000x256xf32> -> vector<1000x256xf32>
    %get3A_6 = arith.constant 0 : index
    %get3A_7 = arith.constant 0 : index
    %get3A_8 = vector.load %arg3[%get3A_6, %get3A_7] : memref<1x256xf32, #tpu.memory_space<vmem>>, vector<1x256xf32>
    %add3A = vector.broadcast %get3A_8 : vector<1x256xf32> to vector<1000x256xf32>
    %add3A_9 = arith.addf %dot_general3A_5, %add3A : vector<1000x256xf32>
    %slice3A = vector.extract_strided_slice %add3A_9 {offsets = [0, 0], sizes = [1000, 128], strides = [1, 1]} : vector<1000x256xf32> to vector<1000x128xf32>
    %swap3A = arith.constant 0 : index
    %swap3A_10 = arith.constant 0 : index
    %swap3A_11 = vector.load %arg4[%swap3A, %swap3A_10] : memref<1000x128xf32, #tpu.memory_space<vmem>>, vector<1000x128xf32>
    tpu.vector_store %arg4[%swap3A, %swap3A_10], %slice3A {strides = array<i32>} : memref<1000x128xf32, #tpu.memory_space<vmem>>, vector<1000x128xf32>,
    %slice3A_12 = vector.extract_strided_slice %add3A_9 {offsets = [0, 128], sizes = [1000, 128], strides = [1, 1]} : vector<1000x256xf32> to vector<1000x128xf32>
    %swap3A_13 = arith.constant 0 : index
    %swap3A_14 = arith.constant 0 : index
    %swap3A_15 = vector.load %arg5[%swap3A_13, %swap3A_14] : memref<1000x128xf32, #tpu.memory_space<vmem>>, vector<1000x128xf32>
    tpu.vector_store %arg5[%swap3A_13, %swap3A_14], %slice3A_12 {strides = array<i32>} : memref<1000x128xf32, #tpu.memory_space<vmem>>, vector<1000x128xf32>,
    return
  }
  func.func @transform_0(%arg0: i32) -> (i32, i32) {
    %c0_i32 = arith.constant 0 : i32
    %c0_i32_0 = arith.constant 0 : i32
    return %arg0, %c0_i32 : i32, i32
  }
  func.func @transform_1(%arg0: i32) -> (i32, i32) {
    %c0_i32 = arith.constant 0 : i32
    %c0_i32_0 = arith.constant 0 : i32
    %c0_i32_1 = arith.constant 0 : i32
    return %c0_i32, %c0_i32_0 : i32, i32
  }
  func.func @transform_2(%arg0: i32) -> (i32, i32) {
    %c0_i32 = arith.constant 0 : i32
    %c0_i32_0 = arith.constant 0 : i32
    %c0_i32_1 = arith.constant 0 : i32
    return %c0_i32, %c0_i32_0 : i32, i32
  }
  func.func @transform_3(%arg0: i32) -> (i32, i32) {
    %c0_i32 = arith.constant 0 : i32
    %c0_i32_0 = arith.constant 0 : i32
    return %arg0, %c0_i32 : i32, i32
  }
  func.func @transform_4(%arg0: i32) -> (i32, i32) {
    %c0_i32 = arith.constant 0 : i32
    %c0_i32_0 = arith.constant 0 : i32
    return %arg0, %c0_i32 : i32, i32
  }
}

module attributes {stable_mosaic.version = 14 : i64} {
  func.func @_e_epi_body(%arg0: i32, %arg1: memref<1000x256xf32, #tpu.memory_space<vmem>>, %arg2: memref<1000x128xf32, #tpu.memory_space<vmem>>, %arg3: memref<1000x128xf32, #tpu.memory_space<vmem>>, %arg4: memref<1x256xf32, #tpu.memory_space<vmem>>, %arg5: memref<1x256xf32, #tpu.memory_space<vmem>>, %arg6: memref<1000x256xf32, #tpu.memory_space<vmem>>) attributes {dimension_semantics = [#tpu.dimension_semantics<arbitrary>], iteration_bounds = array<i64: 160>, scalar_prefetch = 0 : i64, scratch_operands = 0 : i64, tpu.core_type = #tpu.core_type<tc>, window_params = [{transform_indices = @transform_0, window_bounds = array<i64: 1000, 256>}, {transform_indices = @transform_1, window_bounds = array<i64: 1000, 128>}, {transform_indices = @transform_2, window_bounds = array<i64: 1000, 128>}, {pipeline_mode = #tpu.pipeline_mode<synchronous>, transform_indices = @transform_3, window_bounds = array<i64: 1, 256>}, {pipeline_mode = #tpu.pipeline_mode<synchronous>, transform_indices = @transform_4, window_bounds = array<i64: 1, 256>}, {transform_indices = @transform_5, window_bounds = array<i64: 1000, 256>}]} {
    %get3A = arith.constant 0 : index
    %get3A_0 = arith.constant 0 : index
    %get3A_1 = vector.load %arg2[%get3A, %get3A_0] : memref<1000x128xf32, #tpu.memory_space<vmem>>, vector<1000x128xf32>
    %get3A_2 = arith.constant 0 : index
    %get3A_3 = arith.constant 0 : index
    %get3A_4 = vector.load %arg3[%get3A_2, %get3A_3] : memref<1000x128xf32, #tpu.memory_space<vmem>>, vector<1000x128xf32>
    %concatenate3A = tpu.concatenate %get3A_1, %get3A_4 in 1 : vector<1000x128xf32>, vector<1000x128xf32> -> vector<1000x256xf32>
    %get3A_5 = arith.constant 0 : index
    %get3A_6 = arith.constant 0 : index
    %get3A_7 = vector.load %arg1[%get3A_5, %get3A_6] : memref<1000x256xf32, #tpu.memory_space<vmem>>, vector<1000x256xf32>
    %get3A_8 = arith.constant 0 : index
    %get3A_9 = arith.constant 0 : index
    %get3A_10 = vector.load %arg4[%get3A_8, %get3A_9] : memref<1x256xf32, #tpu.memory_space<vmem>>, vector<1x256xf32>
    %get3A_11 = arith.constant 0 : index
    %get3A_12 = arith.constant 0 : index
    %get3A_13 = vector.load %arg5[%get3A_11, %get3A_12] : memref<1x256xf32, #tpu.memory_space<vmem>>, vector<1x256xf32>
    %reduce_sum3A = arith.constant dense<0.000000e+00> : vector<1000xf32>
    %reduce_sum3A_14 = vector.multi_reduction <add>, %concatenate3A, %reduce_sum3A [1] : vector<1000x256xf32> to vector<1000xf32>
    %broadcast_in_dim3A = vector.shape_cast %reduce_sum3A_14 : vector<1000xf32> to vector<1000x1xf32>
    %div3A = arith.constant 2.560000e+02 : f32
    %div3A_15 = vector.broadcast %div3A : f32 to vector<1000x1xf32>
    %div3A_16 = arith.divf %broadcast_in_dim3A, %div3A_15 : vector<1000x1xf32>
    %sub3A = vector.broadcast %div3A_16 : vector<1000x1xf32> to vector<1000x256xf32>
    %sub3A_17 = arith.subf %concatenate3A, %sub3A : vector<1000x256xf32>
    %sub3A_18 = vector.broadcast %div3A_16 : vector<1000x1xf32> to vector<1000x256xf32>
    %sub3A_19 = arith.subf %concatenate3A, %sub3A_18 : vector<1000x256xf32>
    %mul3A = arith.mulf %sub3A_17, %sub3A_19 : vector<1000x256xf32>
    %reduce_sum3A_20 = arith.constant dense<0.000000e+00> : vector<1000xf32>
    %reduce_sum3A_21 = vector.multi_reduction <add>, %mul3A, %reduce_sum3A_20 [1] : vector<1000x256xf32> to vector<1000xf32>
    %broadcast_in_dim3A_22 = vector.shape_cast %reduce_sum3A_21 : vector<1000xf32> to vector<1000x1xf32>
    %div3A_23 = arith.constant 2.560000e+02 : f32
    %div3A_24 = vector.broadcast %div3A_23 : f32 to vector<1000x1xf32>
    %div3A_25 = arith.divf %broadcast_in_dim3A_22, %div3A_24 : vector<1000x1xf32>
    %sub3A_26 = vector.broadcast %div3A_16 : vector<1000x1xf32> to vector<1000x256xf32>
    %sub3A_27 = arith.subf %concatenate3A, %sub3A_26 : vector<1000x256xf32>
    %add3A = arith.constant 9.99999974E-6 : f32
    %add3A_28 = vector.broadcast %add3A : f32 to vector<1000x1xf32>
    %add3A_29 = arith.addf %div3A_25, %add3A_28 : vector<1000x1xf32>
    %sqrt3A = math.sqrt %add3A_29 : vector<1000x1xf32>
    %div3A_30 = vector.broadcast %sqrt3A : vector<1000x1xf32> to vector<1000x256xf32>
    %div3A_31 = arith.divf %sub3A_27, %div3A_30 : vector<1000x256xf32>
    %mul3A_32 = vector.broadcast %get3A_10 : vector<1x256xf32> to vector<1000x256xf32>
    %mul3A_33 = arith.mulf %div3A_31, %mul3A_32 : vector<1000x256xf32>
    %add3A_34 = vector.broadcast %get3A_13 : vector<1x256xf32> to vector<1000x256xf32>
    %add3A_35 = arith.addf %mul3A_33, %add3A_34 : vector<1000x256xf32>
    %max3A = arith.constant 0.000000e+00 : f32
    %max3A_36 = vector.broadcast %max3A : f32 to vector<1000x256xf32>
    %max3A_37 = arith.maximumf %add3A_35, %max3A_36 : vector<1000x256xf32>
    %add3A_38 = arith.addf %get3A_7, %max3A_37 : vector<1000x256xf32>
    %swap3A = arith.constant 0 : index
    %swap3A_39 = arith.constant 0 : index
    %swap3A_40 = vector.load %arg6[%swap3A, %swap3A_39] : memref<1000x256xf32, #tpu.memory_space<vmem>>, vector<1000x256xf32>
    tpu.vector_store %arg6[%swap3A, %swap3A_39], %add3A_38 {strides = array<i32>} : memref<1000x256xf32, #tpu.memory_space<vmem>>, vector<1000x256xf32>,
    return
  }
  func.func @transform_0(%arg0: i32) -> (i32, i32) {
    %c0_i32 = arith.constant 0 : i32
    %c0_i32_0 = arith.constant 0 : i32
    return %arg0, %c0_i32 : i32, i32
  }
  func.func @transform_1(%arg0: i32) -> (i32, i32) {
    %c0_i32 = arith.constant 0 : i32
    %c0_i32_0 = arith.constant 0 : i32
    return %arg0, %c0_i32 : i32, i32
  }
  func.func @transform_2(%arg0: i32) -> (i32, i32) {
    %c0_i32 = arith.constant 0 : i32
    %c0_i32_0 = arith.constant 0 : i32
    return %arg0, %c0_i32 : i32, i32
  }
  func.func @transform_3(%arg0: i32) -> (i32, i32) {
    %c0_i32 = arith.constant 0 : i32
    %c0_i32_0 = arith.constant 0 : i32
    %c0_i32_1 = arith.constant 0 : i32
    return %c0_i32, %c0_i32_0 : i32, i32
  }
  func.func @transform_4(%arg0: i32) -> (i32, i32) {
    %c0_i32 = arith.constant 0 : i32
    %c0_i32_0 = arith.constant 0 : i32
    %c0_i32_1 = arith.constant 0 : i32
    return %c0_i32, %c0_i32_0 : i32, i32
  }
  func.func @transform_5(%arg0: i32) -> (i32, i32) {
    %c0_i32 = arith.constant 0 : i32
    %c0_i32_0 = arith.constant 0 : i32
    return %arg0, %c0_i32 : i32, i32
  }
}

module attributes {stable_mosaic.version = 14 : i64} {
  func.func @_h_epi_body(%arg0: i32, %arg1: memref<1000x256xf32, #tpu.memory_space<vmem>>, %arg2: memref<1000x256xf32, #tpu.memory_space<vmem>>, %arg3: memref<1000x128xf32, #tpu.memory_space<vmem>>, %arg4: memref<1000x128xf32, #tpu.memory_space<vmem>>, %arg5: memref<1x256xf32, #tpu.memory_space<vmem>>, %arg6: memref<1x256xf32, #tpu.memory_space<vmem>>, %arg7: memref<1000x256xf32, #tpu.memory_space<vmem>>) attributes {dimension_semantics = [#tpu.dimension_semantics<arbitrary>], iteration_bounds = array<i64: 10>, scalar_prefetch = 0 : i64, scratch_operands = 0 : i64, tpu.core_type = #tpu.core_type<tc>, window_params = [{transform_indices = @transform_0, window_bounds = array<i64: 1000, 256>}, {transform_indices = @transform_1, window_bounds = array<i64: 1000, 256>}, {transform_indices = @transform_2, window_bounds = array<i64: 1000, 128>}, {transform_indices = @transform_3, window_bounds = array<i64: 1000, 128>}, {pipeline_mode = #tpu.pipeline_mode<synchronous>, transform_indices = @transform_4, window_bounds = array<i64: 1, 256>}, {pipeline_mode = #tpu.pipeline_mode<synchronous>, transform_indices = @transform_5, window_bounds = array<i64: 1, 256>}, {transform_indices = @transform_6, window_bounds = array<i64: 1000, 256>}]} {
    %get3A = arith.constant 0 : index
    %get3A_0 = arith.constant 0 : index
    %get3A_1 = vector.load %arg2[%get3A, %get3A_0] : memref<1000x256xf32, #tpu.memory_space<vmem>>, vector<1000x256xf32>
    %get3A_2 = arith.constant 0 : index
    %get3A_3 = arith.constant 0 : index
    %get3A_4 = vector.load %arg3[%get3A_2, %get3A_3] : memref<1000x128xf32, #tpu.memory_space<vmem>>, vector<1000x128xf32>
    %get3A_5 = arith.constant 0 : index
    %get3A_6 = arith.constant 0 : index
    %get3A_7 = vector.load %arg4[%get3A_5, %get3A_6] : memref<1000x128xf32, #tpu.memory_space<vmem>>, vector<1000x128xf32>
    %concatenate3A = tpu.concatenate %get3A_4, %get3A_7 in 1 : vector<1000x128xf32>, vector<1000x128xf32> -> vector<1000x256xf32>
    %add3A = arith.addf %get3A_1, %concatenate3A : vector<1000x256xf32>
    %get3A_8 = arith.constant 0 : index
    %get3A_9 = arith.constant 0 : index
    %get3A_10 = vector.load %arg1[%get3A_8, %get3A_9] : memref<1000x256xf32, #tpu.memory_space<vmem>>, vector<1000x256xf32>
    %get3A_11 = arith.constant 0 : index
    %get3A_12 = arith.constant 0 : index
    %get3A_13 = vector.load %arg5[%get3A_11, %get3A_12] : memref<1x256xf32, #tpu.memory_space<vmem>>, vector<1x256xf32>
    %get3A_14 = arith.constant 0 : index
    %get3A_15 = arith.constant 0 : index
    %get3A_16 = vector.load %arg6[%get3A_14, %get3A_15] : memref<1x256xf32, #tpu.memory_space<vmem>>, vector<1x256xf32>
    %reduce_sum3A = arith.constant dense<0.000000e+00> : vector<1000xf32>
    %reduce_sum3A_17 = vector.multi_reduction <add>, %add3A, %reduce_sum3A [1] : vector<1000x256xf32> to vector<1000xf32>
    %broadcast_in_dim3A = vector.shape_cast %reduce_sum3A_17 : vector<1000xf32> to vector<1000x1xf32>
    %div3A = arith.constant 2.560000e+02 : f32
    %div3A_18 = vector.broadcast %div3A : f32 to vector<1000x1xf32>
    %div3A_19 = arith.divf %broadcast_in_dim3A, %div3A_18 : vector<1000x1xf32>
    %sub3A = vector.broadcast %div3A_19 : vector<1000x1xf32> to vector<1000x256xf32>
    %sub3A_20 = arith.subf %add3A, %sub3A : vector<1000x256xf32>
    %sub3A_21 = vector.broadcast %div3A_19 : vector<1000x1xf32> to vector<1000x256xf32>
    %sub3A_22 = arith.subf %add3A, %sub3A_21 : vector<1000x256xf32>
    %mul3A = arith.mulf %sub3A_20, %sub3A_22 : vector<1000x256xf32>
    %reduce_sum3A_23 = arith.constant dense<0.000000e+00> : vector<1000xf32>
    %reduce_sum3A_24 = vector.multi_reduction <add>, %mul3A, %reduce_sum3A_23 [1] : vector<1000x256xf32> to vector<1000xf32>
    %broadcast_in_dim3A_25 = vector.shape_cast %reduce_sum3A_24 : vector<1000xf32> to vector<1000x1xf32>
    %div3A_26 = arith.constant 2.560000e+02 : f32
    %div3A_27 = vector.broadcast %div3A_26 : f32 to vector<1000x1xf32>
    %div3A_28 = arith.divf %broadcast_in_dim3A_25, %div3A_27 : vector<1000x1xf32>
    %sub3A_29 = vector.broadcast %div3A_19 : vector<1000x1xf32> to vector<1000x256xf32>
    %sub3A_30 = arith.subf %add3A, %sub3A_29 : vector<1000x256xf32>
    %add3A_31 = arith.constant 9.99999974E-6 : f32
    %add3A_32 = vector.broadcast %add3A_31 : f32 to vector<1000x1xf32>
    %add3A_33 = arith.addf %div3A_28, %add3A_32 : vector<1000x1xf32>
    %sqrt3A = math.sqrt %add3A_33 : vector<1000x1xf32>
    %div3A_34 = vector.broadcast %sqrt3A : vector<1000x1xf32> to vector<1000x256xf32>
    %div3A_35 = arith.divf %sub3A_30, %div3A_34 : vector<1000x256xf32>
    %mul3A_36 = vector.broadcast %get3A_13 : vector<1x256xf32> to vector<1000x256xf32>
    %mul3A_37 = arith.mulf %div3A_35, %mul3A_36 : vector<1000x256xf32>
    %add3A_38 = vector.broadcast %get3A_16 : vector<1x256xf32> to vector<1000x256xf32>
    %add3A_39 = arith.addf %mul3A_37, %add3A_38 : vector<1000x256xf32>
    %max3A = arith.constant 0.000000e+00 : f32
    %max3A_40 = vector.broadcast %max3A : f32 to vector<1000x256xf32>
    %max3A_41 = arith.maximumf %add3A_39, %max3A_40 : vector<1000x256xf32>
    %add3A_42 = arith.addf %get3A_10, %max3A_41 : vector<1000x256xf32>
    %swap3A = arith.constant 0 : index
    %swap3A_43 = arith.constant 0 : index
    %swap3A_44 = vector.load %arg7[%swap3A, %swap3A_43] : memref<1000x256xf32, #tpu.memory_space<vmem>>, vector<1000x256xf32>
    tpu.vector_store %arg7[%swap3A, %swap3A_43], %add3A_42 {strides = array<i32>} : memref<1000x256xf32, #tpu.memory_space<vmem>>, vector<1000x256xf32>,
    return
  }
  func.func @transform_0(%arg0: i32) -> (i32, i32) {
    %c0_i32 = arith.constant 0 : i32
    %c0_i32_0 = arith.constant 0 : i32
    return %arg0, %c0_i32 : i32, i32
  }
  func.func @transform_1(%arg0: i32) -> (i32, i32) {
    %c0_i32 = arith.constant 0 : i32
    %c0_i32_0 = arith.constant 0 : i32
    return %arg0, %c0_i32 : i32, i32
  }
  func.func @transform_2(%arg0: i32) -> (i32, i32) {
    %c0_i32 = arith.constant 0 : i32
    %c0_i32_0 = arith.constant 0 : i32
    return %arg0, %c0_i32 : i32, i32
  }
  func.func @transform_3(%arg0: i32) -> (i32, i32) {
    %c0_i32 = arith.constant 0 : i32
    %c0_i32_0 = arith.constant 0 : i32
    return %arg0, %c0_i32 : i32, i32
  }
  func.func @transform_4(%arg0: i32) -> (i32, i32) {
    %c0_i32 = arith.constant 0 : i32
    %c0_i32_0 = arith.constant 0 : i32
    %c0_i32_1 = arith.constant 0 : i32
    return %c0_i32, %c0_i32_0 : i32, i32
  }
  func.func @transform_5(%arg0: i32) -> (i32, i32) {
    %c0_i32 = arith.constant 0 : i32
    %c0_i32_0 = arith.constant 0 : i32
    %c0_i32_1 = arith.constant 0 : i32
    return %c0_i32, %c0_i32_0 : i32, i32
  }
  func.func @transform_6(%arg0: i32) -> (i32, i32) {
    %c0_i32 = arith.constant 0 : i32
    %c0_i32_0 = arith.constant 0 : i32
    return %arg0, %c0_i32 : i32, i32
  }
}

</mosaic_0001>

<sc_bundles>
// kernel: kernel.7.cloned.1.call-start
scs
__scs_entry_jumppad:
0x0: {  	(pc) =	sbr.rel $0x88, $3  }
0x1: {  	(tag) =	ssettag $0x0;
	lr =	simm.s32 $0x1  }
0x2: {  	[smem:$0x3F90] =	sst lr;
	_ =	strace $0xD0000000  }
0x3: {  	_ = 	snop  }
0x4: {  	_ = 	snop  }
0x5: {  	_ = 	snop  }
0x6: {  	_ = 	snop  }
0x7: {  	_ = 	snop  }
__scs_overlays_trampoline_lowered:
0x8: {  	[smem:$0x3F9F] =	sst s0  }
0x9: {  	[smem:$0x3FA0] =	sst s1  }
0xa: {  	[smem:$0x3FA1] =	sst s2  }
0xb: {  	[smem:$0x3FA2] =	sst s3  }
0xc: {  	[smem:$0x3FA3] =	sst s4  }
0xd: {  	[smem:$0x3FA4] =	sst s5  }
0xe: {  	[smem:$0x3FA5] =	sst s6  }
0xf: {  	[smem:$0x3FA6] =	sst s7  }
0x10: {  	[smem:$0x3FA7] =	sst s8  }
0x11: {  	[smem:$0x3FA8] =	sst s9;
	s0 =	simm.s32 @!p0 $0x0  }
0x12: {  	s1 =	sld [smem:$0x3F8E];
	s0 =	simm.s32 @p0 $0x1  }
0x13: {  	[smem:$0x3FA9] =	sst s0;
	s0 =	simm.s32 @!p1 $0x0  }
0x14: {  	s2 =	sld [smem:$0x3F8D];
	s0 =	simm.s32 @p1 $0x1  }
0x15: {  	[smem:$0x3FAA] =	sst s0;
	s0 =	simm.s32 @!p2 $0x0  }
0x16: {  	s3 =	sld [smem:$0x3FDB];
	s0 =	simm.s32 @p2 $0x1  }
0x17: {  	s4 =	simm.s32 $0x1BF5;
	[smem:$0x3FAC] =	sst s0  }
0x18: {  	s0 =	sld [smem:$0x3F8F];
	_ =	swait.ge [sflag:s4], $0x0  }
0x19: {  	s7 =	sld [smem:$0x3F90]  }
0x1a: {  	s8 =	sadd.s32 $0xFFFFE003, lr  }
0x1b: {  	s9 =	sadd.s32 $0xFFFFFEF7, lr;
	s5 =	simm.s32 $0xFFFFFFFF;
	p2 =	slt.u32 s8, $0xFFFFF086  }
0x1c: {  	p1 =	slt.u32 s9, $0xF7A;
	s5 =	simm.s32 @!p2 $0x0  }
0x1d: {  	s5 =	simm.s32 @p1 $0x1;
	p0 =	seq.s32 s7, s2  }
0x1e: {  	s7 =	smul.u32 @!p0 $0xF7A, s2;
	p2 =	seq.s32 @!p0 s5, $0x0  }
0x1f: {  	s9 =	smul.u32 $0xF7A, s1;
	s8 =	simm.s32 @!p0 $0x1BF5;
	p2 =	por !p2, p0  }
0x20: {  	[sflag:s8] =	ssyncset.s32 @!p0 $0xFFFFF086;
	s6 =	sadd.s32 @!p0 s3, s7;
	s7 =	simm.s32 @!p0 $0x108  }
0x21: {  	s3 =	sadd.s32 s3, s9;
	s6 =	sadd.s32 @!p0 $0x88, s6;
	s7 =	simm.s32 @p2 $0x1082  }
0x22: {  	[simem:s7], [sflag:s8] =	dma.local @!p0 [hbm:s6], $0xF7A  }
0x23: {  	s9 =	sor.u32 $0xD0000000, s2;
	s6 =	simm.s32 $0x108;
	_ =	swait.ge @!p0 [sflag:s8], $0x0  }
0x24: {  	s3 =	sadd.s32 $0x88, s3;
	s6 =	simm.s32 @!p1 $0x1082;
	[sflag:s4] =	ssyncset.s32 $0xFFFFF086  }
0x25: {  	[simem:s6], [sflag:s4] =	dma.local [hbm:s3], $0xF7A  }
0x26: {  	[smem:$0x3F90] =	sst s1;
	(tag) =	ssettag s2;
	_ =	strace s9  }
0x27: {  	s1 =	sld [smem:$0x3FA0]  }
0x28: {  	s2 =	sld [smem:$0x3FA1]  }
0x29: {  	s4 =	sld [smem:$0x3FA3]  }
0x2a: {  	p0 =	seq.s32 s5, $0x0;
	s5 =	sld [smem:$0x3FA4]  }
0x2b: {  	s6 =	sld [smem:$0x3FA5]  }
0x2c: {  	s7 =	sld [smem:$0x3FA6]  }
0x2d: {  	s3 =	simm.s32 $0x108;
	s8 =	sld [smem:$0x3FA7]  }
0x2e: {  	s3 =	simm.s32 @!p0 $0x1082;
	s9 =	sld [smem:$0x3FA8]  }
0x2f: {  	lr =	sadd.s32 s0, s3;
	s0 =	sld [smem:$0x3F9F]  }
0x30: {  	s3 =	sld [smem:$0x3FA2]  }
0x31: {  	[smem:$0x3FAB] =	sst s10  }
0x32: {  	s10 =	sld [smem:$0x3FA9];
	_ =	sdelay $0x3  }
0x33: {  	p0 =	seq.s32 s10, $0x1;
	s10 =	sld [smem:$0x3FAB];
	_ =	sdelay $0x3  }
0x34: {  	[smem:$0x3FAB] =	sst s10  }
0x35: {  	s10 =	sld [smem:$0x3FAA];
	_ =	sdelay $0x3  }
0x36: {  	p1 =	seq.s32 s10, $0x1;
	s10 =	sld [smem:$0x3FAB];
	_ =	sdelay $0x3  }
0x37: {  	[smem:$0x3FAB] =	sst s10  }
0x38: {  	s10 =	sld [smem:$0x3FAC]  }
0x39: {  	_ = 	snop;
	(pc) =	sbr.ind lr, $3  }
0x3a: {  	_ = 	snop  }
0x3b: {  	_ = 	snop  }
0x3c: {  	p2 =	seq.s32 s10, $0x1;
	s10 =	sld [smem:$0x3FAB]  }
0x3d: {  	_ =	shalt  }
0x3e: {  	_ =	shalt  }
0x3f: {  	_ =	shalt  }
0x40: {  	_ =	shalt  }
0x41: {  	_ =	shalt  }
0x42: {  	_ =	shalt  }
0x43: {  	_ =	shalt  }
0x44: {  	_ =	shalt  }
0x45: {  	_ =	shalt  }
0x46: {  	_ =	shalt  }
0x47: {  	_ =	shalt  }
0x48: {  	_ =	shalt  }
0x49: {  	_ =	shalt  }
0x4a: {  	_ =	shalt  }
0x4b: {  	_ =	shalt  }
0x4c: {  	_ =	shalt  }
0x4d: {  	_ =	shalt  }
0x4e: {  	_ =	shalt  }
0x4f: {  	_ =	shalt  }
0x50: {  	_ =	shalt  }
0x51: {  	_ =	shalt  }
0x52: {  	_ =	shalt  }
0x53: {  	_ =	shalt  }
0x54: {  	_ =	shalt  }
0x55: {  	_ =	shalt  }
0x56: {  	_ =	shalt  }
0x57: {  	_ =	shalt  }
0x58: {  	_ =	shalt  }
0x59: {  	_ =	shalt  }
0x5a: {  	_ =	shalt  }
0x5b: {  	_ =	shalt  }
0x5c: {  	_ =	shalt  }
0x5d: {  	_ =	shalt  }
0x5e: {  	_ =	shalt  }
0x5f: {  	_ =	shalt  }
0x60: {  	_ =	shalt  }
0x61: {  	_ =	shalt  }
0x62: {  	_ =	shalt  }
0x63: {  	_ =	shalt  }
0x64: {  	_ =	shalt  }
0x65: {  	_ =	shalt  }
0x66: {  	_ =	shalt  }
0x67: {  	_ =	shalt  }
0x68: {  	_ =	shalt  }
0x69: {  	_ =	shalt  }
0x6a: {  	_ =	shalt  }
0x6b: {  	_ =	shalt  }
0x6c: {  	_ =	shalt  }
0x6d: {  	_ =	shalt  }
0x6e: {  	_ =	shalt  }
0x6f: {  	_ =	shalt  }
0x70: {  	_ =	shalt  }
0x71: {  	_ =	shalt  }
0x72: {  	_ =	shalt  }
0x73: {  	_ =	shalt  }
0x74: {  	_ =	shalt  }
0x75: {  	_ =	shalt  }
0x76: {  	_ =	shalt  }
0x77: {  	_ =	shalt  }
0x78: {  	_ =	shalt  }
0x79: {  	_ =	shalt  }
0x7a: {  	_ =	shalt  }
0x7b: {  	_ =	shalt  }
0x7c: {  	_ =	shalt  }
0x7d: {  	_ =	shalt  }
0x7e: {  	_ =	shalt  }
0x7f: {  	_ =	shalt  }
0x80: {  	_ =	shalt  }
0x81: {  	_ =	shalt  }
0x82: {  	_ =	shalt  }
0x83: {  	_ =	shalt  }
0x84: {  	_ =	shalt  }
0x85: {  	_ =	shalt  }
0x86: {  	_ =	shalt  }
0x87: {  	_ =	shalt  }
.Lfunc_end0:
.L_simem_size_0:
called_computation_lowered:
.L_overlay_start_0:
0x88: {  	s2 =	sld [smem:$0x3FD9]  }
0x89: {  	s3 =	sld [smem:$0x3FFE];
	_ =	sdelay $0x1  }
0x8a: {  	s1 =	srdreg.scid  }
0x8b: {  	s0 =	sand.u32 $0x1, s1  }
0x8c: {  	s14 =	sshll.u32 s0, $0xA;
	s2 =	sadd.s32 s3, s2  }
0x8d: {  	s2 =	sadd.s32 s2, s14  }
0x8e: {  	[smem:$0x3FB7] =	sst s2  }
0x8f: {  	_ = 	snop  }
0x90: {  	s2 =	sld [smem:$0x3FD0];
	_ =	sdelay $0x2  }
0x91: {  	s15 =	simm.s32 $0xA;
	s4 =	simm.s32 $0x10  }
0x92: {  	[smem:s4], [sflag:s15] =	dma.local [hbm:s2], $0x1  }
0x93: {  	_ =	swait.eq [sflag:s15], $0x1  }
0x94: {  	[sflag:s15] =	ssyncset.done $0x0  }
0x95: {  	s16 =	sld [smem:$0x10];
	[sflag:s15] =	ssyncadd.s32 $0xFFFFFFFF  }
0x96: {  	s17 =	sld [smem:$0x11];
	(tm) =	ssettm $0x1  }
0x97: {  	s18 =	sld [smem:$0x3FFB];
	_ =	sdelay $0x3  }
0x98: {  	_ =	strace s18  }
0x99: {  	s4 =	sld [smem:$0x3FFC];
	_ =	sdelay $0x3  }
0x9a: {  	_ =	strace s4  }
0x9b: {  	s4 =	sld [smem:$0x3FFD];
	_ =	sdelay $0x3  }
0x9c: {  	_ =	strace s4  }
0x9d: {  	_ =	strace $0x8FFFFFFF  }
0x9e: {  	s19 =	sld [smem:$0x3FDB];
	_ =	sdelay $0x1  }
0x9f: {  	s5 =	simm.s32 $_scs_section_size  }
0xa0: {  	s6 =	simm.s32 $_size__tile_overlayer_lowered;
	s7 =	simm.s32 $_tile_overlayer_lowered  }
0xa1: {  	s22 =	simm.s32 $0x1BFF;
	s21 =	sshll.u32 s7, $0x1;
	s4 =	sadd.s32 s5, s19  }
0xa2: {  	s8 =	simm.s32 $0x0;
	s20 =	sshll.u32 s6, $0x1;
	s6 =	sadd.s32 s21, s4  }
0xa3: {  	[timem:s8], [sflag:s22] =	dma.local [hbm:s6], s20  }
0xa4: {  	_ =	swait.ge [sflag:s22], s20  }
0xa5: {  	s5 =	ssub.s32 $0x0, s20;
	[sflag:s22] =	ssyncset.done $0x0  }
0xa6: {  	[sflag:s22] =	ssyncadd.s32 s5;
	_ =	sdelay $0x1  }
0xa7: {  	s23 =	simm.s32 $0x1B8B  }
0xa8: {  	_ =	swait.ge [sflag:s23], $0x1  }
0xa9: {  	[sflag:s23] =	ssyncset.done $0x0  }
0xaa: {  	s25 =	simm.s32 $0x1B8E;
	s24 =	sld [smem:$0x3FFE];
	[sflag:s23] =	ssyncadd.s32 $0xFFFFFFFF  }
0xab: {  	s26 =	simm.s32 $execute0_lowered;
	[smem:$0x3FD2] =	sst s25  }
0xac: {  	s6 =	sshll.u32 s26, $0x1;
	_ =	strace $0x80000046;
	[dreg:$0x1] =	wrdreg $0xFFFFFFFF  }
0xad: {  	s28 =	simm.s32 $_size_execute0_lowered;
	s4 =	sadd.s32 s4, s6;
	[dreg:$0x0] =	wrdreg $0x0  }
0xae: {  	s6 =	sshll.u32 s28, $0x1;
	[dreg:$0x2] =	wrdreg s4  }
0xaf: {  	[dreg:$0x3] =	wrdreg s6  }
0xb0: {  	[dreg:$0x4] =	wrdreg $0xC0  }
0xb1: {  	_ =	task [dreg:s8], $0x5FFFF  }
0xb2: {  	[dreg:$0x1] =	wrdreg $0xFFFFFFFF  }
0xb3: {  	[dreg:$0x0] =	wrdreg $0x60  }
0xb4: {  	[dreg:$0x2] =	wrdreg s24  }
0xb5: {  	[dreg:$0x3] =	wrdreg s16  }
0xb6: {  	[dreg:$0x4] =	wrdreg s17  }
0xb7: {  	[dreg:$0x5] =	wrdreg $0xA2000  }
0xb8: {  	[dreg:$0x6] =	wrdreg $0x9  }
0xb9: {  	_ =	task.clear_ibuf [dreg:s8], $0x7FFFF;
	_ =	strace $0x90000046  }
0xba: {  	s29 =	simm.s32 $0x9;
	_ =	strace $0x80000048  }
0xbb: {  	_ =	swait.ge [sflag:s29], $0x1  }
0xbc: {  	[sflag:s29] =	ssyncadd.s32 $0xFFFFFFFF  }
0xbd: {  	_ =	strace $0x90000048  }
0xbe: {  	_ =	sfence  }
0xbf: {  	s30 =	sld [smem:$0x0];
	_ =	sdelay $0x2  }
0xc0: {  	s31 =	sshll.u32 s1, $0xD;
	s1 =	sshrl.u32 s1, $0x2  }
0xc1: {  	s3 =	sand.u32 $0x4000, s31;
	s1 =	sadd.s32 s1, s30  }
0xc2: {  	s0 =	sor.u32 s3, s0;
	s1 =	sshll.u32 s1, $0x11  }
0xc3: {  	s0 =	sor.u32 s1, s0  }
0xc4: {  	s0 =	sadd.s32 $0x8F2B, s0  }
0xc5: {  	[sflag:s0] =	ssyncadd.remote.s32 $0x1  }
0xc6: {  	_ =	sfence.sel $0xFFFF  }
0xc7: {  	[dreg:$0x0] =	wrdreg $0xFFFFFFFF;
	(pc) =	sbr.abs _section_cstart, $3  }
0xc8: {  	[dreg:$0x1] =	wrdreg $0xFFFFFFFF  }
0xc9: {  	_ =	task.clear_ibuf [dreg:s8], $0x2FFFF;
	_ =	strace $0x9FFFFFFF  }
0xca: {  	(tm) =	ssettm $0x7FFFFFFF  }
0xcb: {  	_ =	shalt  }
tec
execute0_lowered:
.L_overlay_start_1:
0x0: {  	(tag) =	ssettag $0x1  }
0x1: {  	s0 =	rddreg [dreg:$0x0]  }
0x2: {  	s19 =	rddreg [dreg:$0x2]  }
0x3: {  	s3 =	rddreg [dreg:$0x3];
	s4 =	simm.s32 $0x0  }
0x4: {  	s20 =	stileid.u32;
	s2 =	srdreg.scid;
	s28 =	simm.s32 $0x28  }
0x5: {  	s29 =	simm.s32 $0x1;
	[smem:$0x7FF] =	sst s4;
	s6 =	sadd.s32 $0x7E00, s0  }
0x6: {  	s7 =	sadd.s32 $0x2E00, s0;
	s8 =	sadd.s32 $0x82200, s0;
	s9 =	sadd.s32 $0xA9400, s0  }
0x7: {  	s10 =	sadd.s32 $0xD0600, s0;
	s11 =	sadd.s32 $0xF7800, s0;
	s1 =	smul.u32 $0x2700, s20  }
0x8: {  	s31 =	simm.s32 $0x2;
	s13 =	sadd.s32 $0x11EA00, s0;
	s14 =	sadd.s32 $0x3B6C00, s0  }
0x9: {  	s12 =	sadd.s32 $0xCE00, s0;
	s15 =	sadd.s32 $0x627C00, s0;
	s17 =	smul.u32 $0x4E000, s20  }
0xa: {  	s2 =	sand.u32 $0x1, s2;
	s21 =	sadd.s32 $0x898C00, s0;
	s22 =	sadd.s32 $0x8BFE00, s0  }
0xb: {  	s26 =	smul.u32 $0x27100, s20;
	p1 =	sne.s32 s20, $0xF;
	p2 =	seq.s32 s20, $0xF  }
0xc: {  	_ =	strace $0x80000047;
	s16 =	ssub.s32 $0x2, s2;
	[dreg:$0x5] =	wrdreg s21  }
0xd: {  	[dreg:$0x6] =	wrdreg s22;
	s5 =	sadd.s32 s1, s0;
	s0 =	sadd.s32 $0x3B6A00, s0  }
0xe: {  	p0 =	seq.s32 s2, $0x1;
	s19 =	sadd.s32 s19, s26;
	[dreg:$0x9] =	wrdreg s0  }
0xf: {  	s18 =	sshrl.u32 s16, $0x1;
	s23 =	sadd.s32 s13, s26;
	[dreg:$0xc] =	wrdreg s19  }
0x10: {  	s17 =	sshrl.u32 s17, $0x2;
	s24 =	sadd.s32 s21, s1;
	[dreg:$0xd] =	wrdreg s23  }
0x11: {  	s1 =	sadd.s32 s22, s1;
	s21 =	simm.s32 $0x0;
	[dreg:$0xe] =	wrdreg s24  }
0x12: {  	s16 =	ssub.s32 s16, s18;
	s25 =	sadd.s32 s17, s3;
	[dreg:$0xf] =	wrdreg s1  }
0x13: {  	s18 =	smul.u32 $0x2710, s20;
	s5 =	sadd.s32 $0x38FA00, s5;
	[dreg:$0x7] =	wrdreg s25  }
0x14: {  	s24 =	simm.s32 $0x3;
	s19 =	simm.s32 $0x180;
	[dreg:$0x8] =	wrdreg s5  }
0x15: {  	s25 =	sshll.u32 s20, $0x6;
	s26 =	smax.u32 s16, $0x1;
	s30 =	sshrl.u32 s18, $0x3  }
.Ltmp0:
0x16: {  	[dreg:$0x10] =	wrdreg s26;
	s16 =	sor.u32 $0x1C03, s25;
	(pc) =	sbr.rel .LBB2_1-.Ltmp0, $4  }
0x17: {  	s23 =	simm.s32 $0x8E00;
	s17 =	sadd.s32 s6, s30;
	[dreg:$0x11] =	wrdreg s16  }
0x18: {  	s20 =	simm.s32 $0x6600;
	s0 =	sadd.s32 s7, s30;
	[dreg:$0xa] =	wrdreg s17  }
0x19: {  	s5 =	sadd.s32 $0x50, s18;
	s30 =	sadd.s32 $0x138000, s3;
	[dreg:$0xb] =	wrdreg s0  }
0x1a: {  	[dreg:$0x12] =	wrdreg s30;
	s0 =	sadd.s32 $0x28, s18;
	s17 =	simm.s32 $0x80  }
.LBB2_16:
0x1b: {  	s2 =	rddreg [dreg:$0x12]  }
0x1c: {  	s1 =	sadd.s32 $0x27000, s1;
	s2 =	sshrl.u32 s2, $0x3  }
0x1d: {  	[hbm:s1], [sflag:s16] =	dma.local [spmem:s2], $0x100  }
0x1e: {  	_ =	swait.ge [sflag:s24], $0x100  }
0x1f: {  	[sflag:s24] =	ssyncset.done $0x0  }
0x20: {  	[sflag:s24] =	ssyncadd.s32 $0xFFFFFF00  }
.LBB2_17:
0x21: {  	s21 =	sadd.s32 $0x1, s21;
	s1 =	rddreg [dreg:$0x10]  }
0x22: {  	p3 =	sne.s32 s21, s1  }
.Ltmp1:
0x23: {  	_ = 	snop;
	(pc) =	sbr.rel @!p3 .LBB2_18-.Ltmp1, $1  }
0x24: {  	_ =	sdelay $0x3  }
.LBB2_1:
0x25: {  	[dreg:$0x13] =	wrdreg s21  }
0x26: {  	s1 =	rddreg [dreg:$0x7]  }
0x27: {  	s30 =	rddreg [dreg:$0x8];
	s2 =	sshrl.u32 s1, $0x3  }
.Ltmp2:
0x28: {  	[dreg:$0x14] =	wrdreg s2;
	(pc) =	sbr.rel @!p0 .LBB2_2-.Ltmp2, $4  }
0x29: {  	[spmem:s2], [sflag:s16] =	dma.local [hbm:s30], $0x2700  }
0x2a: {  	_ =	swait.ge [sflag:s24], $0x2700  }
0x2b: {  	[sflag:s24] =	ssyncset.done $0x0;
	s1 =	rddreg [dreg:$0x12]  }
0x2c: {  	[sflag:s24] =	ssyncadd.s32 $0xFFFFD900;
	s1 =	sshrl.u32 @!p1 s1, $0x3  }
0x2d: {  	s2 =	rddreg [dreg:$0x9]  }
0x2e: {  	[spmem:s1], [sflag:s16] =	dma.local @!p1 [hbm:s2], $0x100  }
0x2f: {  	s1 =	simm.s32 @!p1 $0x3  }
0x30: {  	_ =	swait.ge @!p1 [sflag:s1], $0x100  }
0x31: {  	[sflag:s1] =	ssyncset.done @!p1 $0x0  }
0x32: {  	[sflag:s1] =	ssyncadd.s32 @!p1 $0xFFFFFF00  }
0x33: {  	[bflag:$0x0] =	sbarrier.arrive $0xFFFF  }
0x34: {  	s30 =	simm.s32 $0x0;
	s22 =	rddreg [dreg:$0xa]  }
0x35: {  	[tilespmem:s30], [sflag:$0x3] =	stream.linear.gather [hbm4b:s22+s30], $0x28, $0x38;
	[tilespmem:$0x1DA80] =	vst v63  }
0x36: {  	_ =	swait.ge [sflag:s24], $0x28  }
0x37: {  	[sflag:s24] =	ssyncset.done $0x0  }
0x38: {  	s26 =	simm.s32 $0x100;
	s25 =	rddreg [dreg:$0xb];
	[sflag:s24] =	ssyncadd.s32 $0xFFFFFFD8  }
0x39: {  	[tilespmem:s26], [sflag:$0x3] =	stream.linear.gather [hbm4b:s25+s30], $0x28, $0x38;
	[tilespmem:$0x1DA80] =	vst v63  }
0x3a: {  	_ =	swait.ge [sflag:s24], $0x28  }
0x3b: {  	[sflag:s24] =	ssyncset.done $0x0  }
0x3c: {  	s21 =	simm.s32 $0x5200;
	s16 =	rddreg [dreg:$0xd];
	[sflag:s24] =	ssyncadd.s32 $0xFFFFFFD8  }
0x3d: {  	[tilespmem:s21], [sflag:$0x1] =	stream.linear.gather [hbm4b:s16+s30], $0x1400, $0x38;
	[tilespmem:$0x1DA80] =	vst v63  }
0x3e: {  	s22 =	simm.s32 $0x200  }
0x3f: {  	[tilespmem:s22], [sflag:$0x1] =	stream.indirect.gather [hbm4b:s11+s28], $0x80, s30, s28, $0xb8;
	[tilespmem:$0x1DA80] =	vst v63  }
0x40: {  	s25 =	simm.s32 $0x2A00  }
0x41: {  	[tilespmem:s25], [sflag:$0x1] =	stream.indirect.gather [hbm4b:s12+s28], $0x80, s26, s28, $0xb8;
	[tilespmem:$0x1DA80] =	vst v63  }
0x42: {  	s2 =	simm.s32 $0x0;
	s26 =	simm.s32 $0x7A00  }
0x43: {  	[tilespmem:s26], [sflag:$0x1] =	stream.indirect.gather [hbm4b:s9+s28], $0x80, s30, s28, $0xb8;
	[tilespmem:$0x1DA80] =	vst v63  }
.LBB2_10:
0x44: {  	s21 =	smul.u32 $0x50, s2;
	_ =	sdelay $0x1  }
0x45: {  	s1 =	sadd.s32 s21, s0  }
0x46: {  	s16 =	sshrl.u32 s1, $0x3  }
0x47: {  	s22 =	sadd.s32 s6, s16  }
0x48: {  	[tilespmem:s17], [sflag:$0x3] =	stream.linear.gather [hbm4b:s22+s30], $0x28, $0x38;
	[tilespmem:$0x1DA80] =	vst v63  }
0x49: {  	_ =	swait.ge [sflag:s24], $0x28  }
0x4a: {  	[sflag:s24] =	ssyncset.done $0x0  }
0x4b: {  	s16 =	sadd.s32 s7, s16;
	[sflag:s24] =	ssyncadd.s32 $0xFFFFFFD8  }
0x4c: {  	[tilespmem:s19], [sflag:$0x3] =	stream.linear.gather [hbm4b:s16+s30], $0x28, $0x38;
	[tilespmem:$0x1DA80] =	vst v63  }
0x4d: {  	_ =	swait.ge [sflag:s24], $0x28  }
0x4e: {  	s1 =	sshll.u32 s1, $0x4;
	[sflag:s24] =	ssyncset.done $0x0  }
0x4f: {  	s22 =	sadd.s32 s13, s1;
	[sflag:s24] =	ssyncadd.s32 $0xFFFFFFD8  }
0x50: {  	[tilespmem:s20], [sflag:$0x2] =	stream.linear.gather [hbm4b:s22+s30], $0x1400, $0x38;
	[tilespmem:$0x1DA80] =	vst v63  }
0x51: {  	s25 =	simm.s32 $0x1600  }
0x52: {  	[tilespmem:s25], [sflag:$0x2] =	stream.indirect.gather [hbm4b:s11+s28], $0x80, s17, s28, $0xb8;
	[tilespmem:$0x1DA80] =	vst v63  }
0x53: {  	s26 =	simm.s32 $0x3E00  }
0x54: {  	[tilespmem:s26], [sflag:$0x2] =	stream.indirect.gather [hbm4b:s12+s28], $0x80, s19, s28, $0xb8;
	[tilespmem:$0x1DA80] =	vst v63  }
0x55: {  	_ = 	snop  }
0x56: {  	[tilespmem:s23], [sflag:$0x2] =	stream.indirect.gather [hbm4b:s9+s28], $0x80, s17, s28, $0xb8;
	[tilespmem:$0x1DA80] =	vst v63  }
0x57: {  	_ =	swait.ge [sflag:s29], $0x1400  }
0x58: {  	[sflag:s29] =	ssyncset.done $0x0  }
0x59: {  	[sflag:s29] =	ssyncadd.s32 $0xFFFFEC00  }
0x5a: {  	_ =	swait.ge [sflag:s29], $0x1400  }
0x5b: {  	[sflag:s29] =	ssyncset.done $0x0  }
0x5c: {  	[sflag:s29] =	ssyncadd.s32 $0xFFFFEC00  }
0x5d: {  	_ =	swait.ge [sflag:s29], $0x1400  }
0x5e: {  	[sflag:s29] =	ssyncset.done $0x0  }
0x5f: {  	[sflag:s29] =	ssyncadd.s32 $0xFFFFEC00  }
0x60: {  	_ =	swait.ge [sflag:s29], $0x1400  }
0x61: {  	[sflag:s29] =	ssyncset.done $0x0  }
0x62: {  	s22 =	simm.s32 $0x0;
	[sflag:s29] =	ssyncadd.s32 $0xFFFFEC00  }
0x63: {  	v0 =	vld [tilespmem:s22+$0x5260]  }
0x64: {  	v1 =	vld [tilespmem:s22+$0x2A40]  }
0x65: {  	v3 =	vld [tilespmem:s22+$0x2A30]  }
0x66: {  	v4 =	vld [tilespmem:s22+$0x230]  }
0x67: {  	v5 =	vld [tilespmem:s22+$0x2A20]  }
0x68: {  	v6 =	vld [tilespmem:s22+$0x220]  }
0x69: {  	v7 =	vld [tilespmem:s22+$0x2A10]  }
0x6a: {  	v8 =	vld [tilespmem:s22+$0x210]  }
0x6b: {  	v9 =	vld [tilespmem:s22+$0x2A00]  }
0x6c: {  	v12 =	vld [tilespmem:s22+$0x260]  }
0x6d: {  	v13 =	vld [tilespmem:s22+$0x2A60]  }
0x6e: {  	v14 =	vld [tilespmem:s22+$0x270]  }
0x6f: {  	v15 =	vld [tilespmem:s22+$0x2A70]  }
0x70: {  	v10 =	vld [tilespmem:s22+$0x200]  }
0x71: {  	v11 =	vld [tilespmem:s22+$0x5270]  }
0x72: {  	v16 =	vld [tilespmem:s22+$0x5200]  }
0x73: {  	v17 =	vld [tilespmem:s22+$0x5210]  }
0x74: {  	v19 =	vld [tilespmem:s22+$0x5230];
	v14 =	vadd.f32 v15, v14;
	v12 =	vadd.f32 v13, v12  }
0x75: {  	v18 =	vld [tilespmem:s22+$0x5220];
	v9 =	vadd.f32 v9, v10;
	v7 =	vadd.f32 v7, v8  }
0x76: {  	v13 =	vld [tilespmem:s22+$0x250];
	v5 =	vadd.f32 v5, v6;
	v3 =	vadd.f32 v3, v4  }
0x77: {  	v15 =	vld [tilespmem:s22+$0x2A50];
	v11 =	vadd.f32 v11, v14;
	v8 =	vadd.f32 v16, v9  }
0x78: {  	v2 =	vld [tilespmem:s22+$0x240];
	v0 =	vadd.f32 v0, v12;
	v6 =	vadd.f32 v17, v7  }
0x79: {  	v12 =	vld [tilespmem:s22+$0x5250];
	v3 =	vadd.f32 v19, v3;
	[tilespmem:s22+$0x5270] =	vst v11;
	v7 =	vsub.f32 $0.0e+00, v8  }
0x7a: {  	[tilespmem:s22+$0x5210] =	vst v6;
	v6 =	vsub.f32 $0.0e+00, v6  }
0x7b: {  	v5 =	vadd.f32 v18, v5;
	[tilespmem:s22+$0x5260] =	vst v0;
	v16 =	vsub.f32 $0.0e+00, v3;
	v7 =	vmul.f32 $1.442695020e+00, v7  }
0x7c: {  	v20 =	vld [tilespmem:s22+$0x5240];
	[tilespmem:s22+$0x5200] =	vst v8;
	v13 =	vadd.f32 v15, v13;
	v6 =	vmul.f32 $1.442695020e+00, v6  }
0x7d: {  	s26 =	simm.s32 $0x80;
	v10 =	vld [tilespmem:s22+$0x7A30];
	[tilespmem:s22+$0x5220] =	vst v5;
	v11 =	vsub.f32 $0.0e+00, v11;
	(erf) = vpow2.f32 v7;
	v7 =	vmul.f32 $1.442695020e+00, v16  }
0x7e: {  	v1 =	vadd.f32 v1, v2;
	v17 =	vld [tilespmem:s26+$0x5260];
	v12 =	vadd.f32 v12, v13;
	(erf) = vpow2.f32 v6  }
0x7f: {  	v5 =	vsub.f32 $0.0e+00, v5;
	v2 =	vmul.f32 $1.442695020e+00, v11;
	v13 =	vld [tilespmem:s26+$0x2A40];
	(erf) = vpow2.f32 v7  }
0x80: {  	v0 =	vsub.f32 $0.0e+00, v0;
	v6 =	vld [tilespmem:s26+$0x240];
	[tilespmem:s22+$0x5250] =	vst v12  }
0x81: {  	v11 =	vld [tilespmem:s26+$0x2A30];
	[tilespmem:s22+$0x5230] =	vst v3;
	v3 =	vmul.f32 $1.442695020e+00, v5;
	v5 =	vsub.f32 $0.0e+00, v12;
	(erf) = vpow2.f32 v2  }
0x82: {  	v9 =	vld [tilespmem:s22+$0x7A00];
	v0 =	vmul.f32 $1.442695020e+00, v0  }
0x83: {  	v14 =	vld [tilespmem:s22+$0x7A70];
	v1 =	vadd.f32 v20, v1;
	(erf) = vpow2.f32 v3;
	v3 =	vmul.f32 $1.442695020e+00, v5  }
0x84: {  	v8 =	vld [tilespmem:s22+$0x7A10]  }
0x85: {  	v2 =	vld [tilespmem:s26+$0x230];
	[tilespmem:s22+$0x5240] =	vst v1;
	v1 =	vsub.f32 $0.0e+00, v1  }
0x86: {  	v7 =	vld [tilespmem:s26+$0x2A20];
	(erf) = vpow2.f32 v0;
	v0 =	vpop (erf)  }
0x87: {  	v5 =	vld [tilespmem:s26+$0x220];
	v1 =	vmul.f32 $1.442695020e+00, v1;
	(erf) = vpow2.f32 v3;
	v3 =	vpop (erf)  }
0x88: {  	v12 =	vld [tilespmem:s26+$0x2A10];
	v0 =	vadd.f32 $1.000000000e+00, v0;
	v50 =	vpop (erf)  }
0x89: {  	v16 =	vld [tilespmem:s26+$0x210];
	(erf) = vpow2.f32 v1;
	v18 =	vadd.f32 $1.000000000e+00, v50  }
0x8a: {  	v52 =	vld [tilespmem:s26+$0x5270];
	(erf) = vrcp.f32 v0;
	v51 =	vpop (erf)  }
0x8b: {  	v53 =	vld [tilespmem:s26+$0x260];
	v19 =	vadd.f32 $1.000000000e+00, v51;
	(erf) = vrcp.f32 v18  }
0x8c: {  	v21 =	vld [tilespmem:s26+$0x2A60]  }
0x8d: {  	v54 =	vld [tilespmem:s26+$0x270];
	(erf) = vrcp.f32 v19  }
0x8e: {  	v23 =	vld [tilespmem:s26+$0x2A70];
	v22 =	vpop (erf)  }
0x8f: {  	v25 =	vld [tilespmem:s26+$0x5200];
	v22 =	vadd.f32 $1.000000000e+00, v22  }
0x90: {  	v27 =	vld [tilespmem:s26+$0x5210];
	v3 =	vadd.f32 $1.000000000e+00, v3;
	v24 =	vpop (erf)  }
0x91: {  	v29 =	vld [tilespmem:s26+$0x5220];
	v26 =	vpop (erf);
	(erf) = vrcp.f32 v22  }
0x92: {  	v30 =	vld [tilespmem:s26+$0x5230];
	v24 =	vadd.f32 $1.000000000e+00, v24;
	v28 =	vpop (erf);
	(erf) = vrcp.f32 v3  }
0x93: {  	v31 =	vld [tilespmem:s26+$0x250];
	v55 =	vpop (erf)  }
0x94: {  	v1 =	vld [tilespmem:s26+$0x2A00];
	(erf) = vrcp.f32 v24;
	v3 =	vmul.f32 v55, v9;
	v56 =	vpop (erf)  }
0x95: {  	v0 =	vld [tilespmem:s26+$0x200];
	v10 =	vmul.f32 v56, v10  }
0x96: {  	v9 =	vld [tilespmem:s26+$0x5240];
	[tilespmem:s22+$0x7A00] =	vst v3;
	v3 =	vadd.f32 v23, v54;
	v57 =	vpop (erf)  }
0x97: {  	v6 =	vadd.f32 v13, v6;
	v58 =	vld [tilespmem:s26+$0x2A50];
	v14 =	vmul.f32 v57, v14;
	[tilespmem:s22+$0x7A30] =	vst v10;
	v10 =	vadd.f32 v21, v53  }
0x98: {  	v15 =	vld [tilespmem:s22+$0x7A60];
	v59 =	vadd.f32 v52, v3;
	v3 =	vadd.f32 $1.000000000e+00, v26  }
0x99: {  	v60 =	vld [tilespmem:s26+$0x5250];
	[tilespmem:s22+$0x7A70] =	vst v14;
	v14 =	vadd.f32 v17, v10;
	v10 =	vadd.f32 $1.000000000e+00, v28  }
0x9a: {  	v2 =	vadd.f32 v11, v2;
	v0 =	vadd.f32 v1, v0;
	v17 =	vpop (erf);
	(erf) = vrcp.f32 v3  }
0x9b: {  	v4 =	vld [tilespmem:s22+$0x7A20];
	v5 =	vadd.f32 v7, v5;
	v3 =	vadd.f32 v12, v16;
	v1 =	vpop (erf);
	(erf) = vrcp.f32 v10  }
0x9c: {  	v6 =	vadd.f32 v9, v6;
	[tilespmem:s26+$0x5270] =	vst v59;
	v1 =	vmul.f32 v1, v8;
	v10 =	vadd.f32 v25, v0  }
0x9d: {  	v9 =	vsub.f32 $0.0e+00, v59;
	v61 =	vld [tilespmem:s22+$0x7A40];
	[tilespmem:s26+$0x5260] =	vst v14;
	v8 =	vpop (erf);
	v11 =	vadd.f32 v27, v3  }
0x9e: {  	v0 =	vld [tilespmem:s26+$0x7A30];
	v12 =	vmul.f32 v8, v15;
	v8 =	vadd.f32 v29, v5;
	[tilespmem:s22+$0x7A10] =	vst v1;
	v1 =	vsub.f32 $0.0e+00, v10  }
0x9f: {  	v5 =	vadd.f32 v30, v2;
	v13 =	vsub.f32 $0.0e+00, v11  }
0xa0: {  	v4 =	vmul.f32 v17, v4;
	v7 =	vld [tilespmem:s22+$0x7A50];
	v2 =	vmul.f32 $1.442695020e+00, v1  }
0xa1: {  	v3 =	vld [tilespmem:s26+$0x7A00];
	[tilespmem:s22+$0x7A60] =	vst v12;
	v12 =	vsub.f32 $0.0e+00, v8;
	v15 =	vsub.f32 $0.0e+00, v5;
	v16 =	vmul.f32 $1.442695020e+00, v13  }
0xa2: {  	v1 =	vld [tilespmem:s26+$0x7A70];
	[tilespmem:s22+$0x7A20] =	vst v4;
	v4 =	vsub.f32 $0.0e+00, v6;
	v13 =	vmul.f32 $1.442695020e+00, v9;
	(erf) = vpow2.f32 v2  }
0xa3: {  	v62 =	vadd.f32 v58, v31;
	v12 =	vmul.f32 $1.442695020e+00, v12;
	v17 =	vmul.f32 $1.442695020e+00, v15;
	v9 =	vpop (erf)  }
0xa4: {  	[tilespmem:s26+$0x5200] =	vst v10;
	v15 =	vsub.f32 $0.0e+00, v14;
	v2 =	vld [tilespmem:s26+$0x7A20];
	v10 =	vmul.f32 $1.442695020e+00, v4;
	v63 =	vpop (erf);
	(erf) = vpow2.f32 v16  }
0xa5: {  	s16 =	simm.s32 $0x400;
	[tilespmem:s26+$0x5210] =	vst v11;
	v11 =	vadd.f32 v60, v62;
	v4 =	vld [tilespmem:s26+$0x7A10];
	(erf) = vpow2.f32 v17;
	v14 =	vmul.f32 v63, v61  }
.LBB2_11:
0xa6: {  	s25 =	sshra.s32 s16, $0x2;
	p3 =	sne.s32 s16, $0x4E00;
	s16 =	sadd.s32 $0x200, s16;
	[tilespmem:s26+$0x5220] =	vst v8;
	v16 =	vld [tilespmem:s26+$0x7A60];
	(erf) = vpow2.f32 v13;
	v7 =	vmul.f32 v9, v7  }
0xa7: {  	v13 =	vmul.f32 $1.442695020e+00, v15;
	v8 =	vld [tilespmem:s25+$0x5260];
	v9 =	vsub.f32 $0.0e+00, v11;
	(erf) = vpow2.f32 v12;
	[tilespmem:s22+$0x7A40] =	vst v14  }
0xa8: {  	v12 =	vld [tilespmem:s25+$0x2A40];
	[tilespmem:s22+$0x7A50] =	vst v7;
	s22 =	smov.u32 s26;
	s26 =	smov.u32 s25  }
0xa9: {  	v7 =	vld [tilespmem:s26+$0x240];
	[tilespmem:s22+$0x5250] =	vst v11;
	v9 =	vmul.f32 $1.442695020e+00, v9;
	(erf) = vpow2.f32 v13  }
0xaa: {  	v11 =	vld [tilespmem:s26+$0x2A30];
	[tilespmem:s22+$0x5230] =	vst v5  }
0xab: {  	v5 =	vld [tilespmem:s26+$0x230];
	[tilespmem:s22+$0x5240] =	vst v6;
	v6 =	vpop (erf);
	(erf) = vpow2.f32 v9  }
0xac: {  	v9 =	vld [tilespmem:s26+$0x2A20];
	v6 =	vadd.f32 $1.000000000e+00, v6  }
0xad: {  	v13 =	vld [tilespmem:s26+$0x220];
	v14 =	vpop (erf)  }
0xae: {  	v15 =	vld [tilespmem:s26+$0x2A10];
	v14 =	vadd.f32 $1.000000000e+00, v14;
	v17 =	vpop (erf);
	(erf) = vpow2.f32 v10  }
0xaf: {  	v10 =	vld [tilespmem:s26+$0x210];
	v21 =	vadd.f32 $1.000000000e+00, v17;
	v18 =	vpop (erf)  }
0xb0: {  	v19 =	vld [tilespmem:s26+$0x2A00];
	v18 =	vadd.f32 $1.000000000e+00, v18;
	(erf) = vrcp.f32 v6;
	v6 =	vpop (erf)  }
0xb1: {  	v20 =	vld [tilespmem:s26+$0x200];
	v6 =	vadd.f32 $1.000000000e+00, v6;
	(erf) = vrcp.f32 v21  }
0xb2: {  	v9 =	vadd.f32 v9, v13;
	v13 =	vld [tilespmem:s26+$0x5270];
	v17 =	vpop (erf);
	(erf) = vrcp.f32 v18  }
0xb3: {  	v5 =	vadd.f32 v11, v5;
	v11 =	vld [tilespmem:s26+$0x260];
	v17 =	vadd.f32 $1.000000000e+00, v17;
	(erf) = vrcp.f32 v6  }
0xb4: {  	v6 =	vld [tilespmem:s26+$0x2A60];
	(erf) = vrcp.f32 v14;
	v14 =	vpop (erf)  }
0xb5: {  	v7 =	vadd.f32 v12, v7;
	v12 =	vld [tilespmem:s26+$0x270];
	v14 =	vadd.f32 $1.000000000e+00, v14;
	(erf) = vrcp.f32 v17  }
0xb6: {  	v17 =	vadd.f32 v19, v20;
	v18 =	vld [tilespmem:s26+$0x2A70]  }
0xb7: {  	v19 =	vld [tilespmem:s26+$0x5200];
	v20 =	vpop (erf);
	(erf) = vrcp.f32 v14  }
0xb8: {  	v14 =	vld [tilespmem:s26+$0x5210];
	v20 =	vadd.f32 $1.000000000e+00, v20  }
0xb9: {  	v21 =	vld [tilespmem:s26+$0x5220];
	v6 =	vadd.f32 v6, v11;
	v11 =	vpop (erf)  }
0xba: {  	v22 =	vld [tilespmem:s26+$0x5230];
	v23 =	vmul.f32 v11, v3;
	v11 =	vpop (erf);
	(erf) = vrcp.f32 v20  }
0xbb: {  	v10 =	vadd.f32 v15, v10;
	v15 =	vld [tilespmem:s26+$0x5240];
	v12 =	vadd.f32 v18, v12;
	v20 =	vmul.f32 v11, v0;
	v11 =	vpop (erf)  }
0xbc: {  	v17 =	vadd.f32 v19, v17;
	v18 =	vld [tilespmem:s26+$0x250];
	v19 =	vadd.f32 v8, v6;
	[tilespmem:s22+$0x7A00] =	vst v23;
	v1 =	vmul.f32 v11, v1;
	v3 =	vpop (erf)  }
0xbd: {  	v11 =	vadd.f32 v14, v10;
	v10 =	vld [tilespmem:s26+$0x2A50];
	v12 =	vadd.f32 v13, v12;
	v2 =	vmul.f32 v3, v2;
	[tilespmem:s22+$0x7A30] =	vst v20;
	v0 =	vpop (erf)  }
0xbe: {  	v3 =	vsub.f32 $0.0e+00, v17;
	v8 =	vadd.f32 v21, v9;
	v14 =	vld [tilespmem:s26+$0x5250];
	v4 =	vmul.f32 v0, v4;
	[tilespmem:s22+$0x7A70] =	vst v1;
	v0 =	vpop (erf)  }
0xbf: {  	v1 =	vsub.f32 $0.0e+00, v11;
	v5 =	vadd.f32 v22, v5;
	[tilespmem:s26+$0x5270] =	vst v12;
	v20 =	vld [tilespmem:s22+$0x7A40];
	v16 =	vmul.f32 v0, v16  }
0xc0: {  	v12 =	vsub.f32 $0.0e+00, v12;
	v23 =	vmul.f32 $1.442695020e+00, v3;
	v6 =	vadd.f32 v15, v7;
	[tilespmem:s26+$0x5260] =	vst v19;
	v7 =	vld [tilespmem:s22+$0x7A50];
	v9 =	vpop (erf)  }
.Ltmp3:
0xc1: {  	v22 =	vmul.f32 $1.442695020e+00, v1;
	v1 =	vsub.f32 $0.0e+00, v8;
	v15 =	vsub.f32 $0.0e+00, v5;
	v0 =	vld [tilespmem:s26+$0x7A30];
	[tilespmem:s22+$0x7A10] =	vst v4;
	(pc) =	sbr.rel @p3 .LBB2_11-.Ltmp3, $4  }
0xc2: {  	v13 =	vmul.f32 $1.442695020e+00, v12;
	v3 =	vld [tilespmem:s26+$0x7A00];
	v4 =	vsub.f32 $0.0e+00, v6;
	(erf) = vpow2.f32 v23;
	[tilespmem:s22+$0x7A60] =	vst v16  }
0xc3: {  	v18 =	vadd.f32 v10, v18;
	v12 =	vmul.f32 $1.442695020e+00, v1;
	v16 =	vmul.f32 $1.442695020e+00, v15;
	v1 =	vld [tilespmem:s26+$0x7A70];
	[tilespmem:s22+$0x7A20] =	vst v2;
	v21 =	vpop (erf)  }
0xc4: {  	v15 =	vsub.f32 $0.0e+00, v19;
	[tilespmem:s26+$0x5200] =	vst v17;
	v2 =	vld [tilespmem:s26+$0x7A20];
	v10 =	vmul.f32 $1.442695020e+00, v4;
	(erf) = vpow2.f32 v22  }
0xc5: {  	[tilespmem:s26+$0x5210] =	vst v11;
	v4 =	vld [tilespmem:s26+$0x7A10];
	v11 =	vadd.f32 v14, v18;
	(erf) = vpow2.f32 v16;
	v14 =	vmul.f32 v21, v20  }
0xc6: {  	_ = 	snop  }
0xc7: {  	(erf) = vpow2.f32 v13;
	v13 =	vsub.f32 $0.0e+00, v11;
	_ =	sdelay $0x1  }
0xc8: {  	(erf) = vpow2.f32 v12;
	v12 =	vmul.f32 $1.442695020e+00, v13  }
0xc9: {  	v15 =	vmul.f32 $1.442695020e+00, v15;
	_ =	sdelay $0x1  }
0xca: {  	(erf) = vpow2.f32 v15;
	v13 =	vpop (erf)  }
0xcb: {  	(erf) = vpow2.f32 v12;
	v12 =	vpop (erf)  }
0xcc: {  	v15 =	vpop (erf)  }
0xcd: {  	(erf) = vpow2.f32 v10;
	v10 =	vadd.f32 $1.000000000e+00, v15  }
0xce: {  	v13 =	vadd.f32 $1.000000000e+00, v13;
	_ =	sdelay $0x1  }
0xcf: {  	(erf) = vrcp.f32 v13;
	v15 =	vpop (erf)  }
0xd0: {  	(erf) = vrcp.f32 v10;
	v10 =	vpop (erf)  }
0xd1: {  	v10 =	vadd.f32 $1.000000000e+00, v10  }
0xd2: {  	v15 =	vadd.f32 $1.000000000e+00, v15;
	_ =	sdelay $0x1  }
0xd3: {  	[tilespmem:s26+$0x5220] =	vst v8;
	v8 =	vadd.f32 $1.000000000e+00, v12;
	(erf) = vrcp.f32 v15;
	v12 =	vpop (erf)  }
0xd4: {  	(erf) = vrcp.f32 v10;
	v10 =	vpop (erf)  }
0xd5: {  	(erf) = vrcp.f32 v8;
	v8 =	vadd.f32 $1.000000000e+00, v10  }
0xd6: {  	v7 =	vmul.f32 v9, v7;
	v9 =	vadd.f32 $1.000000000e+00, v12  }
0xd7: {  	v10 =	vpop (erf)  }
0xd8: {  	v13 =	vld [tilespmem:s26+$0x7A60];
	[tilespmem:s22+$0x7A50] =	vst v7;
	(erf) = vrcp.f32 v9;
	v7 =	vadd.f32 $1.000000000e+00, v10  }
0xd9: {  	[tilespmem:s22+$0x7A40] =	vst v14;
	(erf) = vrcp.f32 v8;
	v8 =	vpop (erf)  }
0xda: {  	[tilespmem:s26+$0x5230] =	vst v5;
	v5 =	vpop (erf);
	(erf) = vrcp.f32 v7  }
0xdb: {  	v0 =	vmul.f32 v5, v0  }
0xdc: {  	v3 =	vmul.f32 v8, v3;
	v5 =	vpop (erf)  }
0xdd: {  	[tilespmem:s26+$0x5250] =	vst v11;
	v1 =	vmul.f32 v5, v1  }
0xde: {  	v5 =	vld [tilespmem:s26+$0x7A50];
	[tilespmem:s26+$0x7A30] =	vst v0  }
0xdf: {  	[tilespmem:s26+$0x7A70] =	vst v1;
	v1 =	vld [tilespmem:s26+$0x7A40];
	v0 =	vpop (erf)  }
0xe0: {  	[tilespmem:s26+$0x7A00] =	vst v3;
	v3 =	vpop (erf);
	v0 =	vmul.f32 v0, v2  }
0xe1: {  	[tilespmem:s26+$0x5240] =	vst v6;
	v3 =	vmul.f32 v3, v4;
	v4 =	vpop (erf)  }
0xe2: {  	v4 =	vmul.f32 v4, v13;
	v6 =	vpop (erf);
	[tilespmem:s26+$0x7A20] =	vst v0  }
0xe3: {  	[tilespmem:s26+$0x7A10] =	vst v3;
	v2 =	vpop (erf);
	v0 =	vmul.f32 v6, v5  }
0xe4: {  	s16 =	sadd.s32 s18, s21;
	[tilespmem:s26+$0x7A60] =	vst v4;
	v1 =	vmul.f32 v2, v1  }
0xe5: {  	s16 =	sshll.u32 s16, $0x4;
	[tilespmem:s26+$0x7A50] =	vst v0  }
0xe6: {  	s16 =	sadd.s32 s15, s16;
	[tilespmem:s26+$0x7A40] =	vst v1;
	s26 =	simm.s32 $0x5200  }
0xe7: {  	[hbm4b:s16+s4] =	stream.linear.scatter [tilespmem:s26], [sflag:$0x3], $0x1400, $0x38;
	[tilespmem:$0x1DA80] =	vst v63  }
0xe8: {  	_ =	swait.ge [sflag:s24], $0x1400  }
0xe9: {  	s25 =	simm.s32 $0x100;
	[sflag:s24] =	ssyncset.done $0x0  }
0xea: {  	p3 =	seq.s32 s2, $0x7C;
	s26 =	simm.s32 $0x7A00;
	[sflag:s24] =	ssyncadd.s32 $0xFFFFEC00  }
0xeb: {  	[spmem:s3] =	stream.indirect.scatter.add.f32 [tilespmem:s26], [sflag:$0x3], $0x80, s25, s28, $0xb8;
	[tilespmem:$0x1DA80] =	vst v63  }
0xec: {  	s16 =	sadd.s32 @!p3 s21, s5;
	_ =	swait.ge [sflag:s24], $0x1400  }
0xed: {  	s21 =	sshrl.u32 @!p3 s16, $0x3;
	[sflag:s24] =	ssyncset.done $0x0  }
0xee: {  	s22 =	sadd.s32 @!p3 s6, s21;
	s25 =	simm.s32 @!p3 $0x0;
	[sflag:s24] =	ssyncadd.s32 $0xFFFFEC00  }
0xef: {  	[tilespmem:s25], [sflag:$0x3] =	stream.linear.gather @!p3 [hbm4b:s22+s25], $0x28, $0x38;
	[tilespmem:$0x1DA80] =	vst v63  }
0xf0: {  	s22 =	simm.s32 @!p3 $0x3  }
0xf1: {  	_ =	swait.ge @!p3 [sflag:s22], $0x28  }
0xf2: {  	[sflag:s22] =	ssyncset.done @!p3 $0x0  }
0xf3: {  	s21 =	sadd.s32 @!p3 s7, s21;
	s26 =	simm.s32 @!p3 $0x100;
	[sflag:s22] =	ssyncadd.s32 @!p3 $0xFFFFFFD8  }
0xf4: {  	[tilespmem:s26], [sflag:$0x3] =	stream.linear.gather @!p3 [hbm4b:s21+s25], $0x28, $0x38;
	[tilespmem:$0x1DA80] =	vst v63  }
0xf5: {  	_ =	swait.ge @!p3 [sflag:s22], $0x28  }
0xf6: {  	s16 =	sshll.u32 @!p3 s16, $0x4;
	[sflag:s22] =	ssyncset.done @!p3 $0x0  }
0xf7: {  	s16 =	sadd.s32 @!p3 s13, s16;
	s21 =	simm.s32 @!p3 $0x5200;
	[sflag:s22] =	ssyncadd.s32 @!p3 $0xFFFFFFD8  }
0xf8: {  	[tilespmem:s21], [sflag:$0x1] =	stream.linear.gather @!p3 [hbm4b:s16+s25], $0x1400, $0x38;
	[tilespmem:$0x1DA80] =	vst v63  }
0xf9: {  	s16 =	simm.s32 @!p3 $0x28;
	s21 =	simm.s32 @!p3 $0x200  }
0xfa: {  	[tilespmem:s21], [sflag:$0x1] =	stream.indirect.gather @!p3 [hbm4b:s11+s16], $0x80, s25, s16, $0xb8;
	[tilespmem:$0x1DA80] =	vst v63  }
0xfb: {  	s21 =	simm.s32 @!p3 $0x2A00  }
0xfc: {  	[tilespmem:s21], [sflag:$0x1] =	stream.indirect.gather @!p3 [hbm4b:s12+s16], $0x80, s26, s16, $0xb8;
	[tilespmem:$0x1DA80] =	vst v63  }
0xfd: {  	s21 =	simm.s32 @!p3 $0x7A00  }
0xfe: {  	[tilespmem:s21], [sflag:$0x1] =	stream.indirect.gather @!p3 [hbm4b:s9+s16], $0x80, s25, s16, $0xb8;
	[tilespmem:$0x1DA80] =	vst v63  }
0xff: {  	_ =	swait.ge [sflag:s31], $0x1400  }
0x100: {  	[sflag:s31] =	ssyncset.done $0x0  }
0x101: {  	[sflag:s31] =	ssyncadd.s32 $0xFFFFEC00  }
0x102: {  	_ =	swait.ge [sflag:s31], $0x1400  }
0x103: {  	[sflag:s31] =	ssyncset.done $0x0  }
0x104: {  	[sflag:s31] =	ssyncadd.s32 $0xFFFFEC00  }
0x105: {  	_ =	swait.ge [sflag:s31], $0x1400  }
0x106: {  	[sflag:s31] =	ssyncset.done $0x0  }
0x107: {  	[sflag:s31] =	ssyncadd.s32 $0xFFFFEC00  }
0x108: {  	_ =	swait.ge [sflag:s31], $0x1400  }
0x109: {  	[sflag:s31] =	ssyncset.done $0x0  }
0x10a: {  	s21 =	simm.s32 $0x0;
	[sflag:s31] =	ssyncadd.s32 $0xFFFFEC00  }
0x10b: {  	v0 =	vld [tilespmem:s21+$0x6660]  }
0x10c: {  	v1 =	vld [tilespmem:s21+$0x3E40]  }
0x10d: {  	v3 =	vld [tilespmem:s21+$0x3E30]  }
0x10e: {  	v4 =	vld [tilespmem:s21+$0x1630]  }
0x10f: {  	v5 =	vld [tilespmem:s21+$0x3E20]  }
0x110: {  	v6 =	vld [tilespmem:s21+$0x1620]  }
0x111: {  	v7 =	vld [tilespmem:s21+$0x3E10]  }
0x112: {  	v8 =	vld [tilespmem:s21+$0x1610]  }
0x113: {  	v9 =	vld [tilespmem:s21+$0x3E00]  }
0x114: {  	v12 =	vld [tilespmem:s21+$0x1660]  }
0x115: {  	v13 =	vld [tilespmem:s21+$0x3E60]  }
0x116: {  	v14 =	vld [tilespmem:s21+$0x1670]  }
0x117: {  	v15 =	vld [tilespmem:s21+$0x3E70]  }
0x118: {  	v10 =	vld [tilespmem:s21+$0x1600]  }
0x119: {  	v11 =	vld [tilespmem:s21+$0x6670]  }
0x11a: {  	v16 =	vld [tilespmem:s21+$0x6600]  }
0x11b: {  	v17 =	vld [tilespmem:s21+$0x6610]  }
0x11c: {  	v19 =	vld [tilespmem:s21+$0x6630];
	v14 =	vadd.f32 v15, v14;
	v12 =	vadd.f32 v13, v12  }
0x11d: {  	v18 =	vld [tilespmem:s21+$0x6620];
	v9 =	vadd.f32 v9, v10;
	v7 =	vadd.f32 v7, v8  }
0x11e: {  	v13 =	vld [tilespmem:s21+$0x1650];
	v5 =	vadd.f32 v5, v6;
	v3 =	vadd.f32 v3, v4  }
0x11f: {  	v15 =	vld [tilespmem:s21+$0x3E50];
	v11 =	vadd.f32 v11, v14;
	v8 =	vadd.f32 v16, v9  }
0x120: {  	v2 =	vld [tilespmem:s21+$0x1640];
	v0 =	vadd.f32 v0, v12;
	v6 =	vadd.f32 v17, v7  }
0x121: {  	v12 =	vld [tilespmem:s21+$0x6650];
	v3 =	vadd.f32 v19, v3;
	[tilespmem:s21+$0x6670] =	vst v11;
	v7 =	vsub.f32 $0.0e+00, v8  }
0x122: {  	[tilespmem:s21+$0x6610] =	vst v6;
	v6 =	vsub.f32 $0.0e+00, v6  }
0x123: {  	v5 =	vadd.f32 v18, v5;
	[tilespmem:s21+$0x6660] =	vst v0;
	v16 =	vsub.f32 $0.0e+00, v3;
	v7 =	vmul.f32 $1.442695020e+00, v7  }
0x124: {  	v20 =	vld [tilespmem:s21+$0x6640];
	[tilespmem:s21+$0x6600] =	vst v8;
	v13 =	vadd.f32 v15, v13;
	v6 =	vmul.f32 $1.442695020e+00, v6  }
0x125: {  	s22 =	simm.s32 $0x80;
	v10 =	vld [tilespmem:s21+$0x8E30];
	[tilespmem:s21+$0x6620] =	vst v5;
	v11 =	vsub.f32 $0.0e+00, v11;
	(erf) = vpow2.f32 v7;
	v7 =	vmul.f32 $1.442695020e+00, v16  }
0x126: {  	v1 =	vadd.f32 v1, v2;
	v17 =	vld [tilespmem:s22+$0x6660];
	v12 =	vadd.f32 v12, v13;
	(erf) = vpow2.f32 v6  }
0x127: {  	v5 =	vsub.f32 $0.0e+00, v5;
	v2 =	vmul.f32 $1.442695020e+00, v11;
	v13 =	vld [tilespmem:s22+$0x3E40];
	(erf) = vpow2.f32 v7  }
0x128: {  	v0 =	vsub.f32 $0.0e+00, v0;
	v6 =	vld [tilespmem:s22+$0x1640];
	[tilespmem:s21+$0x6650] =	vst v12  }
0x129: {  	v11 =	vld [tilespmem:s22+$0x3E30];
	[tilespmem:s21+$0x6630] =	vst v3;
	v3 =	vmul.f32 $1.442695020e+00, v5;
	v5 =	vsub.f32 $0.0e+00, v12;
	(erf) = vpow2.f32 v2  }
0x12a: {  	v9 =	vld [tilespmem:s21+$0x8E00];
	v0 =	vmul.f32 $1.442695020e+00, v0  }
0x12b: {  	v14 =	vld [tilespmem:s21+$0x8E70];
	v1 =	vadd.f32 v20, v1;
	(erf) = vpow2.f32 v3;
	v3 =	vmul.f32 $1.442695020e+00, v5  }
0x12c: {  	v8 =	vld [tilespmem:s21+$0x8E10]  }
0x12d: {  	v2 =	vld [tilespmem:s22+$0x1630];
	[tilespmem:s21+$0x6640] =	vst v1;
	v1 =	vsub.f32 $0.0e+00, v1  }
0x12e: {  	v7 =	vld [tilespmem:s22+$0x3E20];
	(erf) = vpow2.f32 v0;
	v0 =	vpop (erf)  }
0x12f: {  	v5 =	vld [tilespmem:s22+$0x1620];
	v1 =	vmul.f32 $1.442695020e+00, v1;
	(erf) = vpow2.f32 v3;
	v3 =	vpop (erf)  }
0x130: {  	v12 =	vld [tilespmem:s22+$0x3E10];
	v0 =	vadd.f32 $1.000000000e+00, v0;
	v50 =	vpop (erf)  }
0x131: {  	v16 =	vld [tilespmem:s22+$0x1610];
	(erf) = vpow2.f32 v1;
	v18 =	vadd.f32 $1.000000000e+00, v50  }
0x132: {  	v52 =	vld [tilespmem:s22+$0x6670];
	(erf) = vrcp.f32 v0;
	v51 =	vpop (erf)  }
0x133: {  	v53 =	vld [tilespmem:s22+$0x1660];
	v19 =	vadd.f32 $1.000000000e+00, v51;
	(erf) = vrcp.f32 v18  }
0x134: {  	v21 =	vld [tilespmem:s22+$0x3E60]  }
0x135: {  	v54 =	vld [tilespmem:s22+$0x1670];
	(erf) = vrcp.f32 v19  }
0x136: {  	v23 =	vld [tilespmem:s22+$0x3E70];
	v22 =	vpop (erf)  }
0x137: {  	v25 =	vld [tilespmem:s22+$0x6600];
	v22 =	vadd.f32 $1.000000000e+00, v22  }
0x138: {  	v27 =	vld [tilespmem:s22+$0x6610];
	v3 =	vadd.f32 $1.000000000e+00, v3;
	v24 =	vpop (erf)  }
0x139: {  	v29 =	vld [tilespmem:s22+$0x6620];
	v26 =	vpop (erf);
	(erf) = vrcp.f32 v22  }
0x13a: {  	v30 =	vld [tilespmem:s22+$0x6630];
	v24 =	vadd.f32 $1.000000000e+00, v24;
	v28 =	vpop (erf);
	(erf) = vrcp.f32 v3  }
0x13b: {  	v31 =	vld [tilespmem:s22+$0x1650];
	v55 =	vpop (erf)  }
0x13c: {  	v1 =	vld [tilespmem:s22+$0x3E00];
	(erf) = vrcp.f32 v24;
	v3 =	vmul.f32 v55, v9;
	v56 =	vpop (erf)  }
0x13d: {  	v0 =	vld [tilespmem:s22+$0x1600];
	v10 =	vmul.f32 v56, v10  }
0x13e: {  	v9 =	vld [tilespmem:s22+$0x6640];
	[tilespmem:s21+$0x8E00] =	vst v3;
	v3 =	vadd.f32 v23, v54;
	v57 =	vpop (erf)  }
0x13f: {  	v6 =	vadd.f32 v13, v6;
	v58 =	vld [tilespmem:s22+$0x3E50];
	v14 =	vmul.f32 v57, v14;
	[tilespmem:s21+$0x8E30] =	vst v10;
	v10 =	vadd.f32 v21, v53  }
0x140: {  	v15 =	vld [tilespmem:s21+$0x8E60];
	v59 =	vadd.f32 v52, v3;
	v3 =	vadd.f32 $1.000000000e+00, v26  }
0x141: {  	v60 =	vld [tilespmem:s22+$0x6650];
	[tilespmem:s21+$0x8E70] =	vst v14;
	v14 =	vadd.f32 v17, v10;
	v10 =	vadd.f32 $1.000000000e+00, v28  }
0x142: {  	v2 =	vadd.f32 v11, v2;
	v0 =	vadd.f32 v1, v0;
	v17 =	vpop (erf);
	(erf) = vrcp.f32 v3  }
0x143: {  	v4 =	vld [tilespmem:s21+$0x8E20];
	v5 =	vadd.f32 v7, v5;
	v3 =	vadd.f32 v12, v16;
	v1 =	vpop (erf);
	(erf) = vrcp.f32 v10  }
0x144: {  	v6 =	vadd.f32 v9, v6;
	[tilespmem:s22+$0x6670] =	vst v59;
	v1 =	vmul.f32 v1, v8;
	v10 =	vadd.f32 v25, v0  }
0x145: {  	v9 =	vsub.f32 $0.0e+00, v59;
	v61 =	vld [tilespmem:s21+$0x8E40];
	[tilespmem:s22+$0x6660] =	vst v14;
	v8 =	vpop (erf);
	v11 =	vadd.f32 v27, v3  }
0x146: {  	v0 =	vld [tilespmem:s22+$0x8E30];
	v12 =	vmul.f32 v8, v15;
	v8 =	vadd.f32 v29, v5;
	[tilespmem:s21+$0x8E10] =	vst v1;
	v1 =	vsub.f32 $0.0e+00, v10  }
0x147: {  	v5 =	vadd.f32 v30, v2;
	v13 =	vsub.f32 $0.0e+00, v11  }
0x148: {  	v4 =	vmul.f32 v17, v4;
	v7 =	vld [tilespmem:s21+$0x8E50];
	v2 =	vmul.f32 $1.442695020e+00, v1  }
0x149: {  	v3 =	vld [tilespmem:s22+$0x8E00];
	[tilespmem:s21+$0x8E60] =	vst v12;
	v12 =	vsub.f32 $0.0e+00, v8;
	v15 =	vsub.f32 $0.0e+00, v5;
	v16 =	vmul.f32 $1.442695020e+00, v13  }
0x14a: {  	v1 =	vld [tilespmem:s22+$0x8E70];
	[tilespmem:s21+$0x8E20] =	vst v4;
	v4 =	vsub.f32 $0.0e+00, v6;
	v13 =	vmul.f32 $1.442695020e+00, v9;
	(erf) = vpow2.f32 v2  }
0x14b: {  	v62 =	vadd.f32 v58, v31;
	v12 =	vmul.f32 $1.442695020e+00, v12;
	v17 =	vmul.f32 $1.442695020e+00, v15;
	v9 =	vpop (erf)  }
0x14c: {  	[tilespmem:s22+$0x6600] =	vst v10;
	v15 =	vsub.f32 $0.0e+00, v14;
	v2 =	vld [tilespmem:s22+$0x8E20];
	v10 =	vmul.f32 $1.442695020e+00, v4;
	v63 =	vpop (erf);
	(erf) = vpow2.f32 v16  }
0x14d: {  	s16 =	simm.s32 $0x400;
	[tilespmem:s22+$0x6610] =	vst v11;
	v11 =	vadd.f32 v60, v62;
	v4 =	vld [tilespmem:s22+$0x8E10];
	(erf) = vpow2.f32 v17;
	v14 =	vmul.f32 v63, v61  }
.LBB2_13:
0x14e: {  	s25 =	sshra.s32 s16, $0x2;
	p3 =	sne.s32 s16, $0x4E00;
	s16 =	sadd.s32 $0x200, s16;
	[tilespmem:s22+$0x6620] =	vst v8;
	v16 =	vld [tilespmem:s22+$0x8E60];
	(erf) = vpow2.f32 v13;
	v7 =	vmul.f32 v9, v7  }
0x14f: {  	v13 =	vmul.f32 $1.442695020e+00, v15;
	v8 =	vld [tilespmem:s25+$0x6660];
	v9 =	vsub.f32 $0.0e+00, v11;
	(erf) = vpow2.f32 v12;
	[tilespmem:s21+$0x8E40] =	vst v14  }
0x150: {  	v12 =	vld [tilespmem:s25+$0x3E40];
	[tilespmem:s21+$0x8E50] =	vst v7;
	s21 =	smov.u32 s22;
	s22 =	smov.u32 s25  }
0x151: {  	v7 =	vld [tilespmem:s22+$0x1640];
	[tilespmem:s21+$0x6650] =	vst v11;
	v9 =	vmul.f32 $1.442695020e+00, v9;
	(erf) = vpow2.f32 v13  }
0x152: {  	v11 =	vld [tilespmem:s22+$0x3E30];
	[tilespmem:s21+$0x6630] =	vst v5  }
0x153: {  	v5 =	vld [tilespmem:s22+$0x1630];
	[tilespmem:s21+$0x6640] =	vst v6;
	v6 =	vpop (erf);
	(erf) = vpow2.f32 v9  }
0x154: {  	v9 =	vld [tilespmem:s22+$0x3E20];
	v6 =	vadd.f32 $1.000000000e+00, v6  }
0x155: {  	v13 =	vld [tilespmem:s22+$0x1620];
	v14 =	vpop (erf)  }
0x156: {  	v15 =	vld [tilespmem:s22+$0x3E10];
	v14 =	vadd.f32 $1.000000000e+00, v14;
	v17 =	vpop (erf);
	(erf) = vpow2.f32 v10  }
0x157: {  	v10 =	vld [tilespmem:s22+$0x1610];
	v21 =	vadd.f32 $1.000000000e+00, v17;
	v18 =	vpop (erf)  }
0x158: {  	v19 =	vld [tilespmem:s22+$0x3E00];
	v18 =	vadd.f32 $1.000000000e+00, v18;
	(erf) = vrcp.f32 v6;
	v6 =	vpop (erf)  }
0x159: {  	v20 =	vld [tilespmem:s22+$0x1600];
	v6 =	vadd.f32 $1.000000000e+00, v6;
	(erf) = vrcp.f32 v21  }
0x15a: {  	v9 =	vadd.f32 v9, v13;
	v13 =	vld [tilespmem:s22+$0x6670];
	v17 =	vpop (erf);
	(erf) = vrcp.f32 v18  }
0x15b: {  	v5 =	vadd.f32 v11, v5;
	v11 =	vld [tilespmem:s22+$0x1660];
	v17 =	vadd.f32 $1.000000000e+00, v17;
	(erf) = vrcp.f32 v6  }
0x15c: {  	v6 =	vld [tilespmem:s22+$0x3E60];
	(erf) = vrcp.f32 v14;
	v14 =	vpop (erf)  }
0x15d: {  	v7 =	vadd.f32 v12, v7;
	v12 =	vld [tilespmem:s22+$0x1670];
	v14 =	vadd.f32 $1.000000000e+00, v14;
	(erf) = vrcp.f32 v17  }
0x15e: {  	v17 =	vadd.f32 v19, v20;
	v18 =	vld [tilespmem:s22+$0x3E70]  }
0x15f: {  	v19 =	vld [tilespmem:s22+$0x6600];
	v20 =	vpop (erf);
	(erf) = vrcp.f32 v14  }
0x160: {  	v14 =	vld [tilespmem:s22+$0x6610];
	v20 =	vadd.f32 $1.000000000e+00, v20  }
0x161: {  	v21 =	vld [tilespmem:s22+$0x6620];
	v6 =	vadd.f32 v6, v11;
	v11 =	vpop (erf)  }
0x162: {  	v22 =	vld [tilespmem:s22+$0x6630];
	v23 =	vmul.f32 v11, v3;
	v11 =	vpop (erf);
	(erf) = vrcp.f32 v20  }
0x163: {  	v10 =	vadd.f32 v15, v10;
	v15 =	vld [tilespmem:s22+$0x6640];
	v12 =	vadd.f32 v18, v12;
	v20 =	vmul.f32 v11, v0;
	v11 =	vpop (erf)  }
0x164: {  	v17 =	vadd.f32 v19, v17;
	v18 =	vld [tilespmem:s22+$0x1650];
	v19 =	vadd.f32 v8, v6;
	[tilespmem:s21+$0x8E00] =	vst v23;
	v1 =	vmul.f32 v11, v1;
	v3 =	vpop (erf)  }
0x165: {  	v11 =	vadd.f32 v14, v10;
	v10 =	vld [tilespmem:s22+$0x3E50];
	v12 =	vadd.f32 v13, v12;
	v2 =	vmul.f32 v3, v2;
	[tilespmem:s21+$0x8E30] =	vst v20;
	v0 =	vpop (erf)  }
0x166: {  	v3 =	vsub.f32 $0.0e+00, v17;
	v8 =	vadd.f32 v21, v9;
	v14 =	vld [tilespmem:s22+$0x6650];
	v4 =	vmul.f32 v0, v4;
	[tilespmem:s21+$0x8E70] =	vst v1;
	v0 =	vpop (erf)  }
0x167: {  	v1 =	vsub.f32 $0.0e+00, v11;
	v5 =	vadd.f32 v22, v5;
	[tilespmem:s22+$0x6670] =	vst v12;
	v20 =	vld [tilespmem:s21+$0x8E40];
	v16 =	vmul.f32 v0, v16  }
0x168: {  	v12 =	vsub.f32 $0.0e+00, v12;
	v23 =	vmul.f32 $1.442695020e+00, v3;
	v6 =	vadd.f32 v15, v7;
	[tilespmem:s22+$0x6660] =	vst v19;
	v7 =	vld [tilespmem:s21+$0x8E50];
	v9 =	vpop (erf)  }
.Ltmp4:
0x169: {  	v22 =	vmul.f32 $1.442695020e+00, v1;
	v1 =	vsub.f32 $0.0e+00, v8;
	v15 =	vsub.f32 $0.0e+00, v5;
	v0 =	vld [tilespmem:s22+$0x8E30];
	[tilespmem:s21+$0x8E10] =	vst v4;
	(pc) =	sbr.rel @p3 .LBB2_13-.Ltmp4, $4  }
0x16a: {  	v13 =	vmul.f32 $1.442695020e+00, v12;
	v3 =	vld [tilespmem:s22+$0x8E00];
	v4 =	vsub.f32 $0.0e+00, v6;
	(erf) = vpow2.f32 v23;
	[tilespmem:s21+$0x8E60] =	vst v16  }
0x16b: {  	v18 =	vadd.f32 v10, v18;
	v12 =	vmul.f32 $1.442695020e+00, v1;
	v16 =	vmul.f32 $1.442695020e+00, v15;
	v1 =	vld [tilespmem:s22+$0x8E70];
	[tilespmem:s21+$0x8E20] =	vst v2;
	v21 =	vpop (erf)  }
0x16c: {  	v15 =	vsub.f32 $0.0e+00, v19;
	[tilespmem:s22+$0x6600] =	vst v17;
	v2 =	vld [tilespmem:s22+$0x8E20];
	v10 =	vmul.f32 $1.442695020e+00, v4;
	(erf) = vpow2.f32 v22  }
0x16d: {  	[tilespmem:s22+$0x6610] =	vst v11;
	v4 =	vld [tilespmem:s22+$0x8E10];
	v11 =	vadd.f32 v14, v18;
	(erf) = vpow2.f32 v16;
	v14 =	vmul.f32 v21, v20  }
0x16e: {  	_ =	sdelay $0x1  }
0x16f: {  	(erf) = vpow2.f32 v13;
	v37 =	vsub.f32 $0.0e+00, v11  }
0x170: {  	v15 =	vmul.f32 $1.442695020e+00, v15;
	(erf) = vpow2.f32 v12  }
0x171: {  	v38 =	vmul.f32 $1.442695020e+00, v37  }
0x172: {  	(erf) = vpow2.f32 v15  }
0x173: {  	v39 =	vpop (erf);
	(erf) = vpow2.f32 v38  }
0x174: {  	v40 =	vpop (erf);
	(erf) = vpow2.f32 v10  }
0x175: {  	v13 =	vadd.f32 $1.000000000e+00, v39;
	_ =	sdelay $0x1  }
0x176: {  	v41 =	vpop (erf);
	(erf) = vrcp.f32 v13  }
0x177: {  	v42 =	vadd.f32 $1.000000000e+00, v41;
	v43 =	vpop (erf)  }
0x178: {  	v15 =	vadd.f32 $1.000000000e+00, v43;
	v44 =	vpop (erf)  }
0x179: {  	(erf) = vrcp.f32 v42;
	v10 =	vadd.f32 $1.000000000e+00, v44  }
0x17a: {  	v45 =	vadd.f32 $1.000000000e+00, v40;
	v46 =	vpop (erf);
	(erf) = vrcp.f32 v15  }
0x17b: {  	v48 =	vadd.f32 $1.000000000e+00, v46;
	(erf) = vrcp.f32 v10;
	v49 =	vpop (erf)  }
0x17c: {  	(erf) = vrcp.f32 v45;
	v50 =	vadd.f32 $1.000000000e+00, v49;
	v51 =	vpop (erf)  }
0x17d: {  	(erf) = vrcp.f32 v48;
	v52 =	vadd.f32 $1.000000000e+00, v51  }
0x17e: {  	[tilespmem:s22+$0x6620] =	vst v8;
	v7 =	vmul.f32 v9, v7;
	(erf) = vrcp.f32 v50  }
0x17f: {  	v47 =	vld [tilespmem:s22+$0x8E60];
	[tilespmem:s21+$0x8E40] =	vst v14;
	v53 =	vpop (erf);
	(erf) = vrcp.f32 v52  }
0x180: {  	[tilespmem:s21+$0x8E50] =	vst v7  }
0x181: {  	[tilespmem:s22+$0x6650] =	vst v11  }
0x182: {  	[tilespmem:s22+$0x6630] =	vst v5;
	v3 =	vmul.f32 v53, v3;
	v54 =	vpop (erf)  }
0x183: {  	[tilespmem:s22+$0x6640] =	vst v6;
	v59 =	vld [tilespmem:s22+$0x8E50];
	v0 =	vmul.f32 v54, v0;
	v55 =	vpop (erf)  }
0x184: {  	v57 =	vld [tilespmem:s22+$0x8E40];
	[tilespmem:s22+$0x8E00] =	vst v3;
	v1 =	vmul.f32 v55, v1;
	v56 =	vpop (erf)  }
0x185: {  	[tilespmem:s22+$0x8E30] =	vst v0;
	v58 =	vpop (erf);
	v0 =	vmul.f32 v56, v2  }
0x186: {  	[tilespmem:s22+$0x8E70] =	vst v1;
	v3 =	vmul.f32 v58, v4;
	v60 =	vpop (erf)  }
0x187: {  	[tilespmem:s22+$0x8E20] =	vst v0;
	v4 =	vmul.f32 v60, v47;
	v61 =	vpop (erf)  }
0x188: {  	[tilespmem:s22+$0x8E10] =	vst v3;
	v63 =	vmul.f32 v61, v59;
	v62 =	vpop (erf)  }
0x189: {  	[tilespmem:s22+$0x8E60] =	vst v4;
	v1 =	vmul.f32 v62, v57  }
0x18a: {  	[tilespmem:s22+$0x8E50] =	vst v63  }
0x18b: {  	s1 =	sadd.s32 s15, s1;
	[tilespmem:s22+$0x8E40] =	vst v1  }
0x18c: {  	[hbm4b:s1+s4] =	stream.linear.scatter [tilespmem:s20], [sflag:$0x3], $0x1400, $0x38;
	[tilespmem:$0x1DA80] =	vst v63  }
0x18d: {  	s2 =	sadd.s32 $0x1, s2;
	_ =	swait.ge [sflag:s24], $0x1400  }
0x18e: {  	p3 =	sne.s32 s2, $0x7D;
	[sflag:s24] =	ssyncset.done $0x0  }
.Ltmp5:
0x18f: {  	[sflag:s24] =	ssyncadd.s32 $0xFFFFEC00;
	(pc) =	sbr.rel @p3 .LBB2_10-.Ltmp5, $4  }
0x190: {  	[spmem:s3] =	stream.indirect.scatter.add.f32 [tilespmem:s23], [sflag:$0x3], $0x80, s19, s28, $0xb8;
	[tilespmem:$0x1DA80] =	vst v63  }
0x191: {  	_ =	swait.ge [sflag:s24], $0x1400  }
0x192: {  	[sflag:s24] =	ssyncset.done $0x0  }
0x193: {  	[sflag:s24] =	ssyncadd.s32 $0xFFFFEC00  }
0x194: {  	[bflag:$0x0] =	sbarrier.arrive $0xFFFF  }
0x195: {  	s1 =	rddreg [dreg:$0xf]  }
0x196: {  	s16 =	rddreg [dreg:$0x11]  }
0x197: {  	s2 =	rddreg [dreg:$0x14]  }
0x198: {  	[hbm:s1], [sflag:s16] =	dma.local [spmem:s2], $0x2700  }
.Ltmp6:
0x199: {  	_ = 	snop;
	(pc) =	sbr.rel @p1 .LBB2_17-.Ltmp6, $4  }
.Ltmp7:
0x19a: {  	_ = 	snop;
	(pc) =	sbr.rel @!p1 .LBB2_16-.Ltmp7, $4  }
0x19b: {  	_ =	swait.ge [sflag:s24], $0x2700  }
0x19c: {  	[sflag:s24] =	ssyncset.done $0x0;
	s1 =	rddreg [dreg:$0x6]  }
0x19d: {  	s21 =	rddreg [dreg:$0x13];
	[sflag:s24] =	ssyncadd.s32 $0xFFFFD900  }
0x19e: {  	_ = 	snop  }
.LBB2_2:
0x19f: {  	s2 =	rddreg [dreg:$0x9]  }
0x1a0: {  	[spmem:s1], [sflag:s16] =	dma.local @!p1 [hbm:s2], $0x100  }
0x1a1: {  	s1 =	simm.s32 @!p1 $0x3  }
0x1a2: {  	_ =	swait.ge @!p1 [sflag:s1], $0x100  }
0x1a3: {  	[sflag:s1] =	ssyncset.done @!p1 $0x0  }
0x1a4: {  	[sflag:s1] =	ssyncadd.s32 @!p1 $0xFFFFFF00  }
0x1a5: {  	[bflag:$0x0] =	sbarrier.arrive $0xFFFF  }
0x1a6: {  	s30 =	simm.s32 $0x0;
	s21 =	rddreg [dreg:$0xa]  }
0x1a7: {  	[tilespmem:s30], [sflag:$0x3] =	stream.linear.gather [hbm4b:s21+s30], $0x28, $0x38;
	[tilespmem:$0x1DA80] =	vst v63  }
0x1a8: {  	_ =	swait.ge [sflag:s24], $0x28  }
0x1a9: {  	[sflag:s24] =	ssyncset.done $0x0  }
0x1aa: {  	s2 =	simm.s32 $0x100;
	s22 =	rddreg [dreg:$0xb];
	[sflag:s24] =	ssyncadd.s32 $0xFFFFFFD8  }
0x1ab: {  	[tilespmem:s2], [sflag:$0x3] =	stream.linear.gather [hbm4b:s22+s30], $0x28, $0x38;
	[tilespmem:$0x1DA80] =	vst v63  }
0x1ac: {  	_ =	swait.ge [sflag:s24], $0x28  }
0x1ad: {  	[sflag:s24] =	ssyncset.done $0x0  }
0x1ae: {  	s26 =	simm.s32 $0x5200;
	s25 =	rddreg [dreg:$0xc];
	[sflag:s24] =	ssyncadd.s32 $0xFFFFFFD8  }
0x1af: {  	[tilespmem:s26], [sflag:$0x1] =	stream.linear.gather [hbm4b:s25+s30], $0x1400, $0x38;
	[tilespmem:$0x1DA80] =	vst v63  }
0x1b0: {  	s21 =	simm.s32 $0x200  }
0x1b1: {  	[tilespmem:s21], [sflag:$0x1] =	stream.indirect.gather [hbm4b:s10+s28], $0x80, s30, s28, $0xb8;
	[tilespmem:$0x1DA80] =	vst v63  }
0x1b2: {  	s22 =	rddreg [dreg:$0x1];
	s25 =	simm.s32 $0x2A00  }
0x1b3: {  	[tilespmem:s25], [sflag:$0x1] =	stream.indirect.gather [hbm4b:s22+s28], $0x80, s2, s28, $0xb8;
	[tilespmem:$0x1DA80] =	vst v63  }
0x1b4: {  	s26 =	simm.s32 $0x7A00;
	s2 =	simm.s32 $0x0  }
0x1b5: {  	[tilespmem:s26], [sflag:$0x1] =	stream.indirect.gather [hbm4b:s8+s28], $0x80, s30, s28, $0xb8;
	[tilespmem:$0x1DA80] =	vst v63  }
.LBB2_3:
0x1b6: {  	s21 =	smul.u32 $0x50, s2;
	_ =	sdelay $0x1  }
0x1b7: {  	s1 =	sadd.s32 s21, s0  }
0x1b8: {  	s16 =	sshrl.u32 s1, $0x3  }
0x1b9: {  	s22 =	sadd.s32 s6, s16  }
0x1ba: {  	[tilespmem:s17], [sflag:$0x3] =	stream.linear.gather [hbm4b:s22+s30], $0x28, $0x38;
	[tilespmem:$0x1DA80] =	vst v63  }
0x1bb: {  	_ =	swait.ge [sflag:s24], $0x28  }
0x1bc: {  	[sflag:s24] =	ssyncset.done $0x0  }
0x1bd: {  	s16 =	sadd.s32 s7, s16;
	[sflag:s24] =	ssyncadd.s32 $0xFFFFFFD8  }
0x1be: {  	[tilespmem:s19], [sflag:$0x3] =	stream.linear.gather [hbm4b:s16+s30], $0x28, $0x38;
	[tilespmem:$0x1DA80] =	vst v63  }
0x1bf: {  	_ =	swait.ge [sflag:s24], $0x28  }
0x1c0: {  	[sflag:s24] =	ssyncset.done $0x0  }
0x1c1: {  	[sflag:s24] =	ssyncadd.s32 $0xFFFFFFD8  }
0x1c2: {  	s1 =	sshll.u32 s1, $0x4;
	s26 =	rddreg [dreg:$0x2]  }
0x1c3: {  	s16 =	sadd.s32 s26, s1  }
0x1c4: {  	[tilespmem:s20], [sflag:$0x2] =	stream.linear.gather [hbm4b:s16+s30], $0x1400, $0x38;
	[tilespmem:$0x1DA80] =	vst v63  }
0x1c5: {  	s22 =	simm.s32 $0x1600  }
0x1c6: {  	[tilespmem:s22], [sflag:$0x2] =	stream.indirect.gather [hbm4b:s10+s28], $0x80, s17, s28, $0xb8;
	[tilespmem:$0x1DA80] =	vst v63  }
0x1c7: {  	s25 =	rddreg [dreg:$0x1];
	s26 =	simm.s32 $0x3E00  }
0x1c8: {  	[tilespmem:s26], [sflag:$0x2] =	stream.indirect.gather [hbm4b:s25+s28], $0x80, s19, s28, $0xb8;
	[tilespmem:$0x1DA80] =	vst v63  }
0x1c9: {  	_ = 	snop  }
0x1ca: {  	[tilespmem:s23], [sflag:$0x2] =	stream.indirect.gather [hbm4b:s8+s28], $0x80, s17, s28, $0xb8;
	[tilespmem:$0x1DA80] =	vst v63  }
0x1cb: {  	_ =	swait.ge [sflag:s29], $0x1400  }
0x1cc: {  	[sflag:s29] =	ssyncset.done $0x0  }
0x1cd: {  	[sflag:s29] =	ssyncadd.s32 $0xFFFFEC00  }
0x1ce: {  	_ =	swait.ge [sflag:s29], $0x1400  }
0x1cf: {  	[sflag:s29] =	ssyncset.done $0x0  }
0x1d0: {  	[sflag:s29] =	ssyncadd.s32 $0xFFFFEC00  }
0x1d1: {  	_ =	swait.ge [sflag:s29], $0x1400  }
0x1d2: {  	[sflag:s29] =	ssyncset.done $0x0  }
0x1d3: {  	[sflag:s29] =	ssyncadd.s32 $0xFFFFEC00  }
0x1d4: {  	_ =	swait.ge [sflag:s29], $0x1400  }
0x1d5: {  	[sflag:s29] =	ssyncset.done $0x0  }
0x1d6: {  	s22 =	simm.s32 $0x0;
	[sflag:s29] =	ssyncadd.s32 $0xFFFFEC00  }
0x1d7: {  	v0 =	vld [tilespmem:s22+$0x5260]  }
0x1d8: {  	v1 =	vld [tilespmem:s22+$0x2A40]  }
0x1d9: {  	v3 =	vld [tilespmem:s22+$0x2A30]  }
0x1da: {  	v4 =	vld [tilespmem:s22+$0x230]  }
0x1db: {  	v5 =	vld [tilespmem:s22+$0x2A20]  }
0x1dc: {  	v6 =	vld [tilespmem:s22+$0x220]  }
0x1dd: {  	v7 =	vld [tilespmem:s22+$0x2A10]  }
0x1de: {  	v8 =	vld [tilespmem:s22+$0x210]  }
0x1df: {  	v9 =	vld [tilespmem:s22+$0x2A00]  }
0x1e0: {  	v12 =	vld [tilespmem:s22+$0x260]  }
0x1e1: {  	v13 =	vld [tilespmem:s22+$0x2A60]  }
0x1e2: {  	v14 =	vld [tilespmem:s22+$0x270]  }
0x1e3: {  	v15 =	vld [tilespmem:s22+$0x2A70]  }
0x1e4: {  	v10 =	vld [tilespmem:s22+$0x200]  }
0x1e5: {  	v11 =	vld [tilespmem:s22+$0x5270]  }
0x1e6: {  	v16 =	vld [tilespmem:s22+$0x5200]  }
0x1e7: {  	v17 =	vld [tilespmem:s22+$0x5210]  }
0x1e8: {  	v19 =	vld [tilespmem:s22+$0x5230];
	v14 =	vadd.f32 v15, v14;
	v12 =	vadd.f32 v13, v12  }
0x1e9: {  	v18 =	vld [tilespmem:s22+$0x5220];
	v9 =	vadd.f32 v9, v10;
	v7 =	vadd.f32 v7, v8  }
0x1ea: {  	v13 =	vld [tilespmem:s22+$0x250];
	v5 =	vadd.f32 v5, v6;
	v3 =	vadd.f32 v3, v4  }
0x1eb: {  	v15 =	vld [tilespmem:s22+$0x2A50];
	v11 =	vadd.f32 v11, v14;
	v8 =	vadd.f32 v16, v9  }
0x1ec: {  	v2 =	vld [tilespmem:s22+$0x240];
	v0 =	vadd.f32 v0, v12;
	v6 =	vadd.f32 v17, v7  }
0x1ed: {  	v12 =	vld [tilespmem:s22+$0x5250];
	v3 =	vadd.f32 v19, v3;
	[tilespmem:s22+$0x5270] =	vst v11;
	v7 =	vsub.f32 $0.0e+00, v8  }
0x1ee: {  	[tilespmem:s22+$0x5210] =	vst v6;
	v6 =	vsub.f32 $0.0e+00, v6  }
0x1ef: {  	v5 =	vadd.f32 v18, v5;
	[tilespmem:s22+$0x5260] =	vst v0;
	v16 =	vsub.f32 $0.0e+00, v3;
	v7 =	vmul.f32 $1.442695020e+00, v7  }
0x1f0: {  	v20 =	vld [tilespmem:s22+$0x5240];
	[tilespmem:s22+$0x5200] =	vst v8;
	v13 =	vadd.f32 v15, v13;
	v6 =	vmul.f32 $1.442695020e+00, v6  }
0x1f1: {  	s26 =	simm.s32 $0x80;
	v10 =	vld [tilespmem:s22+$0x7A30];
	[tilespmem:s22+$0x5220] =	vst v5;
	v11 =	vsub.f32 $0.0e+00, v11;
	(erf) = vpow2.f32 v7;
	v7 =	vmul.f32 $1.442695020e+00, v16  }
0x1f2: {  	v1 =	vadd.f32 v1, v2;
	v17 =	vld [tilespmem:s26+$0x5260];
	v12 =	vadd.f32 v12, v13;
	(erf) = vpow2.f32 v6  }
0x1f3: {  	v5 =	vsub.f32 $0.0e+00, v5;
	v2 =	vmul.f32 $1.442695020e+00, v11;
	v13 =	vld [tilespmem:s26+$0x2A40];
	(erf) = vpow2.f32 v7  }
0x1f4: {  	v0 =	vsub.f32 $0.0e+00, v0;
	v6 =	vld [tilespmem:s26+$0x240];
	[tilespmem:s22+$0x5250] =	vst v12  }
0x1f5: {  	v11 =	vld [tilespmem:s26+$0x2A30];
	[tilespmem:s22+$0x5230] =	vst v3;
	v3 =	vmul.f32 $1.442695020e+00, v5;
	v5 =	vsub.f32 $0.0e+00, v12;
	(erf) = vpow2.f32 v2  }
0x1f6: {  	v9 =	vld [tilespmem:s22+$0x7A00];
	v0 =	vmul.f32 $1.442695020e+00, v0  }
0x1f7: {  	v14 =	vld [tilespmem:s22+$0x7A70];
	v1 =	vadd.f32 v20, v1;
	(erf) = vpow2.f32 v3;
	v3 =	vmul.f32 $1.442695020e+00, v5  }
0x1f8: {  	v8 =	vld [tilespmem:s22+$0x7A10]  }
0x1f9: {  	v2 =	vld [tilespmem:s26+$0x230];
	[tilespmem:s22+$0x5240] =	vst v1;
	v1 =	vsub.f32 $0.0e+00, v1  }
0x1fa: {  	v7 =	vld [tilespmem:s26+$0x2A20];
	(erf) = vpow2.f32 v0;
	v0 =	vpop (erf)  }
0x1fb: {  	v5 =	vld [tilespmem:s26+$0x220];
	v1 =	vmul.f32 $1.442695020e+00, v1;
	(erf) = vpow2.f32 v3;
	v3 =	vpop (erf)  }
0x1fc: {  	v12 =	vld [tilespmem:s26+$0x2A10];
	v0 =	vadd.f32 $1.000000000e+00, v0;
	v50 =	vpop (erf)  }
0x1fd: {  	v16 =	vld [tilespmem:s26+$0x210];
	(erf) = vpow2.f32 v1;
	v18 =	vadd.f32 $1.000000000e+00, v50  }
0x1fe: {  	v52 =	vld [tilespmem:s26+$0x5270];
	(erf) = vrcp.f32 v0;
	v51 =	vpop (erf)  }
0x1ff: {  	v53 =	vld [tilespmem:s26+$0x260];
	v19 =	vadd.f32 $1.000000000e+00, v51;
	(erf) = vrcp.f32 v18  }
0x200: {  	v21 =	vld [tilespmem:s26+$0x2A60]  }
0x201: {  	v54 =	vld [tilespmem:s26+$0x270];
	(erf) = vrcp.f32 v19  }
0x202: {  	v23 =	vld [tilespmem:s26+$0x2A70];
	v22 =	vpop (erf)  }
0x203: {  	v25 =	vld [tilespmem:s26+$0x5200];
	v22 =	vadd.f32 $1.000000000e+00, v22  }
0x204: {  	v27 =	vld [tilespmem:s26+$0x5210];
	v3 =	vadd.f32 $1.000000000e+00, v3;
	v24 =	vpop (erf)  }
0x205: {  	v29 =	vld [tilespmem:s26+$0x5220];
	v26 =	vpop (erf);
	(erf) = vrcp.f32 v22  }
0x206: {  	v30 =	vld [tilespmem:s26+$0x5230];
	v24 =	vadd.f32 $1.000000000e+00, v24;
	v28 =	vpop (erf);
	(erf) = vrcp.f32 v3  }
0x207: {  	v31 =	vld [tilespmem:s26+$0x250];
	v55 =	vpop (erf)  }
0x208: {  	v1 =	vld [tilespmem:s26+$0x2A00];
	(erf) = vrcp.f32 v24;
	v3 =	vmul.f32 v55, v9;
	v56 =	vpop (erf)  }
0x209: {  	v0 =	vld [tilespmem:s26+$0x200];
	v10 =	vmul.f32 v56, v10  }
0x20a: {  	v9 =	vld [tilespmem:s26+$0x5240];
	[tilespmem:s22+$0x7A00] =	vst v3;
	v3 =	vadd.f32 v23, v54;
	v57 =	vpop (erf)  }
0x20b: {  	v6 =	vadd.f32 v13, v6;
	v58 =	vld [tilespmem:s26+$0x2A50];
	v14 =	vmul.f32 v57, v14;
	[tilespmem:s22+$0x7A30] =	vst v10;
	v10 =	vadd.f32 v21, v53  }
0x20c: {  	v15 =	vld [tilespmem:s22+$0x7A60];
	v59 =	vadd.f32 v52, v3;
	v3 =	vadd.f32 $1.000000000e+00, v26  }
0x20d: {  	v60 =	vld [tilespmem:s26+$0x5250];
	[tilespmem:s22+$0x7A70] =	vst v14;
	v14 =	vadd.f32 v17, v10;
	v10 =	vadd.f32 $1.000000000e+00, v28  }
0x20e: {  	v2 =	vadd.f32 v11, v2;
	v0 =	vadd.f32 v1, v0;
	v17 =	vpop (erf);
	(erf) = vrcp.f32 v3  }
0x20f: {  	v4 =	vld [tilespmem:s22+$0x7A20];
	v5 =	vadd.f32 v7, v5;
	v3 =	vadd.f32 v12, v16;
	v1 =	vpop (erf);
	(erf) = vrcp.f32 v10  }
0x210: {  	v6 =	vadd.f32 v9, v6;
	[tilespmem:s26+$0x5270] =	vst v59;
	v1 =	vmul.f32 v1, v8;
	v10 =	vadd.f32 v25, v0  }
0x211: {  	v9 =	vsub.f32 $0.0e+00, v59;
	v61 =	vld [tilespmem:s22+$0x7A40];
	[tilespmem:s26+$0x5260] =	vst v14;
	v8 =	vpop (erf);
	v11 =	vadd.f32 v27, v3  }
0x212: {  	v0 =	vld [tilespmem:s26+$0x7A30];
	v12 =	vmul.f32 v8, v15;
	v8 =	vadd.f32 v29, v5;
	[tilespmem:s22+$0x7A10] =	vst v1;
	v1 =	vsub.f32 $0.0e+00, v10  }
0x213: {  	v5 =	vadd.f32 v30, v2;
	v13 =	vsub.f32 $0.0e+00, v11  }
0x214: {  	v4 =	vmul.f32 v17, v4;
	v7 =	vld [tilespmem:s22+$0x7A50];
	v2 =	vmul.f32 $1.442695020e+00, v1  }
0x215: {  	v3 =	vld [tilespmem:s26+$0x7A00];
	[tilespmem:s22+$0x7A60] =	vst v12;
	v12 =	vsub.f32 $0.0e+00, v8;
	v15 =	vsub.f32 $0.0e+00, v5;
	v16 =	vmul.f32 $1.442695020e+00, v13  }
0x216: {  	v1 =	vld [tilespmem:s26+$0x7A70];
	[tilespmem:s22+$0x7A20] =	vst v4;
	v4 =	vsub.f32 $0.0e+00, v6;
	v13 =	vmul.f32 $1.442695020e+00, v9;
	(erf) = vpow2.f32 v2  }
0x217: {  	v62 =	vadd.f32 v58, v31;
	v12 =	vmul.f32 $1.442695020e+00, v12;
	v17 =	vmul.f32 $1.442695020e+00, v15;
	v9 =	vpop (erf)  }
0x218: {  	[tilespmem:s26+$0x5200] =	vst v10;
	v15 =	vsub.f32 $0.0e+00, v14;
	v2 =	vld [tilespmem:s26+$0x7A20];
	v10 =	vmul.f32 $1.442695020e+00, v4;
	v63 =	vpop (erf);
	(erf) = vpow2.f32 v16  }
0x219: {  	s16 =	simm.s32 $0x400;
	[tilespmem:s26+$0x5210] =	vst v11;
	v11 =	vadd.f32 v60, v62;
	v4 =	vld [tilespmem:s26+$0x7A10];
	(erf) = vpow2.f32 v17;
	v14 =	vmul.f32 v63, v61  }
.LBB2_4:
0x21a: {  	s25 =	sshra.s32 s16, $0x2;
	p3 =	sne.s32 s16, $0x4E00;
	s16 =	sadd.s32 $0x200, s16;
	[tilespmem:s26+$0x5220] =	vst v8;
	v16 =	vld [tilespmem:s26+$0x7A60];
	(erf) = vpow2.f32 v13;
	v7 =	vmul.f32 v9, v7  }
0x21b: {  	v13 =	vmul.f32 $1.442695020e+00, v15;
	v8 =	vld [tilespmem:s25+$0x5260];
	v9 =	vsub.f32 $0.0e+00, v11;
	(erf) = vpow2.f32 v12;
	[tilespmem:s22+$0x7A40] =	vst v14  }
0x21c: {  	v12 =	vld [tilespmem:s25+$0x2A40];
	[tilespmem:s22+$0x7A50] =	vst v7;
	s22 =	smov.u32 s26;
	s26 =	smov.u32 s25  }
0x21d: {  	v7 =	vld [tilespmem:s26+$0x240];
	[tilespmem:s22+$0x5250] =	vst v11;
	v9 =	vmul.f32 $1.442695020e+00, v9;
	(erf) = vpow2.f32 v13  }
0x21e: {  	v11 =	vld [tilespmem:s26+$0x2A30];
	[tilespmem:s22+$0x5230] =	vst v5  }
0x21f: {  	v5 =	vld [tilespmem:s26+$0x230];
	[tilespmem:s22+$0x5240] =	vst v6;
	v6 =	vpop (erf);
	(erf) = vpow2.f32 v9  }
0x220: {  	v9 =	vld [tilespmem:s26+$0x2A20];
	v6 =	vadd.f32 $1.000000000e+00, v6  }
0x221: {  	v13 =	vld [tilespmem:s26+$0x220];
	v14 =	vpop (erf)  }
0x222: {  	v15 =	vld [tilespmem:s26+$0x2A10];
	v14 =	vadd.f32 $1.000000000e+00, v14;
	v17 =	vpop (erf);
	(erf) = vpow2.f32 v10  }
0x223: {  	v10 =	vld [tilespmem:s26+$0x210];
	v21 =	vadd.f32 $1.000000000e+00, v17;
	v18 =	vpop (erf)  }
0x224: {  	v19 =	vld [tilespmem:s26+$0x2A00];
	v18 =	vadd.f32 $1.000000000e+00, v18;
	(erf) = vrcp.f32 v6;
	v6 =	vpop (erf)  }
0x225: {  	v20 =	vld [tilespmem:s26+$0x200];
	v6 =	vadd.f32 $1.000000000e+00, v6;
	(erf) = vrcp.f32 v21  }
0x226: {  	v9 =	vadd.f32 v9, v13;
	v13 =	vld [tilespmem:s26+$0x5270];
	v17 =	vpop (erf);
	(erf) = vrcp.f32 v18  }
0x227: {  	v5 =	vadd.f32 v11, v5;
	v11 =	vld [tilespmem:s26+$0x260];
	v17 =	vadd.f32 $1.000000000e+00, v17;
	(erf) = vrcp.f32 v6  }
0x228: {  	v6 =	vld [tilespmem:s26+$0x2A60];
	(erf) = vrcp.f32 v14;
	v14 =	vpop (erf)  }
0x229: {  	v7 =	vadd.f32 v12, v7;
	v12 =	vld [tilespmem:s26+$0x270];
	v14 =	vadd.f32 $1.000000000e+00, v14;
	(erf) = vrcp.f32 v17  }
0x22a: {  	v17 =	vadd.f32 v19, v20;
	v18 =	vld [tilespmem:s26+$0x2A70]  }
0x22b: {  	v19 =	vld [tilespmem:s26+$0x5200];
	v20 =	vpop (erf);
	(erf) = vrcp.f32 v14  }
0x22c: {  	v14 =	vld [tilespmem:s26+$0x5210];
	v20 =	vadd.f32 $1.000000000e+00, v20  }
0x22d: {  	v21 =	vld [tilespmem:s26+$0x5220];
	v6 =	vadd.f32 v6, v11;
	v11 =	vpop (erf)  }
0x22e: {  	v22 =	vld [tilespmem:s26+$0x5230];
	v23 =	vmul.f32 v11, v3;
	v11 =	vpop (erf);
	(erf) = vrcp.f32 v20  }
0x22f: {  	v10 =	vadd.f32 v15, v10;
	v15 =	vld [tilespmem:s26+$0x5240];
	v12 =	vadd.f32 v18, v12;
	v20 =	vmul.f32 v11, v0;
	v11 =	vpop (erf)  }
0x230: {  	v17 =	vadd.f32 v19, v17;
	v18 =	vld [tilespmem:s26+$0x250];
	v19 =	vadd.f32 v8, v6;
	[tilespmem:s22+$0x7A00] =	vst v23;
	v1 =	vmul.f32 v11, v1;
	v3 =	vpop (erf)  }
0x231: {  	v11 =	vadd.f32 v14, v10;
	v10 =	vld [tilespmem:s26+$0x2A50];
	v12 =	vadd.f32 v13, v12;
	v2 =	vmul.f32 v3, v2;
	[tilespmem:s22+$0x7A30] =	vst v20;
	v0 =	vpop (erf)  }
0x232: {  	v3 =	vsub.f32 $0.0e+00, v17;
	v8 =	vadd.f32 v21, v9;
	v14 =	vld [tilespmem:s26+$0x5250];
	v4 =	vmul.f32 v0, v4;
	[tilespmem:s22+$0x7A70] =	vst v1;
	v0 =	vpop (erf)  }
0x233: {  	v1 =	vsub.f32 $0.0e+00, v11;
	v5 =	vadd.f32 v22, v5;
	[tilespmem:s26+$0x5270] =	vst v12;
	v20 =	vld [tilespmem:s22+$0x7A40];
	v16 =	vmul.f32 v0, v16  }
0x234: {  	v12 =	vsub.f32 $0.0e+00, v12;
	v23 =	vmul.f32 $1.442695020e+00, v3;
	v6 =	vadd.f32 v15, v7;
	[tilespmem:s26+$0x5260] =	vst v19;
	v7 =	vld [tilespmem:s22+$0x7A50];
	v9 =	vpop (erf)  }
.Ltmp8:
0x235: {  	v22 =	vmul.f32 $1.442695020e+00, v1;
	v1 =	vsub.f32 $0.0e+00, v8;
	v15 =	vsub.f32 $0.0e+00, v5;
	v0 =	vld [tilespmem:s26+$0x7A30];
	[tilespmem:s22+$0x7A10] =	vst v4;
	(pc) =	sbr.rel @p3 .LBB2_4-.Ltmp8, $4  }
0x236: {  	v13 =	vmul.f32 $1.442695020e+00, v12;
	v3 =	vld [tilespmem:s26+$0x7A00];
	v4 =	vsub.f32 $0.0e+00, v6;
	(erf) = vpow2.f32 v23;
	[tilespmem:s22+$0x7A60] =	vst v16  }
0x237: {  	v18 =	vadd.f32 v10, v18;
	v12 =	vmul.f32 $1.442695020e+00, v1;
	v16 =	vmul.f32 $1.442695020e+00, v15;
	v1 =	vld [tilespmem:s26+$0x7A70];
	[tilespmem:s22+$0x7A20] =	vst v2;
	v21 =	vpop (erf)  }
0x238: {  	v15 =	vsub.f32 $0.0e+00, v19;
	[tilespmem:s26+$0x5200] =	vst v17;
	v2 =	vld [tilespmem:s26+$0x7A20];
	v10 =	vmul.f32 $1.442695020e+00, v4;
	(erf) = vpow2.f32 v22  }
0x239: {  	[tilespmem:s26+$0x5210] =	vst v11;
	v4 =	vld [tilespmem:s26+$0x7A10];
	v11 =	vadd.f32 v14, v18;
	(erf) = vpow2.f32 v16;
	v14 =	vmul.f32 v21, v20  }
0x23a: {  	_ = 	snop  }
0x23b: {  	(erf) = vpow2.f32 v13;
	v13 =	vsub.f32 $0.0e+00, v11;
	_ =	sdelay $0x1  }
0x23c: {  	(erf) = vpow2.f32 v12;
	v12 =	vmul.f32 $1.442695020e+00, v13  }
0x23d: {  	v15 =	vmul.f32 $1.442695020e+00, v15;
	_ =	sdelay $0x1  }
0x23e: {  	(erf) = vpow2.f32 v15;
	v13 =	vpop (erf)  }
0x23f: {  	(erf) = vpow2.f32 v12;
	v12 =	vpop (erf)  }
0x240: {  	v15 =	vpop (erf)  }
0x241: {  	(erf) = vpow2.f32 v10;
	v10 =	vadd.f32 $1.000000000e+00, v15  }
0x242: {  	v13 =	vadd.f32 $1.000000000e+00, v13;
	_ =	sdelay $0x1  }
0x243: {  	(erf) = vrcp.f32 v13;
	v15 =	vpop (erf)  }
0x244: {  	(erf) = vrcp.f32 v10;
	v10 =	vpop (erf)  }
0x245: {  	v10 =	vadd.f32 $1.000000000e+00, v10  }
0x246: {  	v15 =	vadd.f32 $1.000000000e+00, v15;
	_ =	sdelay $0x1  }
0x247: {  	[tilespmem:s26+$0x5220] =	vst v8;
	v8 =	vadd.f32 $1.000000000e+00, v12;
	(erf) = vrcp.f32 v15;
	v12 =	vpop (erf)  }
0x248: {  	(erf) = vrcp.f32 v10;
	v10 =	vpop (erf)  }
0x249: {  	(erf) = vrcp.f32 v8;
	v8 =	vadd.f32 $1.000000000e+00, v10  }
0x24a: {  	v7 =	vmul.f32 v9, v7;
	v9 =	vadd.f32 $1.000000000e+00, v12  }
0x24b: {  	v10 =	vpop (erf)  }
0x24c: {  	v13 =	vld [tilespmem:s26+$0x7A60];
	[tilespmem:s22+$0x7A50] =	vst v7;
	(erf) = vrcp.f32 v9;
	v7 =	vadd.f32 $1.000000000e+00, v10  }
0x24d: {  	[tilespmem:s22+$0x7A40] =	vst v14;
	(erf) = vrcp.f32 v8;
	v8 =	vpop (erf)  }
0x24e: {  	[tilespmem:s26+$0x5230] =	vst v5;
	v5 =	vpop (erf);
	(erf) = vrcp.f32 v7  }
0x24f: {  	v0 =	vmul.f32 v5, v0  }
0x250: {  	v3 =	vmul.f32 v8, v3;
	v5 =	vpop (erf)  }
0x251: {  	[tilespmem:s26+$0x5250] =	vst v11;
	v1 =	vmul.f32 v5, v1  }
0x252: {  	v5 =	vld [tilespmem:s26+$0x7A50];
	[tilespmem:s26+$0x7A30] =	vst v0  }
0x253: {  	[tilespmem:s26+$0x7A70] =	vst v1;
	v1 =	vld [tilespmem:s26+$0x7A40];
	v0 =	vpop (erf)  }
0x254: {  	[tilespmem:s26+$0x7A00] =	vst v3;
	v3 =	vpop (erf);
	v0 =	vmul.f32 v0, v2  }
0x255: {  	[tilespmem:s26+$0x5240] =	vst v6;
	v3 =	vmul.f32 v3, v4;
	v4 =	vpop (erf)  }
0x256: {  	v4 =	vmul.f32 v4, v13;
	v6 =	vpop (erf);
	[tilespmem:s26+$0x7A20] =	vst v0  }
0x257: {  	[tilespmem:s26+$0x7A10] =	vst v3;
	v2 =	vpop (erf);
	v0 =	vmul.f32 v6, v5  }
0x258: {  	s16 =	sadd.s32 s18, s21;
	[tilespmem:s26+$0x7A60] =	vst v4;
	v1 =	vmul.f32 v2, v1  }
0x259: {  	s16 =	sshll.u32 s16, $0x4;
	[tilespmem:s26+$0x7A50] =	vst v0  }
0x25a: {  	s16 =	sadd.s32 s14, s16;
	[tilespmem:s26+$0x7A40] =	vst v1;
	s26 =	simm.s32 $0x5200  }
0x25b: {  	[hbm4b:s16+s4] =	stream.linear.scatter [tilespmem:s26], [sflag:$0x3], $0x1400, $0x38;
	[tilespmem:$0x1DA80] =	vst v63  }
0x25c: {  	_ =	swait.ge [sflag:s24], $0x1400  }
0x25d: {  	s25 =	simm.s32 $0x100;
	[sflag:s24] =	ssyncset.done $0x0  }
0x25e: {  	p3 =	seq.s32 s2, $0x7C;
	s26 =	simm.s32 $0x7A00;
	[sflag:s24] =	ssyncadd.s32 $0xFFFFEC00  }
0x25f: {  	[spmem:s3] =	stream.indirect.scatter.add.f32 [tilespmem:s26], [sflag:$0x3], $0x80, s25, s28, $0xb8;
	[tilespmem:$0x1DA80] =	vst v63  }
0x260: {  	s16 =	sadd.s32 @!p3 s21, s5;
	_ =	swait.ge [sflag:s24], $0x1400  }
0x261: {  	s21 =	sshrl.u32 @!p3 s16, $0x3;
	[sflag:s24] =	ssyncset.done $0x0  }
0x262: {  	s22 =	sadd.s32 @!p3 s6, s21;
	s25 =	simm.s32 @!p3 $0x0;
	[sflag:s24] =	ssyncadd.s32 $0xFFFFEC00  }
0x263: {  	[tilespmem:s25], [sflag:$0x3] =	stream.linear.gather @!p3 [hbm4b:s22+s25], $0x28, $0x38;
	[tilespmem:$0x1DA80] =	vst v63  }
0x264: {  	s22 =	simm.s32 @!p3 $0x3  }
0x265: {  	_ =	swait.ge @!p3 [sflag:s22], $0x28  }
0x266: {  	[sflag:s22] =	ssyncset.done @!p3 $0x0  }
0x267: {  	s21 =	sadd.s32 @!p3 s7, s21;
	s26 =	simm.s32 @!p3 $0x100;
	[sflag:s22] =	ssyncadd.s32 @!p3 $0xFFFFFFD8  }
0x268: {  	[tilespmem:s26], [sflag:$0x3] =	stream.linear.gather @!p3 [hbm4b:s21+s25], $0x28, $0x38;
	[tilespmem:$0x1DA80] =	vst v63  }
0x269: {  	_ =	swait.ge @!p3 [sflag:s22], $0x28  }
0x26a: {  	[sflag:s22] =	ssyncset.done @!p3 $0x0  }
0x26b: {  	[sflag:s22] =	ssyncadd.s32 @!p3 $0xFFFFFFD8  }
0x26c: {  	s16 =	sshll.u32 @!p3 s16, $0x4;
	s21 =	rddreg [dreg:$0x2]  }
0x26d: {  	s16 =	sadd.s32 @!p3 s21, s16;
	s21 =	simm.s32 @!p3 $0x5200  }
0x26e: {  	[tilespmem:s21], [sflag:$0x1] =	stream.linear.gather @!p3 [hbm4b:s16+s25], $0x1400, $0x38;
	[tilespmem:$0x1DA80] =	vst v63  }
0x26f: {  	s16 =	simm.s32 @!p3 $0x28;
	s21 =	simm.s32 @!p3 $0x200  }
0x270: {  	[tilespmem:s21], [sflag:$0x1] =	stream.indirect.gather @!p3 [hbm4b:s10+s16], $0x80, s25, s16, $0xb8;
	[tilespmem:$0x1DA80] =	vst v63  }
0x271: {  	s22 =	rddreg [dreg:$0x1];
	s21 =	simm.s32 @!p3 $0x2A00  }
0x272: {  	[tilespmem:s21], [sflag:$0x1] =	stream.indirect.gather @!p3 [hbm4b:s22+s16], $0x80, s26, s16, $0xb8;
	[tilespmem:$0x1DA80] =	vst v63  }
0x273: {  	s21 =	simm.s32 @!p3 $0x7A00  }
0x274: {  	[tilespmem:s21], [sflag:$0x1] =	stream.indirect.gather @!p3 [hbm4b:s8+s16], $0x80, s25, s16, $0xb8;
	[tilespmem:$0x1DA80] =	vst v63  }
0x275: {  	_ =	swait.ge [sflag:s31], $0x1400  }
0x276: {  	[sflag:s31] =	ssyncset.done $0x0  }
0x277: {  	[sflag:s31] =	ssyncadd.s32 $0xFFFFEC00  }
0x278: {  	_ =	swait.ge [sflag:s31], $0x1400  }
0x279: {  	[sflag:s31] =	ssyncset.done $0x0  }
0x27a: {  	[sflag:s31] =	ssyncadd.s32 $0xFFFFEC00  }
0x27b: {  	_ =	swait.ge [sflag:s31], $0x1400  }
0x27c: {  	[sflag:s31] =	ssyncset.done $0x0  }
0x27d: {  	[sflag:s31] =	ssyncadd.s32 $0xFFFFEC00  }
0x27e: {  	_ =	swait.ge [sflag:s31], $0x1400  }
0x27f: {  	[sflag:s31] =	ssyncset.done $0x0  }
0x280: {  	s21 =	simm.s32 $0x0;
	[sflag:s31] =	ssyncadd.s32 $0xFFFFEC00  }
0x281: {  	v0 =	vld [tilespmem:s21+$0x6660]  }
0x282: {  	v1 =	vld [tilespmem:s21+$0x3E40]  }
0x283: {  	v3 =	vld [tilespmem:s21+$0x3E30]  }
0x284: {  	v4 =	vld [tilespmem:s21+$0x1630]  }
0x285: {  	v5 =	vld [tilespmem:s21+$0x3E20]  }
0x286: {  	v6 =	vld [tilespmem:s21+$0x1620]  }
0x287: {  	v7 =	vld [tilespmem:s21+$0x3E10]  }
0x288: {  	v8 =	vld [tilespmem:s21+$0x1610]  }
0x289: {  	v9 =	vld [tilespmem:s21+$0x3E00]  }
0x28a: {  	v12 =	vld [tilespmem:s21+$0x1660]  }
0x28b: {  	v13 =	vld [tilespmem:s21+$0x3E60]  }
0x28c: {  	v14 =	vld [tilespmem:s21+$0x1670]  }
0x28d: {  	v15 =	vld [tilespmem:s21+$0x3E70]  }
0x28e: {  	v10 =	vld [tilespmem:s21+$0x1600]  }
0x28f: {  	v11 =	vld [tilespmem:s21+$0x6670]  }
0x290: {  	v16 =	vld [tilespmem:s21+$0x6600]  }
0x291: {  	v17 =	vld [tilespmem:s21+$0x6610]  }
0x292: {  	v19 =	vld [tilespmem:s21+$0x6630];
	v14 =	vadd.f32 v15, v14;
	v12 =	vadd.f32 v13, v12  }
0x293: {  	v18 =	vld [tilespmem:s21+$0x6620];
	v9 =	vadd.f32 v9, v10;
	v7 =	vadd.f32 v7, v8  }
0x294: {  	v13 =	vld [tilespmem:s21+$0x1650];
	v5 =	vadd.f32 v5, v6;
	v3 =	vadd.f32 v3, v4  }
0x295: {  	v15 =	vld [tilespmem:s21+$0x3E50];
	v11 =	vadd.f32 v11, v14;
	v8 =	vadd.f32 v16, v9  }
0x296: {  	v2 =	vld [tilespmem:s21+$0x1640];
	v0 =	vadd.f32 v0, v12;
	v6 =	vadd.f32 v17, v7  }
0x297: {  	v12 =	vld [tilespmem:s21+$0x6650];
	v3 =	vadd.f32 v19, v3;
	[tilespmem:s21+$0x6670] =	vst v11;
	v7 =	vsub.f32 $0.0e+00, v8  }
0x298: {  	[tilespmem:s21+$0x6610] =	vst v6;
	v6 =	vsub.f32 $0.0e+00, v6  }
0x299: {  	v5 =	vadd.f32 v18, v5;
	[tilespmem:s21+$0x6660] =	vst v0;
	v16 =	vsub.f32 $0.0e+00, v3;
	v7 =	vmul.f32 $1.442695020e+00, v7  }
0x29a: {  	v20 =	vld [tilespmem:s21+$0x6640];
	[tilespmem:s21+$0x6600] =	vst v8;
	v13 =	vadd.f32 v15, v13;
	v6 =	vmul.f32 $1.442695020e+00, v6  }
0x29b: {  	s22 =	simm.s32 $0x80;
	v10 =	vld [tilespmem:s21+$0x8E30];
	[tilespmem:s21+$0x6620] =	vst v5;
	v11 =	vsub.f32 $0.0e+00, v11;
	(erf) = vpow2.f32 v7;
	v7 =	vmul.f32 $1.442695020e+00, v16  }
0x29c: {  	v1 =	vadd.f32 v1, v2;
	v17 =	vld [tilespmem:s22+$0x6660];
	v12 =	vadd.f32 v12, v13;
	(erf) = vpow2.f32 v6  }
0x29d: {  	v5 =	vsub.f32 $0.0e+00, v5;
	v2 =	vmul.f32 $1.442695020e+00, v11;
	v13 =	vld [tilespmem:s22+$0x3E40];
	(erf) = vpow2.f32 v7  }
0x29e: {  	v0 =	vsub.f32 $0.0e+00, v0;
	v6 =	vld [tilespmem:s22+$0x1640];
	[tilespmem:s21+$0x6650] =	vst v12  }
0x29f: {  	v11 =	vld [tilespmem:s22+$0x3E30];
	[tilespmem:s21+$0x6630] =	vst v3;
	v3 =	vmul.f32 $1.442695020e+00, v5;
	v5 =	vsub.f32 $0.0e+00, v12;
	(erf) = vpow2.f32 v2  }
0x2a0: {  	v9 =	vld [tilespmem:s21+$0x8E00];
	v0 =	vmul.f32 $1.442695020e+00, v0  }
0x2a1: {  	v14 =	vld [tilespmem:s21+$0x8E70];
	v1 =	vadd.f32 v20, v1;
	(erf) = vpow2.f32 v3;
	v3 =	vmul.f32 $1.442695020e+00, v5  }
0x2a2: {  	v8 =	vld [tilespmem:s21+$0x8E10]  }
0x2a3: {  	v2 =	vld [tilespmem:s22+$0x1630];
	[tilespmem:s21+$0x6640] =	vst v1;
	v1 =	vsub.f32 $0.0e+00, v1  }
0x2a4: {  	v7 =	vld [tilespmem:s22+$0x3E20];
	(erf) = vpow2.f32 v0;
	v0 =	vpop (erf)  }
0x2a5: {  	v5 =	vld [tilespmem:s22+$0x1620];
	v1 =	vmul.f32 $1.442695020e+00, v1;
	(erf) = vpow2.f32 v3;
	v3 =	vpop (erf)  }
0x2a6: {  	v12 =	vld [tilespmem:s22+$0x3E10];
	v0 =	vadd.f32 $1.000000000e+00, v0;
	v50 =	vpop (erf)  }
0x2a7: {  	v16 =	vld [tilespmem:s22+$0x1610];
	(erf) = vpow2.f32 v1;
	v18 =	vadd.f32 $1.000000000e+00, v50  }
0x2a8: {  	v52 =	vld [tilespmem:s22+$0x6670];
	(erf) = vrcp.f32 v0;
	v51 =	vpop (erf)  }
0x2a9: {  	v53 =	vld [tilespmem:s22+$0x1660];
	v19 =	vadd.f32 $1.000000000e+00, v51;
	(erf) = vrcp.f32 v18  }
0x2aa: {  	v21 =	vld [tilespmem:s22+$0x3E60]  }
0x2ab: {  	v54 =	vld [tilespmem:s22+$0x1670];
	(erf) = vrcp.f32 v19  }
0x2ac: {  	v23 =	vld [tilespmem:s22+$0x3E70];
	v22 =	vpop (erf)  }
0x2ad: {  	v25 =	vld [tilespmem:s22+$0x6600];
	v22 =	vadd.f32 $1.000000000e+00, v22  }
0x2ae: {  	v27 =	vld [tilespmem:s22+$0x6610];
	v3 =	vadd.f32 $1.000000000e+00, v3;
	v24 =	vpop (erf)  }
0x2af: {  	v29 =	vld [tilespmem:s22+$0x6620];
	v26 =	vpop (erf);
	(erf) = vrcp.f32 v22  }
0x2b0: {  	v30 =	vld [tilespmem:s22+$0x6630];
	v24 =	vadd.f32 $1.000000000e+00, v24;
	v28 =	vpop (erf);
	(erf) = vrcp.f32 v3  }
0x2b1: {  	v31 =	vld [tilespmem:s22+$0x1650];
	v55 =	vpop (erf)  }
0x2b2: {  	v1 =	vld [tilespmem:s22+$0x3E00];
	(erf) = vrcp.f32 v24;
	v3 =	vmul.f32 v55, v9;
	v56 =	vpop (erf)  }
0x2b3: {  	v0 =	vld [tilespmem:s22+$0x1600];
	v10 =	vmul.f32 v56, v10  }
0x2b4: {  	v9 =	vld [tilespmem:s22+$0x6640];
	[tilespmem:s21+$0x8E00] =	vst v3;
	v3 =	vadd.f32 v23, v54;
	v57 =	vpop (erf)  }
0x2b5: {  	v6 =	vadd.f32 v13, v6;
	v58 =	vld [tilespmem:s22+$0x3E50];
	v14 =	vmul.f32 v57, v14;
	[tilespmem:s21+$0x8E30] =	vst v10;
	v10 =	vadd.f32 v21, v53  }
0x2b6: {  	v15 =	vld [tilespmem:s21+$0x8E60];
	v59 =	vadd.f32 v52, v3;
	v3 =	vadd.f32 $1.000000000e+00, v26  }
0x2b7: {  	v60 =	vld [tilespmem:s22+$0x6650];
	[tilespmem:s21+$0x8E70] =	vst v14;
	v14 =	vadd.f32 v17, v10;
	v10 =	vadd.f32 $1.000000000e+00, v28  }
0x2b8: {  	v2 =	vadd.f32 v11, v2;
	v0 =	vadd.f32 v1, v0;
	v17 =	vpop (erf);
	(erf) = vrcp.f32 v3  }
0x2b9: {  	v4 =	vld [tilespmem:s21+$0x8E20];
	v5 =	vadd.f32 v7, v5;
	v3 =	vadd.f32 v12, v16;
	v1 =	vpop (erf);
	(erf) = vrcp.f32 v10  }
0x2ba: {  	v6 =	vadd.f32 v9, v6;
	[tilespmem:s22+$0x6670] =	vst v59;
	v1 =	vmul.f32 v1, v8;
	v10 =	vadd.f32 v25, v0  }
0x2bb: {  	v9 =	vsub.f32 $0.0e+00, v59;
	v61 =	vld [tilespmem:s21+$0x8E40];
	[tilespmem:s22+$0x6660] =	vst v14;
	v8 =	vpop (erf);
	v11 =	vadd.f32 v27, v3  }
0x2bc: {  	v0 =	vld [tilespmem:s22+$0x8E30];
	v12 =	vmul.f32 v8, v15;
	v8 =	vadd.f32 v29, v5;
	[tilespmem:s21+$0x8E10] =	vst v1;
	v1 =	vsub.f32 $0.0e+00, v10  }
0x2bd: {  	v5 =	vadd.f32 v30, v2;
	v13 =	vsub.f32 $0.0e+00, v11  }
0x2be: {  	v4 =	vmul.f32 v17, v4;
	v7 =	vld [tilespmem:s21+$0x8E50];
	v2 =	vmul.f32 $1.442695020e+00, v1  }
0x2bf: {  	v3 =	vld [tilespmem:s22+$0x8E00];
	[tilespmem:s21+$0x8E60] =	vst v12;
	v12 =	vsub.f32 $0.0e+00, v8;
	v15 =	vsub.f32 $0.0e+00, v5;
	v16 =	vmul.f32 $1.442695020e+00, v13  }
0x2c0: {  	v1 =	vld [tilespmem:s22+$0x8E70];
	[tilespmem:s21+$0x8E20] =	vst v4;
	v4 =	vsub.f32 $0.0e+00, v6;
	v13 =	vmul.f32 $1.442695020e+00, v9;
	(erf) = vpow2.f32 v2  }
0x2c1: {  	v62 =	vadd.f32 v58, v31;
	v12 =	vmul.f32 $1.442695020e+00, v12;
	v17 =	vmul.f32 $1.442695020e+00, v15;
	v9 =	vpop (erf)  }
0x2c2: {  	[tilespmem:s22+$0x6600] =	vst v10;
	v15 =	vsub.f32 $0.0e+00, v14;
	v2 =	vld [tilespmem:s22+$0x8E20];
	v10 =	vmul.f32 $1.442695020e+00, v4;
	v63 =	vpop (erf);
	(erf) = vpow2.f32 v16  }
0x2c3: {  	s16 =	simm.s32 $0x400;
	[tilespmem:s22+$0x6610] =	vst v11;
	v11 =	vadd.f32 v60, v62;
	v4 =	vld [tilespmem:s22+$0x8E10];
	(erf) = vpow2.f32 v17;
	v14 =	vmul.f32 v63, v61  }
.LBB2_6:
0x2c4: {  	s25 =	sshra.s32 s16, $0x2;
	p3 =	sne.s32 s16, $0x4E00;
	s16 =	sadd.s32 $0x200, s16;
	[tilespmem:s22+$0x6620] =	vst v8;
	v16 =	vld [tilespmem:s22+$0x8E60];
	(erf) = vpow2.f32 v13;
	v7 =	vmul.f32 v9, v7  }
0x2c5: {  	v13 =	vmul.f32 $1.442695020e+00, v15;
	v8 =	vld [tilespmem:s25+$0x6660];
	v9 =	vsub.f32 $0.0e+00, v11;
	(erf) = vpow2.f32 v12;
	[tilespmem:s21+$0x8E40] =	vst v14  }
0x2c6: {  	v12 =	vld [tilespmem:s25+$0x3E40];
	[tilespmem:s21+$0x8E50] =	vst v7;
	s21 =	smov.u32 s22;
	s22 =	smov.u32 s25  }
0x2c7: {  	v7 =	vld [tilespmem:s22+$0x1640];
	[tilespmem:s21+$0x6650] =	vst v11;
	v9 =	vmul.f32 $1.442695020e+00, v9;
	(erf) = vpow2.f32 v13  }
0x2c8: {  	v11 =	vld [tilespmem:s22+$0x3E30];
	[tilespmem:s21+$0x6630] =	vst v5  }
0x2c9: {  	v5 =	vld [tilespmem:s22+$0x1630];
	[tilespmem:s21+$0x6640] =	vst v6;
	v6 =	vpop (erf);
	(erf) = vpow2.f32 v9  }
0x2ca: {  	v9 =	vld [tilespmem:s22+$0x3E20];
	v6 =	vadd.f32 $1.000000000e+00, v6  }
0x2cb: {  	v13 =	vld [tilespmem:s22+$0x1620];
	v14 =	vpop (erf)  }
0x2cc: {  	v15 =	vld [tilespmem:s22+$0x3E10];
	v14 =	vadd.f32 $1.000000000e+00, v14;
	v17 =	vpop (erf);
	(erf) = vpow2.f32 v10  }
0x2cd: {  	v10 =	vld [tilespmem:s22+$0x1610];
	v21 =	vadd.f32 $1.000000000e+00, v17;
	v18 =	vpop (erf)  }
0x2ce: {  	v19 =	vld [tilespmem:s22+$0x3E00];
	v18 =	vadd.f32 $1.000000000e+00, v18;
	(erf) = vrcp.f32 v6;
	v6 =	vpop (erf)  }
0x2cf: {  	v20 =	vld [tilespmem:s22+$0x1600];
	v6 =	vadd.f32 $1.000000000e+00, v6;
	(erf) = vrcp.f32 v21  }
0x2d0: {  	v9 =	vadd.f32 v9, v13;
	v13 =	vld [tilespmem:s22+$0x6670];
	v17 =	vpop (erf);
	(erf) = vrcp.f32 v18  }
0x2d1: {  	v5 =	vadd.f32 v11, v5;
	v11 =	vld [tilespmem:s22+$0x1660];
	v17 =	vadd.f32 $1.000000000e+00, v17;
	(erf) = vrcp.f32 v6  }
0x2d2: {  	v6 =	vld [tilespmem:s22+$0x3E60];
	(erf) = vrcp.f32 v14;
	v14 =	vpop (erf)  }
0x2d3: {  	v7 =	vadd.f32 v12, v7;
	v12 =	vld [tilespmem:s22+$0x1670];
	v14 =	vadd.f32 $1.000000000e+00, v14;
	(erf) = vrcp.f32 v17  }
0x2d4: {  	v17 =	vadd.f32 v19, v20;
	v18 =	vld [tilespmem:s22+$0x3E70]  }
0x2d5: {  	v19 =	vld [tilespmem:s22+$0x6600];
	v20 =	vpop (erf);
	(erf) = vrcp.f32 v14  }
0x2d6: {  	v14 =	vld [tilespmem:s22+$0x6610];
	v20 =	vadd.f32 $1.000000000e+00, v20  }
0x2d7: {  	v21 =	vld [tilespmem:s22+$0x6620];
	v6 =	vadd.f32 v6, v11;
	v11 =	vpop (erf)  }
0x2d8: {  	v22 =	vld [tilespmem:s22+$0x6630];
	v23 =	vmul.f32 v11, v3;
	v11 =	vpop (erf);
	(erf) = vrcp.f32 v20  }
0x2d9: {  	v10 =	vadd.f32 v15, v10;
	v15 =	vld [tilespmem:s22+$0x6640];
	v12 =	vadd.f32 v18, v12;
	v20 =	vmul.f32 v11, v0;
	v11 =	vpop (erf)  }
0x2da: {  	v17 =	vadd.f32 v19, v17;
	v18 =	vld [tilespmem:s22+$0x1650];
	v19 =	vadd.f32 v8, v6;
	[tilespmem:s21+$0x8E00] =	vst v23;
	v1 =	vmul.f32 v11, v1;
	v3 =	vpop (erf)  }
0x2db: {  	v11 =	vadd.f32 v14, v10;
	v10 =	vld [tilespmem:s22+$0x3E50];
	v12 =	vadd.f32 v13, v12;
	v2 =	vmul.f32 v3, v2;
	[tilespmem:s21+$0x8E30] =	vst v20;
	v0 =	vpop (erf)  }
0x2dc: {  	v3 =	vsub.f32 $0.0e+00, v17;
	v8 =	vadd.f32 v21, v9;
	v14 =	vld [tilespmem:s22+$0x6650];
	v4 =	vmul.f32 v0, v4;
	[tilespmem:s21+$0x8E70] =	vst v1;
	v0 =	vpop (erf)  }
0x2dd: {  	v1 =	vsub.f32 $0.0e+00, v11;
	v5 =	vadd.f32 v22, v5;
	[tilespmem:s22+$0x6670] =	vst v12;
	v20 =	vld [tilespmem:s21+$0x8E40];
	v16 =	vmul.f32 v0, v16  }
0x2de: {  	v12 =	vsub.f32 $0.0e+00, v12;
	v23 =	vmul.f32 $1.442695020e+00, v3;
	v6 =	vadd.f32 v15, v7;
	[tilespmem:s22+$0x6660] =	vst v19;
	v7 =	vld [tilespmem:s21+$0x8E50];
	v9 =	vpop (erf)  }
.Ltmp9:
0x2df: {  	v22 =	vmul.f32 $1.442695020e+00, v1;
	v1 =	vsub.f32 $0.0e+00, v8;
	v15 =	vsub.f32 $0.0e+00, v5;
	v0 =	vld [tilespmem:s22+$0x8E30];
	[tilespmem:s21+$0x8E10] =	vst v4;
	(pc) =	sbr.rel @p3 .LBB2_6-.Ltmp9, $4  }
0x2e0: {  	v13 =	vmul.f32 $1.442695020e+00, v12;
	v3 =	vld [tilespmem:s22+$0x8E00];
	v4 =	vsub.f32 $0.0e+00, v6;
	(erf) = vpow2.f32 v23;
	[tilespmem:s21+$0x8E60] =	vst v16  }
0x2e1: {  	v18 =	vadd.f32 v10, v18;
	v12 =	vmul.f32 $1.442695020e+00, v1;
	v16 =	vmul.f32 $1.442695020e+00, v15;
	v1 =	vld [tilespmem:s22+$0x8E70];
	[tilespmem:s21+$0x8E20] =	vst v2;
	v21 =	vpop (erf)  }
0x2e2: {  	v15 =	vsub.f32 $0.0e+00, v19;
	[tilespmem:s22+$0x6600] =	vst v17;
	v2 =	vld [tilespmem:s22+$0x8E20];
	v10 =	vmul.f32 $1.442695020e+00, v4;
	(erf) = vpow2.f32 v22  }
0x2e3: {  	[tilespmem:s22+$0x6610] =	vst v11;
	v4 =	vld [tilespmem:s22+$0x8E10];
	v11 =	vadd.f32 v14, v18;
	(erf) = vpow2.f32 v16;
	v14 =	vmul.f32 v21, v20  }
0x2e4: {  	_ =	sdelay $0x1  }
0x2e5: {  	(erf) = vpow2.f32 v13;
	v37 =	vsub.f32 $0.0e+00, v11  }
0x2e6: {  	v15 =	vmul.f32 $1.442695020e+00, v15;
	(erf) = vpow2.f32 v12  }
0x2e7: {  	v38 =	vmul.f32 $1.442695020e+00, v37  }
0x2e8: {  	(erf) = vpow2.f32 v15  }
0x2e9: {  	v39 =	vpop (erf);
	(erf) = vpow2.f32 v38  }
0x2ea: {  	v40 =	vpop (erf);
	(erf) = vpow2.f32 v10  }
0x2eb: {  	v13 =	vadd.f32 $1.000000000e+00, v39;
	_ =	sdelay $0x1  }
0x2ec: {  	v41 =	vpop (erf);
	(erf) = vrcp.f32 v13  }
0x2ed: {  	v42 =	vadd.f32 $1.000000000e+00, v41;
	v43 =	vpop (erf)  }
0x2ee: {  	v15 =	vadd.f32 $1.000000000e+00, v43;
	v44 =	vpop (erf)  }
0x2ef: {  	(erf) = vrcp.f32 v42;
	v10 =	vadd.f32 $1.000000000e+00, v44  }
0x2f0: {  	v45 =	vadd.f32 $1.000000000e+00, v40;
	v46 =	vpop (erf);
	(erf) = vrcp.f32 v15  }
0x2f1: {  	v48 =	vadd.f32 $1.000000000e+00, v46;
	(erf) = vrcp.f32 v10;
	v49 =	vpop (erf)  }
0x2f2: {  	(erf) = vrcp.f32 v45;
	v50 =	vadd.f32 $1.000000000e+00, v49;
	v51 =	vpop (erf)  }
0x2f3: {  	(erf) = vrcp.f32 v48;
	v52 =	vadd.f32 $1.000000000e+00, v51  }
0x2f4: {  	[tilespmem:s22+$0x6620] =	vst v8;
	v7 =	vmul.f32 v9, v7;
	(erf) = vrcp.f32 v50  }
0x2f5: {  	v47 =	vld [tilespmem:s22+$0x8E60];
	[tilespmem:s21+$0x8E40] =	vst v14;
	v53 =	vpop (erf);
	(erf) = vrcp.f32 v52  }
0x2f6: {  	[tilespmem:s21+$0x8E50] =	vst v7  }
0x2f7: {  	[tilespmem:s22+$0x6650] =	vst v11  }
0x2f8: {  	[tilespmem:s22+$0x6630] =	vst v5;
	v3 =	vmul.f32 v53, v3;
	v54 =	vpop (erf)  }
0x2f9: {  	[tilespmem:s22+$0x6640] =	vst v6;
	v59 =	vld [tilespmem:s22+$0x8E50];
	v0 =	vmul.f32 v54, v0;
	v55 =	vpop (erf)  }
0x2fa: {  	v57 =	vld [tilespmem:s22+$0x8E40];
	[tilespmem:s22+$0x8E00] =	vst v3;
	v1 =	vmul.f32 v55, v1;
	v56 =	vpop (erf)  }
0x2fb: {  	[tilespmem:s22+$0x8E30] =	vst v0;
	v58 =	vpop (erf);
	v0 =	vmul.f32 v56, v2  }
0x2fc: {  	[tilespmem:s22+$0x8E70] =	vst v1;
	v3 =	vmul.f32 v58, v4;
	v60 =	vpop (erf)  }
0x2fd: {  	[tilespmem:s22+$0x8E20] =	vst v0;
	v4 =	vmul.f32 v60, v47;
	v61 =	vpop (erf)  }
0x2fe: {  	[tilespmem:s22+$0x8E10] =	vst v3;
	v63 =	vmul.f32 v61, v59;
	v62 =	vpop (erf)  }
0x2ff: {  	[tilespmem:s22+$0x8E60] =	vst v4;
	v1 =	vmul.f32 v62, v57  }
0x300: {  	[tilespmem:s22+$0x8E50] =	vst v63  }
0x301: {  	s1 =	sadd.s32 s14, s1;
	[tilespmem:s22+$0x8E40] =	vst v1  }
0x302: {  	[hbm4b:s1+s4] =	stream.linear.scatter [tilespmem:s20], [sflag:$0x3], $0x1400, $0x38;
	[tilespmem:$0x1DA80] =	vst v63  }
0x303: {  	s2 =	sadd.s32 $0x1, s2;
	_ =	swait.ge [sflag:s24], $0x1400  }
0x304: {  	p3 =	sne.s32 s2, $0x7D;
	[sflag:s24] =	ssyncset.done $0x0  }
.Ltmp10:
0x305: {  	[sflag:s24] =	ssyncadd.s32 $0xFFFFEC00;
	(pc) =	sbr.rel @p3 .LBB2_3-.Ltmp10, $4  }
0x306: {  	[spmem:s3] =	stream.indirect.scatter.add.f32 [tilespmem:s23], [sflag:$0x3], $0x80, s19, s28, $0xb8;
	[tilespmem:$0x1DA80] =	vst v63  }
0x307: {  	_ =	swait.ge [sflag:s24], $0x1400  }
0x308: {  	[sflag:s24] =	ssyncset.done $0x0  }
0x309: {  	[sflag:s24] =	ssyncadd.s32 $0xFFFFEC00  }
0x30a: {  	[bflag:$0x0] =	sbarrier.arrive $0xFFFF  }
0x30b: {  	s1 =	rddreg [dreg:$0xe]  }
0x30c: {  	s16 =	rddreg [dreg:$0x11]  }
0x30d: {  	s2 =	rddreg [dreg:$0x14]  }
0x30e: {  	[hbm:s1], [sflag:s16] =	dma.local [spmem:s2], $0x2700  }
.Ltmp11:
0x30f: {  	_ = 	snop;
	(pc) =	sbr.rel @p2 .LBB2_16-.Ltmp11, $4  }
.Ltmp12:
0x310: {  	_ = 	snop;
	(pc) =	sbr.rel @!p2 .LBB2_17-.Ltmp12, $4  }
0x311: {  	_ =	swait.ge [sflag:s24], $0x2700  }
0x312: {  	[sflag:s24] =	ssyncset.done $0x0;
	s1 =	rddreg [dreg:$0x5]  }
0x313: {  	s21 =	rddreg [dreg:$0x13];
	[sflag:s24] =	ssyncadd.s32 $0xFFFFD900  }
0x314: {  	_ = 	snop  }
.LBB2_18:
0x315: {  	_ =	sfence.sel $0x180000  }
0x316: {  	[bflag:$0x0] =	sbarrier.arrive $0xFFFF  }
0x317: {  	_ =	strace $0x90000047  }
0x318: {  	s0 =	stileid.u32;
	[bflag:$0x2] =	sbarrier.arrive $0xFFFF  }
0x319: {  	p0 =	sne.s32 s0, $0x0;
	s0 =	rddreg [dreg:$0x4]  }
0x31a: {  	s0 =	sadd.s32 @!p0 $0x100000, s0  }
0x31b: {  	[sflag:s0] =	ssyncadd.tile.s32 @!p0 $0x1;
	_ =	shalt  }
.Lfunc_end2:
_tile_overlayer_lowered:
.L_overlay_start_2:
0x31c: {  	(tag) =	ssettag $0x2  }
0x31d: {  	s0 =	rddreg [dreg:$0x0];
	s2 =	stileid.u32  }
0x31e: {  	s1 =	rddreg [dreg:$0x1];
	p0 =	sne.s32 s2, $0x0  }
0x31f: {  	s3 =	rddreg [dreg:$0x2];
	[bflag:$0x3] =	sbarrier.arrive $0xFFFF;
	s2 =	simm.s32 @!p0 $0x1C03  }
0x320: {  	[timem:s3], [sflag:s2] =	dma.local @!p0 [hbm:s0], s1  }
0x321: {  	s0 =	simm.s32 @!p0 $0x3  }
0x322: {  	_ =	swait.ge @!p0 [sflag:s0], s1  }
0x323: {  	s1 =	ssub.s32 @!p0 $0x0, s1;
	[sflag:s0] =	ssyncset.done @!p0 $0x0  }
0x324: {  	[sflag:s0] =	ssyncadd.s32 @!p0 s1  }
0x325: {  	[bflag:$0x3] =	sbarrier.arrive $0xFFFF  }
0x326: {  	_ =	shalt  }

</sc_bundles>
